<compile_context>
chip_gen: v7x
topology: tpu7x:2x2x1
jax: 0.10.2.dev20260603
libtpu: 0.0.44.dev20260713+nightly
codegen_flags: <defaults>
</compile_context>

<pallas_src>
import functools

import jax
import jax.numpy as jnp
from jax import lax
from jax.experimental import pallas as pl
from jax.experimental.pallas import tpu as pltpu
from jax.experimental.pallas import tpu_sc as plsc

B = 64
L = 50
D = 64
H = 64
N = B * L
NEG_FILL = -1e9


@functools.cache
def _sc_gather4():
  info = plsc.get_sparse_core_info()
  nc, ns = info.num_cores, info.num_subcores
  nw = nc * ns
  mesh = plsc.VectorSubcoreMesh(core_axis_name="c", subcore_axis_name="s")
  out = jax.ShapeDtypeStruct((D, N), jnp.float32)
  i32 = jnp.int32

  @functools.partial(
      pl.kernel,
      out_type=(out, out, out, out),
      mesh=mesh,
      scratch_types=[
          pltpu.VMEM((1, 100000), jnp.float32),
          pltpu.VMEM((1, 10000), jnp.float32),
          pltpu.VMEM((2, N), jnp.int32),
          pltpu.VMEM((4, N), jnp.float32),
          pltpu.SemaphoreType.DMA,
          pltpu.SemaphoreType.DMA,
          pltpu.SemaphoreType.DMA,
      ],
      compiler_params=pltpu.CompilerParams(needs_layout_passes=False),
  )
  def gather4(ag_t, ct_t, agid_flat, ctid_flat,
              o_ag_lb, o_ag_bl, o_ct_lb, o_ct_bl,
              agbuf, ctbuf, idx_v, stage, sem_ag, sem_ct, sem_out):
    wid = lax.axis_index("s") * nc + lax.axis_index("c")
    pltpu.sync_copy(agid_flat, idx_v.at[0])
    pltpu.sync_copy(ctid_flat, idx_v.at[1])
    zeros16 = jnp.zeros((16,), i32)
    iota = lax.broadcasted_iota(i32, (16,), 0)

    def gather_row(buf, kk, srow):
      kkv = jnp.full((16,), kk, i32)

      def chunk(j, carry):
        p0 = j * 16
        sl = pl.ds(p0, 16)
        p = iota + p0
        bl_idx = idx_v[kk, sl]
        lb_pos = (p & (B - 1)) * L + (p >> 6)
        lb_idx = plsc.load_gather(idx_v, [kkv, lb_pos])
        stage[srow, sl] = plsc.load_gather(buf, [zeros16, lb_idx])
        stage[srow + 1, sl] = plsc.load_gather(buf, [zeros16, bl_idx])
        return carry

      lax.fori_loop(0, N // 16, chunk, 0)

    def out_pair(srow, o_lb, o_bl, c):
      h1 = pltpu.async_copy(stage.at[pl.ds(srow, 1)],
                            o_lb.at[pl.ds(c, 1), :], sem_out)
      h2 = pltpu.async_copy(stage.at[pl.ds(srow + 1, 1)],
                            o_bl.at[pl.ds(c, 1), :], sem_out)
      return h1, h2

    c1, c2 = wid, wid + nw
    cp_ag = pltpu.async_copy(ag_t.at[pl.ds(c1, 1), :], agbuf, sem_ag)
    cp_ct = pltpu.async_copy(ct_t.at[pl.ds(c1, 1), :], ctbuf, sem_ct)
    cp_ag.wait()
    gather_row(agbuf, 0, 0)
    cp_ag2 = pltpu.async_copy(ag_t.at[pl.ds(c2, 1), :], agbuf, sem_ag)
    oa1, oa2 = out_pair(0, o_ag_lb, o_ag_bl, c1)
    cp_ct.wait()
    gather_row(ctbuf, 1, 2)
    cp_ct2 = pltpu.async_copy(ct_t.at[pl.ds(c2, 1), :], ctbuf, sem_ct)
    oc1, oc2 = out_pair(2, o_ct_lb, o_ct_bl, c1)
    cp_ag2.wait()
    oa1.wait()
    oa2.wait()
    gather_row(agbuf, 0, 0)
    oa1, oa2 = out_pair(0, o_ag_lb, o_ag_bl, c2)
    cp_ct2.wait()
    oc1.wait()
    oc2.wait()
    gather_row(ctbuf, 1, 2)
    oc1, oc2 = out_pair(2, o_ct_lb, o_ct_bl, c2)
    oa1.wait()
    oa2.wait()
    oc1.wait()
    oc2.wait()

  return gather4


def _tc_body(ag_lb, ct_lb, ag_bl, ct_bl,
             ts_bl, ts_t1_bl, agid_bl, agid_t1_bl, click_bt, clk_col,
             qn_bl, posq_bt,
             w1a, w1c, b1, w2, b2, act, wih, whh, bih, bhh,
             out_ref):
  f32 = jnp.float32
  dn_t = (((0,), (0,)), ((), ()))

  def mlp(a_t, c_t):
    h1 = jnp.maximum(
        lax.dot_general(a_t, w1a[...], dn_t, preferred_element_type=f32)
        + lax.dot_general(c_t, w1c[...], dn_t, preferred_element_type=f32)
        + b1[...], 0.0)
    return jnp.dot(h1, w2[...], preferred_element_type=f32) + b2[...]

  ad_lb = mlp(ag_lb[...], ct_lb[...])
  ad_bl = mlp(ag_bl[...], ct_bl[...])

  tblv = act[...]
  row = lax.broadcasted_iota(jnp.int32, (3, 1), 0)
  tblv = jnp.where(row == 1, 0.0, tblv)
  nrm = jnp.sqrt(jnp.sum(tblv * tblv, axis=1, keepdims=True))
  tblv = tblv * jnp.minimum(1.0, 1.0 / jnp.maximum(nrm, 1e-12))
  clkc = clk_col[...]
  act_emb = (jnp.where(clkc == -1, 1.0, 0.0) * tblv[0:1, :]
             + jnp.where(clkc == 1, 1.0, 0.0) * tblv[2:3, :])

  x = ad_lb + act_emb
  gi = jnp.dot(x, wih[...], preferred_element_type=f32) + bih[...]
  gi3 = gi.reshape(L, B, 3 * H)

  whh_v = whh[...]
  bhh_v = bhh[...]

  h = jnp.zeros((B, H), f32)
  hs = []
  for t in range(L - 1):
    g_i = gi3[t]
    gh = jnp.dot(h, whh_v, preferred_element_type=f32) + bhh_v
    r = jax.nn.sigmoid(g_i[:, 0:H] + gh[:, 0:H])
    z = jax.nn.sigmoid(g_i[:, H:2 * H] + gh[:, H:2 * H])
    nn = jnp.tanh(g_i[:, 2 * H:] + r * gh[:, 2 * H:])
    h = (1.0 - z) * nn + z * h
    hs.append(h)

  pos = jnp.stack(hs, axis=0)
  target = ad_lb.reshape(L, B, D)[1:]
  pos_logits = (jnp.sum(pos * target, axis=2).T
                - jnp.log(posq_bt[...] + 1e-9))

  P3 = ad_bl.reshape(L, B, D)
  dots = lax.dot_general(P3, pos, (((2,), (2,)), ((1,), (1,))),
                         preferred_element_type=f32)
  vals = dots - jnp.log(qn_bl[...] + 1e-9)
  keep = ((ts_t1_bl[...] >= ts_bl[...])
          & (agid_t1_bl[...] != agid_bl[...]))
  vals = jnp.where(keep, vals, NEG_FILL)
  m = jnp.maximum(jnp.max(vals, axis=1), pos_logits)
  s = (jnp.sum(jnp.exp(vals - m[:, None, :]), axis=1)
       + jnp.exp(pos_logits - m))
  per_row = m + jnp.log(s) - pos_logits
  click = click_bt[...] == 1
  n_click = jnp.sum(jnp.where(click, 1.0, 0.0))
  out_ref[0, 0] = jnp.sum(jnp.where(click, per_row, 0.0)) / n_click


def _tc_call(*args):
  f32 = jnp.float32
  return pl.pallas_call(
      _tc_body,
      out_shape=jax.ShapeDtypeStruct((1, 1), f32),
      out_specs=pl.BlockSpec(memory_space=pltpu.SMEM),
  )(*args)


def kernel(user_id, adgroup_id, cate_id, is_click, timestamp, is_padding,
           rel_ad_freqs, user_table, user_w1, user_b1, user_w2, user_b2,
           ad_adgroup_table, ad_cate_table, ad_w1, ad_b1, ad_w2, ad_b2,
           action_table, w_ih, w_hh, b_ih, b_hh):
  i32 = jnp.int32
  f32 = jnp.float32

  ag_lb, ag_bl, ct_lb, ct_bl = _sc_gather4()(
      ad_adgroup_table.astype(f32).T, ad_cate_table.astype(f32).T,
      adgroup_id.reshape(-1).astype(i32), cate_id.reshape(-1).astype(i32))

  ts = timestamp.astype(i32)
  agid = adgroup_id.astype(i32)
  clk = is_click.astype(i32)
  q = rel_ad_freqs.astype(f32)

  rowmask = (clk == -1) & jnp.logical_not(is_padding)
  qn_masked = jnp.where(rowmask, q.reshape(-1).reshape(L, B).T, jnp.inf)

  loss2d = _tc_call(
      ag_lb, ct_lb, ag_bl, ct_bl,
      ts.reshape(B, L, 1), ts[:, 1:].reshape(B, 1, L - 1),
      agid.reshape(B, L, 1), agid[:, 1:].reshape(B, 1, L - 1),
      clk[:, 1:], clk.T.reshape(N, 1),
      qn_masked.reshape(B, L, 1),
      q[:, 1:],
      ad_w1[:D].astype(f32), ad_w1[D:].astype(f32), ad_b1.reshape(1, -1),
      ad_w2.astype(f32), ad_b2.reshape(1, -1), action_table.astype(f32),
      w_ih.astype(f32), w_hh.astype(f32),
      b_ih.reshape(1, -1), b_hh.reshape(1, -1))
  return loss2d[0, 0]

# --- scband reference (transcript-rebuilt; emitter-appended) ---
"""Pipeline reference for scband-rnnseq-model-33148557591074 (READ-ONLY COPY).

The authoritative reference and input builder live on the scoring server;
editing this copy changes nothing except your own understanding.
"""

import jax, jax.numpy as jnp
import numpy as np

B, L, D, H = 64, 50, 64, 64
N_USERS = 100000
N_ADGROUP = 100000
N_CATE = 10000


def _mlp(x, w1, b1, w2, b2):
    return jax.nn.relu(x @ w1 + b1) @ w2 + b2


def _gru(x, w_ih, w_hh, b_ih, b_hh):
    h0 = jnp.zeros((x.shape[0], w_hh.shape[0]), x.dtype)
    def step(h, xt):
        gi = xt @ w_ih + b_ih
        gh = h @ w_hh + b_hh
        i_r, i_z, i_n = jnp.split(gi, 3, axis=-1)
        h_r, h_z, h_n = jnp.split(gh, 3, axis=-1)
        r = jax.nn.sigmoid(i_r + h_r)
        z = jax.nn.sigmoid(i_z + h_z)
        n = jnp.tanh(i_n + r * h_n)
        h2 = (1.0 - z) * n + z * h
        return h2, h2
    _, ys = jax.lax.scan(step, h0, jnp.swapaxes(x, 0, 1))
    return jnp.swapaxes(ys, 0, 1)


def setup_inputs(seed: int = 0):
    key = jax.random.key(seed)
    ks = jax.random.split(key, 24)
    s = 0.05
    inp = {}
    inp['user_id'] = jax.random.randint(ks[0], (B,), 0, N_USERS)
    inp['adgroup_id'] = jax.random.randint(ks[1], (B, L), 0, N_ADGROUP)
    inp['cate_id'] = jax.random.randint(ks[2], (B, L), 0, N_CATE)
    inp['is_click'] = jax.random.randint(ks[3], (B, L), 0, 3) - 1
    inp['timestamp'] = jnp.sort(jax.random.randint(ks[4], (B, L), 0, 100000), axis=-1)
    inp['is_padding'] = jnp.zeros((B, L), dtype=bool)
    inp['rel_ad_freqs'] = jax.random.uniform(ks[5], (B, L), minval=1e-4, maxval=1.0)
    inp['user_table'] = jax.random.normal(ks[6], (N_USERS, H)) * s
    inp['user_w1'] = jax.random.normal(ks[7], (H, 128)) * s
    inp['user_b1'] = jnp.zeros((128,))
    inp['user_w2'] = jax.random.normal(ks[8], (128, H)) * s
    inp['user_b2'] = jnp.zeros((H,))
    inp['ad_adgroup_table'] = jax.random.normal(ks[9], (N_ADGROUP, D)) * s
    inp['ad_cate_table'] = jax.random.normal(ks[10], (N_CATE, D)) * s
    inp['ad_w1'] = jax.random.normal(ks[11], (2 * D, 128)) * s
    inp['ad_b1'] = jnp.zeros((128,))
    inp['ad_w2'] = jax.random.normal(ks[12], (128, D)) * s
    inp['ad_b2'] = jnp.zeros((D,))
    inp['action_table'] = jax.random.normal(ks[13], (3, D)) * s
    inp['w_ih'] = jax.random.normal(ks[14], (D, 3 * H)) * s
    inp['w_hh'] = jax.random.normal(ks[15], (H, 3 * H)) * s
    inp['b_ih'] = jnp.zeros((3 * H,))
    inp['b_hh'] = jnp.zeros((3 * H,))
    return inp


def reference(user_id, adgroup_id, cate_id, is_click, timestamp, is_padding, rel_ad_freqs, user_table, user_w1, user_b1, user_w2, user_b2, ad_adgroup_table, ad_cate_table, ad_w1, ad_b1, ad_w2, ad_b2, action_table, w_ih, w_hh, b_ih, b_hh):
    # UserIdTower (computed as in the original forward, though unused by the loss)
    user_emb = _mlp(jnp.take(user_table, user_id, axis=0), user_w1, user_b1, user_w2, user_b2)
    # AdTower: embed categorical feats, concat, MLP -> rnn_input_size
    ad_in = jnp.concatenate([jnp.take(ad_adgroup_table, adgroup_id, axis=0), jnp.take(ad_cate_table, cate_id, axis=0)], axis=-1)
    ad_emb = _mlp(ad_in, ad_w1, ad_b1, ad_w2, ad_b2)  # [B, L, D]
    # action embedding with padding_idx=1 and max_norm=1
    action = is_click + 1
    tbl = action_table.at[1].set(0.0)
    norms = jnp.linalg.norm(tbl, axis=1, keepdims=True)
    tbl = tbl * jnp.minimum(1.0, 1.0 / jnp.maximum(norms, 1e-12))
    action_emb = jnp.take(tbl, action, axis=0)
    input_emb = ad_emb + action_emb
    # in-batch negative mask [B, L-1, L]
    mask = ((~is_padding)[:, None, :]
            & (timestamp[:, :, None] >= timestamp[:, None, :])
            & (adgroup_id[:, :, None] != adgroup_id[:, None, :])
            & (is_click == -1)[:, None, :])[:, 1:, :]
    idx = jnp.arange(B)
    pne = jnp.zeros((B, L - 1, L, B), dtype=bool).at[idx, :, :, idx].set(mask)
    shifted = (is_click == 1)[:, 1:]
    click_mask = shifted.reshape(-1)
    model_output = _gru(input_emb, w_ih, w_hh, b_ih, b_hh)[:, :-1, :]
    pos_neg_mask = pne.reshape(B * (L - 1), L * B).astype(jnp.float32)
    target_emb = ad_emb[:, 1:, :].reshape(B * (L - 1), D)
    pos_emb = model_output.reshape(B * (L - 1), H)
    q = rel_ad_freqs.astype(jnp.float32)
    neg_emb = ad_emb.reshape(-1, D)
    pos_q = q[:, 1:].reshape(-1)
    neg_q = q.reshape(-1)
    # sampled softmax with logQ correction
    pos_logits = jnp.sum(pos_emb * target_emb, axis=-1) - jnp.log(pos_q + 1e-9)
    neg_logits = pos_emb @ neg_emb.T - jnp.log(neg_q + 1e-9)[None, :]
    neg_logits = jnp.where(pos_neg_mask > 0, neg_logits, -1e9)
    all_logits = jnp.concatenate([pos_logits[:, None], neg_logits], axis=1)
    per_row = -pos_logits + jax.nn.logsumexp(all_logits, axis=1)
    n_click = jnp.sum(click_mask.astype(jnp.float32))
    loss = jnp.sum(jnp.where(click_mask, per_row, 0.0)) / n_click
    return loss

if __name__ == "__main__":
    import jax
    _d = setup_inputs()
    print(jax.jit(kernel)(*tuple(_d.values())))

</pallas_src>

<mosaic_0001>
#map = affine_map<(d0, d1) -> (0, 0)>
#map1 = affine_map<(d0, d1) -> (0)>
module attributes {stable_mosaic.version = 14 : i64} {
  func.func @gather4(%arg0: i32, %arg1: i32, %arg2: memref<64x100000xf32, #tpu.memory_space<hbm>>, %arg3: memref<64x10000xf32, #tpu.memory_space<hbm>>, %arg4: memref<3200xi32, #tpu.memory_space<hbm>>, %arg5: memref<3200xi32, #tpu.memory_space<hbm>>, %arg6: memref<64x3200xf32, #tpu.memory_space<hbm>>, %arg7: memref<64x3200xf32, #tpu.memory_space<hbm>>, %arg8: memref<64x3200xf32, #tpu.memory_space<hbm>>, %arg9: memref<64x3200xf32, #tpu.memory_space<hbm>>, %arg10: memref<1x100000xf32, #tpu.memory_space<vmem>>, %arg11: memref<1x10000xf32, #tpu.memory_space<vmem>>, %arg12: memref<2x3200xi32, #tpu.memory_space<vmem>>, %arg13: memref<4x3200xf32, #tpu.memory_space<vmem>>, %arg14: memref<!tpu.dma_semaphore, #tpu.memory_space<semaphore_mem>>, %arg15: memref<!tpu.dma_semaphore, #tpu.memory_space<semaphore_mem>>, %arg16: memref<!tpu.dma_semaphore, #tpu.memory_space<semaphore_mem>>) attributes {dimension_semantics = [#tpu.dimension_semantics<core_parallel>, #tpu.dimension_semantics<subcore_parallel>], iteration_bounds = array<i64: 2, 16>, scalar_prefetch = 0 : i64, scratch_operands = 7 : i64, tpu.core_type = #tpu.core_type<sc_vector_subcore>, window_params = [{transform_indices = #map}, {transform_indices = #map}, {transform_indices = #map1}, {transform_indices = #map1}, {transform_indices = #map}, {transform_indices = #map}, {transform_indices = #map}, {transform_indices = #map}]} {
    %mul3A = arith.constant 2 : i32
    %mul3A_0 = arith.muli %arg1, %mul3A : i32
    %add3A = arith.addi %mul3A_0, %arg0 : i32
    %run_scoped3A = arith.constant 0 : i32
    "tpu.region"() ({
      %run_scoped3A_226 = tpu.sem_alloc : memref<!tpu.dma_semaphore, #tpu.memory_space<semaphore_mem>>
      %dma_start3A_227 = arith.constant 0 : i32
      %dma_start3A_228 = tpu.memref_slice %arg12[%run_scoped3A, %dma_start3A_227] : memref<2x3200xi32, #tpu.memory_space<vmem>> -> memref<1x3200xi32, #tpu.memory_space<vmem>>
      %dma_start3A_229 = tpu.memref_squeeze %dma_start3A_228 : memref<1x3200xi32, #tpu.memory_space<vmem>> -> memref<3200xi32, #tpu.memory_space<vmem>>
      %dma_start3A_230 = arith.constant 0 : i32
      %dma_start3A_231 = tpu.memref_slice %arg12[%run_scoped3A, %dma_start3A_230] : memref<2x3200xi32, #tpu.memory_space<vmem>> -> memref<1x3200xi32, #tpu.memory_space<vmem>>
      %dma_start3A_232 = tpu.memref_squeeze %dma_start3A_231 : memref<1x3200xi32, #tpu.memory_space<vmem>> -> memref<3200xi32, #tpu.memory_space<vmem>>
      tpu.enqueue_dma source(%arg4 : memref<3200xi32, #tpu.memory_space<hbm>>) target(%dma_start3A_232 : memref<3200xi32, #tpu.memory_space<vmem>>) target_semaphore(%run_scoped3A_226 : memref<!tpu.dma_semaphore, #tpu.memory_space<semaphore_mem>>)
      %dma_wait3A_233 = arith.constant 0 : i32
      %dma_wait3A_234 = tpu.memref_slice %arg12[%run_scoped3A, %dma_wait3A_233] : memref<2x3200xi32, #tpu.memory_space<vmem>> -> memref<1x3200xi32, #tpu.memory_space<vmem>>
      %dma_wait3A_235 = tpu.memref_squeeze %dma_wait3A_234 : memref<1x3200xi32, #tpu.memory_space<vmem>> -> memref<3200xi32, #tpu.memory_space<vmem>>
      %dma_wait3A_236 = arith.constant 0 : i32
      %dma_wait3A_237 = tpu.memref_slice %arg12[%run_scoped3A, %dma_wait3A_236] : memref<2x3200xi32, #tpu.memory_space<vmem>> -> memref<1x3200xi32, #tpu.memory_space<vmem>>
      %dma_wait3A_238 = tpu.memref_squeeze %dma_wait3A_237 : memref<1x3200xi32, #tpu.memory_space<vmem>> -> memref<3200xi32, #tpu.memory_space<vmem>>
      tpu.wait_dma2 semaphore(%run_scoped3A_226 : memref<!tpu.dma_semaphore, #tpu.memory_space<semaphore_mem>>) src(%arg4 : memref<3200xi32, #tpu.memory_space<hbm>>) dst(%dma_wait3A_238 : memref<3200xi32, #tpu.memory_space<vmem>>)
      tpu.yield
    }) : () -> ()
    %run_scoped3A_1 = arith.constant 1 : i32
    "tpu.region"() ({
      %run_scoped3A_226 = tpu.sem_alloc : memref<!tpu.dma_semaphore, #tpu.memory_space<semaphore_mem>>
      %dma_start3A_227 = arith.constant 0 : i32
      %dma_start3A_228 = tpu.memref_slice %arg12[%run_scoped3A_1, %dma_start3A_227] : memref<2x3200xi32, #tpu.memory_space<vmem>> -> memref<1x3200xi32, #tpu.memory_space<vmem>>
      %dma_start3A_229 = tpu.memref_squeeze %dma_start3A_228 : memref<1x3200xi32, #tpu.memory_space<vmem>> -> memref<3200xi32, #tpu.memory_space<vmem>>
      %dma_start3A_230 = arith.constant 0 : i32
      %dma_start3A_231 = tpu.memref_slice %arg12[%run_scoped3A_1, %dma_start3A_230] : memref<2x3200xi32, #tpu.memory_space<vmem>> -> memref<1x3200xi32, #tpu.memory_space<vmem>>
      %dma_start3A_232 = tpu.memref_squeeze %dma_start3A_231 : memref<1x3200xi32, #tpu.memory_space<vmem>> -> memref<3200xi32, #tpu.memory_space<vmem>>
      tpu.enqueue_dma source(%arg5 : memref<3200xi32, #tpu.memory_space<hbm>>) target(%dma_start3A_232 : memref<3200xi32, #tpu.memory_space<vmem>>) target_semaphore(%run_scoped3A_226 : memref<!tpu.dma_semaphore, #tpu.memory_space<semaphore_mem>>)
      %dma_wait3A_233 = arith.constant 0 : i32
      %dma_wait3A_234 = tpu.memref_slice %arg12[%run_scoped3A_1, %dma_wait3A_233] : memref<2x3200xi32, #tpu.memory_space<vmem>> -> memref<1x3200xi32, #tpu.memory_space<vmem>>
      %dma_wait3A_235 = tpu.memref_squeeze %dma_wait3A_234 : memref<1x3200xi32, #tpu.memory_space<vmem>> -> memref<3200xi32, #tpu.memory_space<vmem>>
      %dma_wait3A_236 = arith.constant 0 : i32
      %dma_wait3A_237 = tpu.memref_slice %arg12[%run_scoped3A_1, %dma_wait3A_236] : memref<2x3200xi32, #tpu.memory_space<vmem>> -> memref<1x3200xi32, #tpu.memory_space<vmem>>
      %dma_wait3A_238 = tpu.memref_squeeze %dma_wait3A_237 : memref<1x3200xi32, #tpu.memory_space<vmem>> -> memref<3200xi32, #tpu.memory_space<vmem>>
      tpu.wait_dma2 semaphore(%run_scoped3A_226 : memref<!tpu.dma_semaphore, #tpu.memory_space<semaphore_mem>>) src(%arg5 : memref<3200xi32, #tpu.memory_space<hbm>>) dst(%dma_wait3A_238 : memref<3200xi32, #tpu.memory_space<vmem>>)
      tpu.yield
    }) : () -> ()
    %broadcast_in_dim3A = arith.constant 0 : i32
    %broadcast_in_dim3A_2 = vector.broadcast %broadcast_in_dim3A : i32 to vector<16xi32>
    %iota3A = tpu.iota {dimensions = array<i32: 0>} : vector<16xi32>
    %add3A_3 = arith.constant 32 : i32
    %add3A_4 = arith.addi %add3A, %add3A_3 : i32
    %dma_start3A = arith.constant 0 : i32
    %dma_start3A_5 = tpu.memref_slice %arg2[%add3A, %dma_start3A] : memref<64x100000xf32, #tpu.memory_space<hbm>> -> memref<1x100000xf32, #tpu.memory_space<hbm>>
    %dma_start3A_6 = arith.constant 0 : i32
    %dma_start3A_7 = tpu.memref_slice %arg2[%add3A, %dma_start3A_6] : memref<64x100000xf32, #tpu.memory_space<hbm>> -> memref<1x100000xf32, #tpu.memory_space<hbm>>
    tpu.enqueue_dma source(%dma_start3A_7 : memref<1x100000xf32, #tpu.memory_space<hbm>>) target(%arg10 : memref<1x100000xf32, #tpu.memory_space<vmem>>) target_semaphore(%arg14 : memref<!tpu.dma_semaphore, #tpu.memory_space<semaphore_mem>>)
    %dma_start3A_8 = arith.constant 0 : i32
    %dma_start3A_9 = tpu.memref_slice %arg3[%add3A, %dma_start3A_8] : memref<64x10000xf32, #tpu.memory_space<hbm>> -> memref<1x10000xf32, #tpu.memory_space<hbm>>
    %dma_start3A_10 = arith.constant 0 : i32
    %dma_start3A_11 = tpu.memref_slice %arg3[%add3A, %dma_start3A_10] : memref<64x10000xf32, #tpu.memory_space<hbm>> -> memref<1x10000xf32, #tpu.memory_space<hbm>>
    tpu.enqueue_dma source(%dma_start3A_11 : memref<1x10000xf32, #tpu.memory_space<hbm>>) target(%arg11 : memref<1x10000xf32, #tpu.memory_space<vmem>>) target_semaphore(%arg15 : memref<!tpu.dma_semaphore, #tpu.memory_space<semaphore_mem>>)
    %dma_wait3A = arith.constant 0 : i32
    %dma_wait3A_12 = tpu.memref_slice %arg2[%add3A, %dma_wait3A] : memref<64x100000xf32, #tpu.memory_space<hbm>> -> memref<1x100000xf32, #tpu.memory_space<hbm>>
    %dma_wait3A_13 = arith.constant 0 : i32
    %dma_wait3A_14 = tpu.memref_slice %arg2[%add3A, %dma_wait3A_13] : memref<64x100000xf32, #tpu.memory_space<hbm>> -> memref<1x100000xf32, #tpu.memory_space<hbm>>
    tpu.wait_dma2 semaphore(%arg14 : memref<!tpu.dma_semaphore, #tpu.memory_space<semaphore_mem>>) src(%dma_wait3A_14 : memref<1x100000xf32, #tpu.memory_space<hbm>>) dst(%arg10 : memref<1x100000xf32, #tpu.memory_space<vmem>>)
    %broadcast_in_dim3A_15 = arith.constant 0 : i32
    %broadcast_in_dim3A_16 = vector.broadcast %broadcast_in_dim3A_15 : i32 to vector<16xi32>
    %scan3A = arith.constant 0 : i32
    %scan3A_17 = arith.constant 0 : i32
    %scan3A_18 = arith.constant 200 : i32
    %scan3A_19 = arith.addi %scan3A_17, %scan3A_18 : i32
    %scan3A_20 = arith.constant 1 : i32
    scf.for %scan3A_226 = %scan3A_17 to %scan3A_19 step %scan3A_20  : i32 {
      %mul3A_227 = arith.constant 16 : i32
      %mul3A_228 = arith.muli %scan3A_226, %mul3A_227 : i32
      %add3A_229 = vector.broadcast %mul3A_228 : i32 to vector<16xi32>
      %add3A_230 = arith.addi %iota3A, %add3A_229 : vector<16xi32>
      %get3A = arith.constant 0 : i32
      %get3A_231 = arith.index_cast %get3A : i32 to index
      %get3A_232 = arith.index_cast %mul3A_228 : i32 to index
      %get3A_233 = tpu.vector_load %arg12[%get3A_231, %get3A_232] {strides = array<i32>} : memref<2x3200xi32, #tpu.memory_space<vmem>>, vector<16xi32>,
      %and3A = arith.constant 63 : i32
      %and3A_234 = vector.broadcast %and3A : i32 to vector<16xi32>
      %and3A_235 = arith.andi %add3A_230, %and3A_234 : vector<16xi32>
      %mul3A_236 = arith.constant 50 : i32
      %mul3A_237 = vector.broadcast %mul3A_236 : i32 to vector<16xi32>
      %mul3A_238 = arith.muli %and3A_235, %mul3A_237 : vector<16xi32>
      %shift_right_arithmetic3A = arith.constant 6 : i32
      %shift_right_arithmetic3A_239 = vector.broadcast %shift_right_arithmetic3A : i32 to vector<16xi32>
      %shift_right_arithmetic3A_240 = arith.shrsi %add3A_230, %shift_right_arithmetic3A_239 : vector<16xi32>
      %add3A_241 = arith.addi %mul3A_238, %shift_right_arithmetic3A_240 : vector<16xi32>
      %gather3A = tpu.vector_load_idx %arg12[%broadcast_in_dim3A_16, %add3A_241] : memref<2x3200xi32, #tpu.memory_space<vmem>>[vector<16xi32>, vector<16xi32>], vector<16xi32>,
      %gather3A_242 = tpu.vector_load_idx %arg10[%broadcast_in_dim3A_2, %gather3A] : memref<1x100000xf32, #tpu.memory_space<vmem>>[vector<16xi32>, vector<16xi32>], vector<16xf32>,
      %swap3A = arith.constant 0 : i32
      %swap3A_243 = arith.index_cast %swap3A : i32 to index
      %swap3A_244 = arith.index_cast %mul3A_228 : i32 to index
      %swap3A_245 = tpu.vector_load %arg13[%swap3A_243, %swap3A_244] {strides = array<i32>} : memref<4x3200xf32, #tpu.memory_space<vmem>>, vector<16xf32>,
      tpu.vector_store %arg13[%swap3A_243, %swap3A_244], %gather3A_242 {strides = array<i32>} : memref<4x3200xf32, #tpu.memory_space<vmem>>, vector<16xf32>,
      %gather3A_246 = tpu.vector_load_idx %arg10[%broadcast_in_dim3A_2, %get3A_233] : memref<1x100000xf32, #tpu.memory_space<vmem>>[vector<16xi32>, vector<16xi32>], vector<16xf32>,
      %swap3A_247 = arith.constant 1 : i32
      %swap3A_248 = arith.index_cast %swap3A_247 : i32 to index
      %swap3A_249 = arith.index_cast %mul3A_228 : i32 to index
      %swap3A_250 = tpu.vector_load %arg13[%swap3A_248, %swap3A_249] {strides = array<i32>} : memref<4x3200xf32, #tpu.memory_space<vmem>>, vector<16xf32>,
      tpu.vector_store %arg13[%swap3A_248, %swap3A_249], %gather3A_246 {strides = array<i32>} : memref<4x3200xf32, #tpu.memory_space<vmem>>, vector<16xf32>,
    }
    %scan3A_21 = arith.constant 200 : i32
    %dma_start3A_22 = arith.constant 0 : i32
    %dma_start3A_23 = tpu.memref_slice %arg2[%add3A_4, %dma_start3A_22] : memref<64x100000xf32, #tpu.memory_space<hbm>> -> memref<1x100000xf32, #tpu.memory_space<hbm>>
    %dma_start3A_24 = arith.constant 0 : i32
    %dma_start3A_25 = tpu.memref_slice %arg2[%add3A_4, %dma_start3A_24] : memref<64x100000xf32, #tpu.memory_space<hbm>> -> memref<1x100000xf32, #tpu.memory_space<hbm>>
    tpu.enqueue_dma source(%dma_start3A_25 : memref<1x100000xf32, #tpu.memory_space<hbm>>) target(%arg10 : memref<1x100000xf32, #tpu.memory_space<vmem>>) target_semaphore(%arg14 : memref<!tpu.dma_semaphore, #tpu.memory_space<semaphore_mem>>)
    %dma_start3A_26 = arith.constant 0 : i32
    %dma_start3A_27 = arith.constant 0 : i32
    %dma_start3A_28 = tpu.memref_slice %arg13[%dma_start3A_26, %dma_start3A_27] : memref<4x3200xf32, #tpu.memory_space<vmem>> -> memref<1x3200xf32, #tpu.memory_space<vmem>>
    %dma_start3A_29 = arith.constant 0 : i32
    %dma_start3A_30 = tpu.memref_slice %arg6[%add3A, %dma_start3A_29] : memref<64x3200xf32, #tpu.memory_space<hbm>> -> memref<1x3200xf32, #tpu.memory_space<hbm>>
    %dma_start3A_31 = arith.constant 0 : i32
    %dma_start3A_32 = tpu.memref_slice %arg6[%add3A, %dma_start3A_31] : memref<64x3200xf32, #tpu.memory_space<hbm>> -> memref<1x3200xf32, #tpu.memory_space<hbm>>
    %dma_start3A_33 = arith.constant 0 : i32
    %dma_start3A_34 = arith.constant 0 : i32
    %dma_start3A_35 = tpu.memref_slice %arg13[%dma_start3A_33, %dma_start3A_34] : memref<4x3200xf32, #tpu.memory_space<vmem>> -> memref<1x3200xf32, #tpu.memory_space<vmem>>
    tpu.enqueue_dma source(%dma_start3A_35 : memref<1x3200xf32, #tpu.memory_space<vmem>>) target(%dma_start3A_32 : memref<1x3200xf32, #tpu.memory_space<hbm>>) target_semaphore(%arg16 : memref<!tpu.dma_semaphore, #tpu.memory_space<semaphore_mem>>)
    %dma_start3A_36 = arith.constant 1 : i32
    %dma_start3A_37 = arith.constant 0 : i32
    %dma_start3A_38 = tpu.memref_slice %arg13[%dma_start3A_36, %dma_start3A_37] : memref<4x3200xf32, #tpu.memory_space<vmem>> -> memref<1x3200xf32, #tpu.memory_space<vmem>>
    %dma_start3A_39 = arith.constant 0 : i32
    %dma_start3A_40 = tpu.memref_slice %arg7[%add3A, %dma_start3A_39] : memref<64x3200xf32, #tpu.memory_space<hbm>> -> memref<1x3200xf32, #tpu.memory_space<hbm>>
    %dma_start3A_41 = arith.constant 0 : i32
    %dma_start3A_42 = tpu.memref_slice %arg7[%add3A, %dma_start3A_41] : memref<64x3200xf32, #tpu.memory_space<hbm>> -> memref<1x3200xf32, #tpu.memory_space<hbm>>
    %dma_start3A_43 = arith.constant 1 : i32
    %dma_start3A_44 = arith.constant 0 : i32
    %dma_start3A_45 = tpu.memref_slice %arg13[%dma_start3A_43, %dma_start3A_44] : memref<4x3200xf32, #tpu.memory_space<vmem>> -> memref<1x3200xf32, #tpu.memory_space<vmem>>
    tpu.enqueue_dma source(%dma_start3A_45 : memref<1x3200xf32, #tpu.memory_space<vmem>>) target(%dma_start3A_42 : memref<1x3200xf32, #tpu.memory_space<hbm>>) target_semaphore(%arg16 : memref<!tpu.dma_semaphore, #tpu.memory_space<semaphore_mem>>)
    %dma_wait3A_46 = arith.constant 0 : i32
    %dma_wait3A_47 = tpu.memref_slice %arg3[%add3A, %dma_wait3A_46] : memref<64x10000xf32, #tpu.memory_space<hbm>> -> memref<1x10000xf32, #tpu.memory_space<hbm>>
    %dma_wait3A_48 = arith.constant 0 : i32
    %dma_wait3A_49 = tpu.memref_slice %arg3[%add3A, %dma_wait3A_48] : memref<64x10000xf32, #tpu.memory_space<hbm>> -> memref<1x10000xf32, #tpu.memory_space<hbm>>
    tpu.wait_dma2 semaphore(%arg15 : memref<!tpu.dma_semaphore, #tpu.memory_space<semaphore_mem>>) src(%dma_wait3A_49 : memref<1x10000xf32, #tpu.memory_space<hbm>>) dst(%arg11 : memref<1x10000xf32, #tpu.memory_space<vmem>>)
    %broadcast_in_dim3A_50 = arith.constant 1 : i32
    %broadcast_in_dim3A_51 = vector.broadcast %broadcast_in_dim3A_50 : i32 to vector<16xi32>
    %scan3A_52 = arith.constant 0 : i32
    %scan3A_53 = arith.constant 0 : i32
    %scan3A_54 = arith.constant 200 : i32
    %scan3A_55 = arith.addi %scan3A_53, %scan3A_54 : i32
    %scan3A_56 = arith.constant 1 : i32
    scf.for %scan3A_226 = %scan3A_53 to %scan3A_55 step %scan3A_56  : i32 {
      %mul3A_227 = arith.constant 16 : i32
      %mul3A_228 = arith.muli %scan3A_226, %mul3A_227 : i32
      %add3A_229 = vector.broadcast %mul3A_228 : i32 to vector<16xi32>
      %add3A_230 = arith.addi %iota3A, %add3A_229 : vector<16xi32>
      %get3A = arith.constant 1 : i32
      %get3A_231 = arith.index_cast %get3A : i32 to index
      %get3A_232 = arith.index_cast %mul3A_228 : i32 to index
      %get3A_233 = tpu.vector_load %arg12[%get3A_231, %get3A_232] {strides = array<i32>} : memref<2x3200xi32, #tpu.memory_space<vmem>>, vector<16xi32>,
      %and3A = arith.constant 63 : i32
      %and3A_234 = vector.broadcast %and3A : i32 to vector<16xi32>
      %and3A_235 = arith.andi %add3A_230, %and3A_234 : vector<16xi32>
      %mul3A_236 = arith.constant 50 : i32
      %mul3A_237 = vector.broadcast %mul3A_236 : i32 to vector<16xi32>
      %mul3A_238 = arith.muli %and3A_235, %mul3A_237 : vector<16xi32>
      %shift_right_arithmetic3A = arith.constant 6 : i32
      %shift_right_arithmetic3A_239 = vector.broadcast %shift_right_arithmetic3A : i32 to vector<16xi32>
      %shift_right_arithmetic3A_240 = arith.shrsi %add3A_230, %shift_right_arithmetic3A_239 : vector<16xi32>
      %add3A_241 = arith.addi %mul3A_238, %shift_right_arithmetic3A_240 : vector<16xi32>
      %gather3A = tpu.vector_load_idx %arg12[%broadcast_in_dim3A_51, %add3A_241] : memref<2x3200xi32, #tpu.memory_space<vmem>>[vector<16xi32>, vector<16xi32>], vector<16xi32>,
      %gather3A_242 = tpu.vector_load_idx %arg11[%broadcast_in_dim3A_2, %gather3A] : memref<1x10000xf32, #tpu.memory_space<vmem>>[vector<16xi32>, vector<16xi32>], vector<16xf32>,
      %swap3A = arith.constant 2 : i32
      %swap3A_243 = arith.index_cast %swap3A : i32 to index
      %swap3A_244 = arith.index_cast %mul3A_228 : i32 to index
      %swap3A_245 = tpu.vector_load %arg13[%swap3A_243, %swap3A_244] {strides = array<i32>} : memref<4x3200xf32, #tpu.memory_space<vmem>>, vector<16xf32>,
      tpu.vector_store %arg13[%swap3A_243, %swap3A_244], %gather3A_242 {strides = array<i32>} : memref<4x3200xf32, #tpu.memory_space<vmem>>, vector<16xf32>,
      %gather3A_246 = tpu.vector_load_idx %arg11[%broadcast_in_dim3A_2, %get3A_233] : memref<1x10000xf32, #tpu.memory_space<vmem>>[vector<16xi32>, vector<16xi32>], vector<16xf32>,
      %swap3A_247 = arith.constant 3 : i32
      %swap3A_248 = arith.index_cast %swap3A_247 : i32 to index
      %swap3A_249 = arith.index_cast %mul3A_228 : i32 to index
      %swap3A_250 = tpu.vector_load %arg13[%swap3A_248, %swap3A_249] {strides = array<i32>} : memref<4x3200xf32, #tpu.memory_space<vmem>>, vector<16xf32>,
      tpu.vector_store %arg13[%swap3A_248, %swap3A_249], %gather3A_246 {strides = array<i32>} : memref<4x3200xf32, #tpu.memory_space<vmem>>, vector<16xf32>,
    }
    %scan3A_57 = arith.constant 200 : i32
    %dma_start3A_58 = arith.constant 0 : i32
    %dma_start3A_59 = tpu.memref_slice %arg3[%add3A_4, %dma_start3A_58] : memref<64x10000xf32, #tpu.memory_space<hbm>> -> memref<1x10000xf32, #tpu.memory_space<hbm>>
    %dma_start3A_60 = arith.constant 0 : i32
    %dma_start3A_61 = tpu.memref_slice %arg3[%add3A_4, %dma_start3A_60] : memref<64x10000xf32, #tpu.memory_space<hbm>> -> memref<1x10000xf32, #tpu.memory_space<hbm>>
    tpu.enqueue_dma source(%dma_start3A_61 : memref<1x10000xf32, #tpu.memory_space<hbm>>) target(%arg11 : memref<1x10000xf32, #tpu.memory_space<vmem>>) target_semaphore(%arg15 : memref<!tpu.dma_semaphore, #tpu.memory_space<semaphore_mem>>)
    %dma_start3A_62 = arith.constant 2 : i32
    %dma_start3A_63 = arith.constant 0 : i32
    %dma_start3A_64 = tpu.memref_slice %arg13[%dma_start3A_62, %dma_start3A_63] : memref<4x3200xf32, #tpu.memory_space<vmem>> -> memref<1x3200xf32, #tpu.memory_space<vmem>>
    %dma_start3A_65 = arith.constant 0 : i32
    %dma_start3A_66 = tpu.memref_slice %arg8[%add3A, %dma_start3A_65] : memref<64x3200xf32, #tpu.memory_space<hbm>> -> memref<1x3200xf32, #tpu.memory_space<hbm>>
    %dma_start3A_67 = arith.constant 0 : i32
    %dma_start3A_68 = tpu.memref_slice %arg8[%add3A, %dma_start3A_67] : memref<64x3200xf32, #tpu.memory_space<hbm>> -> memref<1x3200xf32, #tpu.memory_space<hbm>>
    %dma_start3A_69 = arith.constant 2 : i32
    %dma_start3A_70 = arith.constant 0 : i32
    %dma_start3A_71 = tpu.memref_slice %arg13[%dma_start3A_69, %dma_start3A_70] : memref<4x3200xf32, #tpu.memory_space<vmem>> -> memref<1x3200xf32, #tpu.memory_space<vmem>>
    tpu.enqueue_dma source(%dma_start3A_71 : memref<1x3200xf32, #tpu.memory_space<vmem>>) target(%dma_start3A_68 : memref<1x3200xf32, #tpu.memory_space<hbm>>) target_semaphore(%arg16 : memref<!tpu.dma_semaphore, #tpu.memory_space<semaphore_mem>>)
    %dma_start3A_72 = arith.constant 3 : i32
    %dma_start3A_73 = arith.constant 0 : i32
    %dma_start3A_74 = tpu.memref_slice %arg13[%dma_start3A_72, %dma_start3A_73] : memref<4x3200xf32, #tpu.memory_space<vmem>> -> memref<1x3200xf32, #tpu.memory_space<vmem>>
    %dma_start3A_75 = arith.constant 0 : i32
    %dma_start3A_76 = tpu.memref_slice %arg9[%add3A, %dma_start3A_75] : memref<64x3200xf32, #tpu.memory_space<hbm>> -> memref<1x3200xf32, #tpu.memory_space<hbm>>
    %dma_start3A_77 = arith.constant 0 : i32
    %dma_start3A_78 = tpu.memref_slice %arg9[%add3A, %dma_start3A_77] : memref<64x3200xf32, #tpu.memory_space<hbm>> -> memref<1x3200xf32, #tpu.memory_space<hbm>>
    %dma_start3A_79 = arith.constant 3 : i32
    %dma_start3A_80 = arith.constant 0 : i32
    %dma_start3A_81 = tpu.memref_slice %arg13[%dma_start3A_79, %dma_start3A_80] : memref<4x3200xf32, #tpu.memory_space<vmem>> -> memref<1x3200xf32, #tpu.memory_space<vmem>>
    tpu.enqueue_dma source(%dma_start3A_81 : memref<1x3200xf32, #tpu.memory_space<vmem>>) target(%dma_start3A_78 : memref<1x3200xf32, #tpu.memory_space<hbm>>) target_semaphore(%arg16 : memref<!tpu.dma_semaphore, #tpu.memory_space<semaphore_mem>>)
    %dma_wait3A_82 = arith.constant 0 : i32
    %dma_wait3A_83 = tpu.memref_slice %arg2[%add3A_4, %dma_wait3A_82] : memref<64x100000xf32, #tpu.memory_space<hbm>> -> memref<1x100000xf32, #tpu.memory_space<hbm>>
    %dma_wait3A_84 = arith.constant 0 : i32
    %dma_wait3A_85 = tpu.memref_slice %arg2[%add3A_4, %dma_wait3A_84] : memref<64x100000xf32, #tpu.memory_space<hbm>> -> memref<1x100000xf32, #tpu.memory_space<hbm>>
    tpu.wait_dma2 semaphore(%arg14 : memref<!tpu.dma_semaphore, #tpu.memory_space<semaphore_mem>>) src(%dma_wait3A_85 : memref<1x100000xf32, #tpu.memory_space<hbm>>) dst(%arg10 : memref<1x100000xf32, #tpu.memory_space<vmem>>)
    %dma_wait3A_86 = arith.constant 0 : i32
    %dma_wait3A_87 = arith.constant 0 : i32
    %dma_wait3A_88 = tpu.memref_slice %arg13[%dma_wait3A_86, %dma_wait3A_87] : memref<4x3200xf32, #tpu.memory_space<vmem>> -> memref<1x3200xf32, #tpu.memory_space<vmem>>
    %dma_wait3A_89 = arith.constant 0 : i32
    %dma_wait3A_90 = tpu.memref_slice %arg6[%add3A, %dma_wait3A_89] : memref<64x3200xf32, #tpu.memory_space<hbm>> -> memref<1x3200xf32, #tpu.memory_space<hbm>>
    %dma_wait3A_91 = arith.constant 0 : i32
    %dma_wait3A_92 = tpu.memref_slice %arg6[%add3A, %dma_wait3A_91] : memref<64x3200xf32, #tpu.memory_space<hbm>> -> memref<1x3200xf32, #tpu.memory_space<hbm>>
    %dma_wait3A_93 = arith.constant 0 : i32
    %dma_wait3A_94 = arith.constant 0 : i32
    %dma_wait3A_95 = tpu.memref_slice %arg13[%dma_wait3A_93, %dma_wait3A_94] : memref<4x3200xf32, #tpu.memory_space<vmem>> -> memref<1x3200xf32, #tpu.memory_space<vmem>>
    tpu.wait_dma2 semaphore(%arg16 : memref<!tpu.dma_semaphore, #tpu.memory_space<semaphore_mem>>) src(%dma_wait3A_95 : memref<1x3200xf32, #tpu.memory_space<vmem>>) dst(%dma_wait3A_92 : memref<1x3200xf32, #tpu.memory_space<hbm>>)
    %dma_wait3A_96 = arith.constant 1 : i32
    %dma_wait3A_97 = arith.constant 0 : i32
    %dma_wait3A_98 = tpu.memref_slice %arg13[%dma_wait3A_96, %dma_wait3A_97] : memref<4x3200xf32, #tpu.memory_space<vmem>> -> memref<1x3200xf32, #tpu.memory_space<vmem>>
    %dma_wait3A_99 = arith.constant 0 : i32
    %dma_wait3A_100 = tpu.memref_slice %arg7[%add3A, %dma_wait3A_99] : memref<64x3200xf32, #tpu.memory_space<hbm>> -> memref<1x3200xf32, #tpu.memory_space<hbm>>
    %dma_wait3A_101 = arith.constant 0 : i32
    %dma_wait3A_102 = tpu.memref_slice %arg7[%add3A, %dma_wait3A_101] : memref<64x3200xf32, #tpu.memory_space<hbm>> -> memref<1x3200xf32, #tpu.memory_space<hbm>>
    %dma_wait3A_103 = arith.constant 1 : i32
    %dma_wait3A_104 = arith.constant 0 : i32
    %dma_wait3A_105 = tpu.memref_slice %arg13[%dma_wait3A_103, %dma_wait3A_104] : memref<4x3200xf32, #tpu.memory_space<vmem>> -> memref<1x3200xf32, #tpu.memory_space<vmem>>
    tpu.wait_dma2 semaphore(%arg16 : memref<!tpu.dma_semaphore, #tpu.memory_space<semaphore_mem>>) src(%dma_wait3A_105 : memref<1x3200xf32, #tpu.memory_space<vmem>>) dst(%dma_wait3A_102 : memref<1x3200xf32, #tpu.memory_space<hbm>>)
    %broadcast_in_dim3A_106 = arith.constant 0 : i32
    %broadcast_in_dim3A_107 = vector.broadcast %broadcast_in_dim3A_106 : i32 to vector<16xi32>
    %scan3A_108 = arith.constant 0 : i32
    %scan3A_109 = arith.constant 0 : i32
    %scan3A_110 = arith.constant 200 : i32
    %scan3A_111 = arith.addi %scan3A_109, %scan3A_110 : i32
    %scan3A_112 = arith.constant 1 : i32
    scf.for %scan3A_226 = %scan3A_109 to %scan3A_111 step %scan3A_112  : i32 {
      %mul3A_227 = arith.constant 16 : i32
      %mul3A_228 = arith.muli %scan3A_226, %mul3A_227 : i32
      %add3A_229 = vector.broadcast %mul3A_228 : i32 to vector<16xi32>
      %add3A_230 = arith.addi %iota3A, %add3A_229 : vector<16xi32>
      %get3A = arith.constant 0 : i32
      %get3A_231 = arith.index_cast %get3A : i32 to index
      %get3A_232 = arith.index_cast %mul3A_228 : i32 to index
      %get3A_233 = tpu.vector_load %arg12[%get3A_231, %get3A_232] {strides = array<i32>} : memref<2x3200xi32, #tpu.memory_space<vmem>>, vector<16xi32>,
      %and3A = arith.constant 63 : i32
      %and3A_234 = vector.broadcast %and3A : i32 to vector<16xi32>
      %and3A_235 = arith.andi %add3A_230, %and3A_234 : vector<16xi32>
      %mul3A_236 = arith.constant 50 : i32
      %mul3A_237 = vector.broadcast %mul3A_236 : i32 to vector<16xi32>
      %mul3A_238 = arith.muli %and3A_235, %mul3A_237 : vector<16xi32>
      %shift_right_arithmetic3A = arith.constant 6 : i32
      %shift_right_arithmetic3A_239 = vector.broadcast %shift_right_arithmetic3A : i32 to vector<16xi32>
      %shift_right_arithmetic3A_240 = arith.shrsi %add3A_230, %shift_right_arithmetic3A_239 : vector<16xi32>
      %add3A_241 = arith.addi %mul3A_238, %shift_right_arithmetic3A_240 : vector<16xi32>
      %gather3A = tpu.vector_load_idx %arg12[%broadcast_in_dim3A_107, %add3A_241] : memref<2x3200xi32, #tpu.memory_space<vmem>>[vector<16xi32>, vector<16xi32>], vector<16xi32>,
      %gather3A_242 = tpu.vector_load_idx %arg10[%broadcast_in_dim3A_2, %gather3A] : memref<1x100000xf32, #tpu.memory_space<vmem>>[vector<16xi32>, vector<16xi32>], vector<16xf32>,
      %swap3A = arith.constant 0 : i32
      %swap3A_243 = arith.index_cast %swap3A : i32 to index
      %swap3A_244 = arith.index_cast %mul3A_228 : i32 to index
      %swap3A_245 = tpu.vector_load %arg13[%swap3A_243, %swap3A_244] {strides = array<i32>} : memref<4x3200xf32, #tpu.memory_space<vmem>>, vector<16xf32>,
      tpu.vector_store %arg13[%swap3A_243, %swap3A_244], %gather3A_242 {strides = array<i32>} : memref<4x3200xf32, #tpu.memory_space<vmem>>, vector<16xf32>,
      %gather3A_246 = tpu.vector_load_idx %arg10[%broadcast_in_dim3A_2, %get3A_233] : memref<1x100000xf32, #tpu.memory_space<vmem>>[vector<16xi32>, vector<16xi32>], vector<16xf32>,
      %swap3A_247 = arith.constant 1 : i32
      %swap3A_248 = arith.index_cast %swap3A_247 : i32 to index
      %swap3A_249 = arith.index_cast %mul3A_228 : i32 to index
      %swap3A_250 = tpu.vector_load %arg13[%swap3A_248, %swap3A_249] {strides = array<i32>} : memref<4x3200xf32, #tpu.memory_space<vmem>>, vector<16xf32>,
      tpu.vector_store %arg13[%swap3A_248, %swap3A_249], %gather3A_246 {strides = array<i32>} : memref<4x3200xf32, #tpu.memory_space<vmem>>, vector<16xf32>,
    }
    %scan3A_113 = arith.constant 200 : i32
    %dma_start3A_114 = arith.constant 0 : i32
    %dma_start3A_115 = arith.constant 0 : i32
    %dma_start3A_116 = tpu.memref_slice %arg13[%dma_start3A_114, %dma_start3A_115] : memref<4x3200xf32, #tpu.memory_space<vmem>> -> memref<1x3200xf32, #tpu.memory_space<vmem>>
    %dma_start3A_117 = arith.constant 0 : i32
    %dma_start3A_118 = tpu.memref_slice %arg6[%add3A_4, %dma_start3A_117] : memref<64x3200xf32, #tpu.memory_space<hbm>> -> memref<1x3200xf32, #tpu.memory_space<hbm>>
    %dma_start3A_119 = arith.constant 0 : i32
    %dma_start3A_120 = tpu.memref_slice %arg6[%add3A_4, %dma_start3A_119] : memref<64x3200xf32, #tpu.memory_space<hbm>> -> memref<1x3200xf32, #tpu.memory_space<hbm>>
    %dma_start3A_121 = arith.constant 0 : i32
    %dma_start3A_122 = arith.constant 0 : i32
    %dma_start3A_123 = tpu.memref_slice %arg13[%dma_start3A_121, %dma_start3A_122] : memref<4x3200xf32, #tpu.memory_space<vmem>> -> memref<1x3200xf32, #tpu.memory_space<vmem>>
    tpu.enqueue_dma source(%dma_start3A_123 : memref<1x3200xf32, #tpu.memory_space<vmem>>) target(%dma_start3A_120 : memref<1x3200xf32, #tpu.memory_space<hbm>>) target_semaphore(%arg16 : memref<!tpu.dma_semaphore, #tpu.memory_space<semaphore_mem>>)
    %dma_start3A_124 = arith.constant 1 : i32
    %dma_start3A_125 = arith.constant 0 : i32
    %dma_start3A_126 = tpu.memref_slice %arg13[%dma_start3A_124, %dma_start3A_125] : memref<4x3200xf32, #tpu.memory_space<vmem>> -> memref<1x3200xf32, #tpu.memory_space<vmem>>
    %dma_start3A_127 = arith.constant 0 : i32
    %dma_start3A_128 = tpu.memref_slice %arg7[%add3A_4, %dma_start3A_127] : memref<64x3200xf32, #tpu.memory_space<hbm>> -> memref<1x3200xf32, #tpu.memory_space<hbm>>
    %dma_start3A_129 = arith.constant 0 : i32
    %dma_start3A_130 = tpu.memref_slice %arg7[%add3A_4, %dma_start3A_129] : memref<64x3200xf32, #tpu.memory_space<hbm>> -> memref<1x3200xf32, #tpu.memory_space<hbm>>
    %dma_start3A_131 = arith.constant 1 : i32
    %dma_start3A_132 = arith.constant 0 : i32
    %dma_start3A_133 = tpu.memref_slice %arg13[%dma_start3A_131, %dma_start3A_132] : memref<4x3200xf32, #tpu.memory_space<vmem>> -> memref<1x3200xf32, #tpu.memory_space<vmem>>
    tpu.enqueue_dma source(%dma_start3A_133 : memref<1x3200xf32, #tpu.memory_space<vmem>>) target(%dma_start3A_130 : memref<1x3200xf32, #tpu.memory_space<hbm>>) target_semaphore(%arg16 : memref<!tpu.dma_semaphore, #tpu.memory_space<semaphore_mem>>)
    %dma_wait3A_134 = arith.constant 0 : i32
    %dma_wait3A_135 = tpu.memref_slice %arg3[%add3A_4, %dma_wait3A_134] : memref<64x10000xf32, #tpu.memory_space<hbm>> -> memref<1x10000xf32, #tpu.memory_space<hbm>>
    %dma_wait3A_136 = arith.constant 0 : i32
    %dma_wait3A_137 = tpu.memref_slice %arg3[%add3A_4, %dma_wait3A_136] : memref<64x10000xf32, #tpu.memory_space<hbm>> -> memref<1x10000xf32, #tpu.memory_space<hbm>>
    tpu.wait_dma2 semaphore(%arg15 : memref<!tpu.dma_semaphore, #tpu.memory_space<semaphore_mem>>) src(%dma_wait3A_137 : memref<1x10000xf32, #tpu.memory_space<hbm>>) dst(%arg11 : memref<1x10000xf32, #tpu.memory_space<vmem>>)
    %dma_wait3A_138 = arith.constant 2 : i32
    %dma_wait3A_139 = arith.constant 0 : i32
    %dma_wait3A_140 = tpu.memref_slice %arg13[%dma_wait3A_138, %dma_wait3A_139] : memref<4x3200xf32, #tpu.memory_space<vmem>> -> memref<1x3200xf32, #tpu.memory_space<vmem>>
    %dma_wait3A_141 = arith.constant 0 : i32
    %dma_wait3A_142 = tpu.memref_slice %arg8[%add3A, %dma_wait3A_141] : memref<64x3200xf32, #tpu.memory_space<hbm>> -> memref<1x3200xf32, #tpu.memory_space<hbm>>
    %dma_wait3A_143 = arith.constant 0 : i32
    %dma_wait3A_144 = tpu.memref_slice %arg8[%add3A, %dma_wait3A_143] : memref<64x3200xf32, #tpu.memory_space<hbm>> -> memref<1x3200xf32, #tpu.memory_space<hbm>>
    %dma_wait3A_145 = arith.constant 2 : i32
    %dma_wait3A_146 = arith.constant 0 : i32
    %dma_wait3A_147 = tpu.memref_slice %arg13[%dma_wait3A_145, %dma_wait3A_146] : memref<4x3200xf32, #tpu.memory_space<vmem>> -> memref<1x3200xf32, #tpu.memory_space<vmem>>
    tpu.wait_dma2 semaphore(%arg16 : memref<!tpu.dma_semaphore, #tpu.memory_space<semaphore_mem>>) src(%dma_wait3A_147 : memref<1x3200xf32, #tpu.memory_space<vmem>>) dst(%dma_wait3A_144 : memref<1x3200xf32, #tpu.memory_space<hbm>>)
    %dma_wait3A_148 = arith.constant 3 : i32
    %dma_wait3A_149 = arith.constant 0 : i32
    %dma_wait3A_150 = tpu.memref_slice %arg13[%dma_wait3A_148, %dma_wait3A_149] : memref<4x3200xf32, #tpu.memory_space<vmem>> -> memref<1x3200xf32, #tpu.memory_space<vmem>>
    %dma_wait3A_151 = arith.constant 0 : i32
    %dma_wait3A_152 = tpu.memref_slice %arg9[%add3A, %dma_wait3A_151] : memref<64x3200xf32, #tpu.memory_space<hbm>> -> memref<1x3200xf32, #tpu.memory_space<hbm>>
    %dma_wait3A_153 = arith.constant 0 : i32
    %dma_wait3A_154 = tpu.memref_slice %arg9[%add3A, %dma_wait3A_153] : memref<64x3200xf32, #tpu.memory_space<hbm>> -> memref<1x3200xf32, #tpu.memory_space<hbm>>
    %dma_wait3A_155 = arith.constant 3 : i32
    %dma_wait3A_156 = arith.constant 0 : i32
    %dma_wait3A_157 = tpu.memref_slice %arg13[%dma_wait3A_155, %dma_wait3A_156] : memref<4x3200xf32, #tpu.memory_space<vmem>> -> memref<1x3200xf32, #tpu.memory_space<vmem>>
    tpu.wait_dma2 semaphore(%arg16 : memref<!tpu.dma_semaphore, #tpu.memory_space<semaphore_mem>>) src(%dma_wait3A_157 : memref<1x3200xf32, #tpu.memory_space<vmem>>) dst(%dma_wait3A_154 : memref<1x3200xf32, #tpu.memory_space<hbm>>)
    %broadcast_in_dim3A_158 = arith.constant 1 : i32
    %broadcast_in_dim3A_159 = vector.broadcast %broadcast_in_dim3A_158 : i32 to vector<16xi32>
    %scan3A_160 = arith.constant 0 : i32
    %scan3A_161 = arith.constant 0 : i32
    %scan3A_162 = arith.constant 200 : i32
    %scan3A_163 = arith.addi %scan3A_161, %scan3A_162 : i32
    %scan3A_164 = arith.constant 1 : i32
    scf.for %scan3A_226 = %scan3A_161 to %scan3A_163 step %scan3A_164  : i32 {
      %mul3A_227 = arith.constant 16 : i32
      %mul3A_228 = arith.muli %scan3A_226, %mul3A_227 : i32
      %add3A_229 = vector.broadcast %mul3A_228 : i32 to vector<16xi32>
      %add3A_230 = arith.addi %iota3A, %add3A_229 : vector<16xi32>
      %get3A = arith.constant 1 : i32
      %get3A_231 = arith.index_cast %get3A : i32 to index
      %get3A_232 = arith.index_cast %mul3A_228 : i32 to index
      %get3A_233 = tpu.vector_load %arg12[%get3A_231, %get3A_232] {strides = array<i32>} : memref<2x3200xi32, #tpu.memory_space<vmem>>, vector<16xi32>,
      %and3A = arith.constant 63 : i32
      %and3A_234 = vector.broadcast %and3A : i32 to vector<16xi32>
      %and3A_235 = arith.andi %add3A_230, %and3A_234 : vector<16xi32>
      %mul3A_236 = arith.constant 50 : i32
      %mul3A_237 = vector.broadcast %mul3A_236 : i32 to vector<16xi32>
      %mul3A_238 = arith.muli %and3A_235, %mul3A_237 : vector<16xi32>
      %shift_right_arithmetic3A = arith.constant 6 : i32
      %shift_right_arithmetic3A_239 = vector.broadcast %shift_right_arithmetic3A : i32 to vector<16xi32>
      %shift_right_arithmetic3A_240 = arith.shrsi %add3A_230, %shift_right_arithmetic3A_239 : vector<16xi32>
      %add3A_241 = arith.addi %mul3A_238, %shift_right_arithmetic3A_240 : vector<16xi32>
      %gather3A = tpu.vector_load_idx %arg12[%broadcast_in_dim3A_159, %add3A_241] : memref<2x3200xi32, #tpu.memory_space<vmem>>[vector<16xi32>, vector<16xi32>], vector<16xi32>,
      %gather3A_242 = tpu.vector_load_idx %arg11[%broadcast_in_dim3A_2, %gather3A] : memref<1x10000xf32, #tpu.memory_space<vmem>>[vector<16xi32>, vector<16xi32>], vector<16xf32>,
      %swap3A = arith.constant 2 : i32
      %swap3A_243 = arith.index_cast %swap3A : i32 to index
      %swap3A_244 = arith.index_cast %mul3A_228 : i32 to index
      %swap3A_245 = tpu.vector_load %arg13[%swap3A_243, %swap3A_244] {strides = array<i32>} : memref<4x3200xf32, #tpu.memory_space<vmem>>, vector<16xf32>,
      tpu.vector_store %arg13[%swap3A_243, %swap3A_244], %gather3A_242 {strides = array<i32>} : memref<4x3200xf32, #tpu.memory_space<vmem>>, vector<16xf32>,
      %gather3A_246 = tpu.vector_load_idx %arg11[%broadcast_in_dim3A_2, %get3A_233] : memref<1x10000xf32, #tpu.memory_space<vmem>>[vector<16xi32>, vector<16xi32>], vector<16xf32>,
      %swap3A_247 = arith.constant 3 : i32
      %swap3A_248 = arith.index_cast %swap3A_247 : i32 to index
      %swap3A_249 = arith.index_cast %mul3A_228 : i32 to index
      %swap3A_250 = tpu.vector_load %arg13[%swap3A_248, %swap3A_249] {strides = array<i32>} : memref<4x3200xf32, #tpu.memory_space<vmem>>, vector<16xf32>,
      tpu.vector_store %arg13[%swap3A_248, %swap3A_249], %gather3A_246 {strides = array<i32>} : memref<4x3200xf32, #tpu.memory_space<vmem>>, vector<16xf32>,
    }
    %scan3A_165 = arith.constant 200 : i32
    %dma_start3A_166 = arith.constant 2 : i32
    %dma_start3A_167 = arith.constant 0 : i32
    %dma_start3A_168 = tpu.memref_slice %arg13[%dma_start3A_166, %dma_start3A_167] : memref<4x3200xf32, #tpu.memory_space<vmem>> -> memref<1x3200xf32, #tpu.memory_space<vmem>>
    %dma_start3A_169 = arith.constant 0 : i32
    %dma_start3A_170 = tpu.memref_slice %arg8[%add3A_4, %dma_start3A_169] : memref<64x3200xf32, #tpu.memory_space<hbm>> -> memref<1x3200xf32, #tpu.memory_space<hbm>>
    %dma_start3A_171 = arith.constant 0 : i32
    %dma_start3A_172 = tpu.memref_slice %arg8[%add3A_4, %dma_start3A_171] : memref<64x3200xf32, #tpu.memory_space<hbm>> -> memref<1x3200xf32, #tpu.memory_space<hbm>>
    %dma_start3A_173 = arith.constant 2 : i32
    %dma_start3A_174 = arith.constant 0 : i32
    %dma_start3A_175 = tpu.memref_slice %arg13[%dma_start3A_173, %dma_start3A_174] : memref<4x3200xf32, #tpu.memory_space<vmem>> -> memref<1x3200xf32, #tpu.memory_space<vmem>>
    tpu.enqueue_dma source(%dma_start3A_175 : memref<1x3200xf32, #tpu.memory_space<vmem>>) target(%dma_start3A_172 : memref<1x3200xf32, #tpu.memory_space<hbm>>) target_semaphore(%arg16 : memref<!tpu.dma_semaphore, #tpu.memory_space<semaphore_mem>>)
    %dma_start3A_176 = arith.constant 3 : i32
    %dma_start3A_177 = arith.constant 0 : i32
    %dma_start3A_178 = tpu.memref_slice %arg13[%dma_start3A_176, %dma_start3A_177] : memref<4x3200xf32, #tpu.memory_space<vmem>> -> memref<1x3200xf32, #tpu.memory_space<vmem>>
    %dma_start3A_179 = arith.constant 0 : i32
    %dma_start3A_180 = tpu.memref_slice %arg9[%add3A_4, %dma_start3A_179] : memref<64x3200xf32, #tpu.memory_space<hbm>> -> memref<1x3200xf32, #tpu.memory_space<hbm>>
    %dma_start3A_181 = arith.constant 0 : i32
    %dma_start3A_182 = tpu.memref_slice %arg9[%add3A_4, %dma_start3A_181] : memref<64x3200xf32, #tpu.memory_space<hbm>> -> memref<1x3200xf32, #tpu.memory_space<hbm>>
    %dma_start3A_183 = arith.constant 3 : i32
    %dma_start3A_184 = arith.constant 0 : i32
    %dma_start3A_185 = tpu.memref_slice %arg13[%dma_start3A_183, %dma_start3A_184] : memref<4x3200xf32, #tpu.memory_space<vmem>> -> memref<1x3200xf32, #tpu.memory_space<vmem>>
    tpu.enqueue_dma source(%dma_start3A_185 : memref<1x3200xf32, #tpu.memory_space<vmem>>) target(%dma_start3A_182 : memref<1x3200xf32, #tpu.memory_space<hbm>>) target_semaphore(%arg16 : memref<!tpu.dma_semaphore, #tpu.memory_space<semaphore_mem>>)
    %dma_wait3A_186 = arith.constant 0 : i32
    %dma_wait3A_187 = arith.constant 0 : i32
    %dma_wait3A_188 = tpu.memref_slice %arg13[%dma_wait3A_186, %dma_wait3A_187] : memref<4x3200xf32, #tpu.memory_space<vmem>> -> memref<1x3200xf32, #tpu.memory_space<vmem>>
    %dma_wait3A_189 = arith.constant 0 : i32
    %dma_wait3A_190 = tpu.memref_slice %arg6[%add3A_4, %dma_wait3A_189] : memref<64x3200xf32, #tpu.memory_space<hbm>> -> memref<1x3200xf32, #tpu.memory_space<hbm>>
    %dma_wait3A_191 = arith.constant 0 : i32
    %dma_wait3A_192 = tpu.memref_slice %arg6[%add3A_4, %dma_wait3A_191] : memref<64x3200xf32, #tpu.memory_space<hbm>> -> memref<1x3200xf32, #tpu.memory_space<hbm>>
    %dma_wait3A_193 = arith.constant 0 : i32
    %dma_wait3A_194 = arith.constant 0 : i32
    %dma_wait3A_195 = tpu.memref_slice %arg13[%dma_wait3A_193, %dma_wait3A_194] : memref<4x3200xf32, #tpu.memory_space<vmem>> -> memref<1x3200xf32, #tpu.memory_space<vmem>>
    tpu.wait_dma2 semaphore(%arg16 : memref<!tpu.dma_semaphore, #tpu.memory_space<semaphore_mem>>) src(%dma_wait3A_195 : memref<1x3200xf32, #tpu.memory_space<vmem>>) dst(%dma_wait3A_192 : memref<1x3200xf32, #tpu.memory_space<hbm>>)
    %dma_wait3A_196 = arith.constant 1 : i32
    %dma_wait3A_197 = arith.constant 0 : i32
    %dma_wait3A_198 = tpu.memref_slice %arg13[%dma_wait3A_196, %dma_wait3A_197] : memref<4x3200xf32, #tpu.memory_space<vmem>> -> memref<1x3200xf32, #tpu.memory_space<vmem>>
    %dma_wait3A_199 = arith.constant 0 : i32
    %dma_wait3A_200 = tpu.memref_slice %arg7[%add3A_4, %dma_wait3A_199] : memref<64x3200xf32, #tpu.memory_space<hbm>> -> memref<1x3200xf32, #tpu.memory_space<hbm>>
    %dma_wait3A_201 = arith.constant 0 : i32
    %dma_wait3A_202 = tpu.memref_slice %arg7[%add3A_4, %dma_wait3A_201] : memref<64x3200xf32, #tpu.memory_space<hbm>> -> memref<1x3200xf32, #tpu.memory_space<hbm>>
    %dma_wait3A_203 = arith.constant 1 : i32
    %dma_wait3A_204 = arith.constant 0 : i32
    %dma_wait3A_205 = tpu.memref_slice %arg13[%dma_wait3A_203, %dma_wait3A_204] : memref<4x3200xf32, #tpu.memory_space<vmem>> -> memref<1x3200xf32, #tpu.memory_space<vmem>>
    tpu.wait_dma2 semaphore(%arg16 : memref<!tpu.dma_semaphore, #tpu.memory_space<semaphore_mem>>) src(%dma_wait3A_205 : memref<1x3200xf32, #tpu.memory_space<vmem>>) dst(%dma_wait3A_202 : memref<1x3200xf32, #tpu.memory_space<hbm>>)
    %dma_wait3A_206 = arith.constant 2 : i32
    %dma_wait3A_207 = arith.constant 0 : i32
    %dma_wait3A_208 = tpu.memref_slice %arg13[%dma_wait3A_206, %dma_wait3A_207] : memref<4x3200xf32, #tpu.memory_space<vmem>> -> memref<1x3200xf32, #tpu.memory_space<vmem>>
    %dma_wait3A_209 = arith.constant 0 : i32
    %dma_wait3A_210 = tpu.memref_slice %arg8[%add3A_4, %dma_wait3A_209] : memref<64x3200xf32, #tpu.memory_space<hbm>> -> memref<1x3200xf32, #tpu.memory_space<hbm>>
    %dma_wait3A_211 = arith.constant 0 : i32
    %dma_wait3A_212 = tpu.memref_slice %arg8[%add3A_4, %dma_wait3A_211] : memref<64x3200xf32, #tpu.memory_space<hbm>> -> memref<1x3200xf32, #tpu.memory_space<hbm>>
    %dma_wait3A_213 = arith.constant 2 : i32
    %dma_wait3A_214 = arith.constant 0 : i32
    %dma_wait3A_215 = tpu.memref_slice %arg13[%dma_wait3A_213, %dma_wait3A_214] : memref<4x3200xf32, #tpu.memory_space<vmem>> -> memref<1x3200xf32, #tpu.memory_space<vmem>>
    tpu.wait_dma2 semaphore(%arg16 : memref<!tpu.dma_semaphore, #tpu.memory_space<semaphore_mem>>) src(%dma_wait3A_215 : memref<1x3200xf32, #tpu.memory_space<vmem>>) dst(%dma_wait3A_212 : memref<1x3200xf32, #tpu.memory_space<hbm>>)
    %dma_wait3A_216 = arith.constant 3 : i32
    %dma_wait3A_217 = arith.constant 0 : i32
    %dma_wait3A_218 = tpu.memref_slice %arg13[%dma_wait3A_216, %dma_wait3A_217] : memref<4x3200xf32, #tpu.memory_space<vmem>> -> memref<1x3200xf32, #tpu.memory_space<vmem>>
    %dma_wait3A_219 = arith.constant 0 : i32
    %dma_wait3A_220 = tpu.memref_slice %arg9[%add3A_4, %dma_wait3A_219] : memref<64x3200xf32, #tpu.memory_space<hbm>> -> memref<1x3200xf32, #tpu.memory_space<hbm>>
    %dma_wait3A_221 = arith.constant 0 : i32
    %dma_wait3A_222 = tpu.memref_slice %arg9[%add3A_4, %dma_wait3A_221] : memref<64x3200xf32, #tpu.memory_space<hbm>> -> memref<1x3200xf32, #tpu.memory_space<hbm>>
    %dma_wait3A_223 = arith.constant 3 : i32
    %dma_wait3A_224 = arith.constant 0 : i32
    %dma_wait3A_225 = tpu.memref_slice %arg13[%dma_wait3A_223, %dma_wait3A_224] : memref<4x3200xf32, #tpu.memory_space<vmem>> -> memref<1x3200xf32, #tpu.memory_space<vmem>>
    tpu.wait_dma2 semaphore(%arg16 : memref<!tpu.dma_semaphore, #tpu.memory_space<semaphore_mem>>) src(%dma_wait3A_225 : memref<1x3200xf32, #tpu.memory_space<vmem>>) dst(%dma_wait3A_222 : memref<1x3200xf32, #tpu.memory_space<hbm>>)
    return
  }
}

module attributes {stable_mosaic.version = 14 : i64} {
  func.func @_tc_body(%arg0: memref<64x3200xf32, #tpu.memory_space<vmem>>, %arg1: memref<64x3200xf32, #tpu.memory_space<vmem>>, %arg2: memref<64x3200xf32, #tpu.memory_space<vmem>>, %arg3: memref<64x3200xf32, #tpu.memory_space<vmem>>, %arg4: memref<64x50x1xi32, #tpu.memory_space<vmem>>, %arg5: memref<64x1x49xi32, #tpu.memory_space<vmem>>, %arg6: memref<64x50x1xi32, #tpu.memory_space<vmem>>, %arg7: memref<64x1x49xi32, #tpu.memory_space<vmem>>, %arg8: memref<64x49xi32, #tpu.memory_space<vmem>>, %arg9: memref<3200x1xi32, #tpu.memory_space<vmem>>, %arg10: memref<64x50x1xf32, #tpu.memory_space<vmem>>, %arg11: memref<64x49xf32, #tpu.memory_space<vmem>>, %arg12: memref<64x128xf32, #tpu.memory_space<vmem>>, %arg13: memref<64x128xf32, #tpu.memory_space<vmem>>, %arg14: memref<1x128xf32, #tpu.memory_space<vmem>>, %arg15: memref<128x64xf32, #tpu.memory_space<vmem>>, %arg16: memref<1x64xf32, #tpu.memory_space<vmem>>, %arg17: memref<3x64xf32, #tpu.memory_space<vmem>>, %arg18: memref<64x192xf32, #tpu.memory_space<vmem>>, %arg19: memref<64x192xf32, #tpu.memory_space<vmem>>, %arg20: memref<1x192xf32, #tpu.memory_space<vmem>>, %arg21: memref<1x192xf32, #tpu.memory_space<vmem>>, %arg22: memref<1x1xf32, #tpu.memory_space<smem>>) attributes {dimension_semantics = [], scalar_prefetch = 0 : i64, scratch_operands = 0 : i64, tpu.core_type = #tpu.core_type<tc>} {
    %get3A = arith.constant 0 : index
    %get3A_0 = arith.constant 0 : index
    %get3A_1 = vector.load %arg0[%get3A, %get3A_0] : memref<64x3200xf32, #tpu.memory_space<vmem>>, vector<64x3200xf32>
    %get3A_2 = arith.constant 0 : index
    %get3A_3 = arith.constant 0 : index
    %get3A_4 = vector.load %arg1[%get3A_2, %get3A_3] : memref<64x3200xf32, #tpu.memory_space<vmem>>, vector<64x3200xf32>
    %get3A_5 = arith.constant 0 : index
    %get3A_6 = arith.constant 0 : index
    %get3A_7 = vector.load %arg12[%get3A_5, %get3A_6] : memref<64x128xf32, #tpu.memory_space<vmem>>, vector<64x128xf32>
    %dot_general3A = arith.constant dense<0.000000e+00> : vector<3200x128xf32>
    %dot_general3A_8 = tpu.matmul %get3A_1, %get3A_7, %dot_general3A {dimension_numbers = #tpu.dot_dimension_numbers<[0], [0], [1], [1], [0, 1, 1, 1], [], []>, transpose_lhs_hint = false} : vector<64x3200xf32>, vector<64x128xf32>, vector<3200x128xf32> -> vector<3200x128xf32>
    %get3A_9 = arith.constant 0 : index
    %get3A_10 = arith.constant 0 : index
    %get3A_11 = vector.load %arg13[%get3A_9, %get3A_10] : memref<64x128xf32, #tpu.memory_space<vmem>>, vector<64x128xf32>
    %dot_general3A_12 = arith.constant dense<0.000000e+00> : vector<3200x128xf32>
    %dot_general3A_13 = tpu.matmul %get3A_4, %get3A_11, %dot_general3A_12 {dimension_numbers = #tpu.dot_dimension_numbers<[0], [0], [1], [1], [0, 1, 1, 1], [], []>, transpose_lhs_hint = false} : vector<64x3200xf32>, vector<64x128xf32>, vector<3200x128xf32> -> vector<3200x128xf32>
    %add3A = arith.addf %dot_general3A_8, %dot_general3A_13 : vector<3200x128xf32>
    %get3A_14 = arith.constant 0 : index
    %get3A_15 = arith.constant 0 : index
    %get3A_16 = vector.load %arg14[%get3A_14, %get3A_15] : memref<1x128xf32, #tpu.memory_space<vmem>>, vector<1x128xf32>
    %add3A_17 = vector.broadcast %get3A_16 : vector<1x128xf32> to vector<3200x128xf32>
    %add3A_18 = arith.addf %add3A, %add3A_17 : vector<3200x128xf32>
    %max3A = arith.constant 0.000000e+00 : f32
    %max3A_19 = vector.broadcast %max3A : f32 to vector<3200x128xf32>
    %max3A_20 = arith.maximumf %add3A_18, %max3A_19 : vector<3200x128xf32>
    %get3A_21 = arith.constant 0 : index
    %get3A_22 = arith.constant 0 : index
    %get3A_23 = vector.load %arg15[%get3A_21, %get3A_22] : memref<128x64xf32, #tpu.memory_space<vmem>>, vector<128x64xf32>
    %dot_general3A_24 = arith.constant dense<0.000000e+00> : vector<3200x64xf32>
    %dot_general3A_25 = tpu.matmul %max3A_20, %get3A_23, %dot_general3A_24 {dimension_numbers = #tpu.dot_dimension_numbers<[1], [0], [0], [1], [0, 0, 1, 1], [], []>, transpose_lhs_hint = false} : vector<3200x128xf32>, vector<128x64xf32>, vector<3200x64xf32> -> vector<3200x64xf32>
    %get3A_26 = arith.constant 0 : index
    %get3A_27 = arith.constant 0 : index
    %get3A_28 = vector.load %arg16[%get3A_26, %get3A_27] : memref<1x64xf32, #tpu.memory_space<vmem>>, vector<1x64xf32>
    %add3A_29 = vector.broadcast %get3A_28 : vector<1x64xf32> to vector<3200x64xf32>
    %add3A_30 = arith.addf %dot_general3A_25, %add3A_29 : vector<3200x64xf32>
    %get3A_31 = arith.constant 0 : index
    %get3A_32 = arith.constant 0 : index
    %get3A_33 = vector.load %arg2[%get3A_31, %get3A_32] : memref<64x3200xf32, #tpu.memory_space<vmem>>, vector<64x3200xf32>
    %get3A_34 = arith.constant 0 : index
    %get3A_35 = arith.constant 0 : index
    %get3A_36 = vector.load %arg3[%get3A_34, %get3A_35] : memref<64x3200xf32, #tpu.memory_space<vmem>>, vector<64x3200xf32>
    %get3A_37 = arith.constant 0 : index
    %get3A_38 = arith.constant 0 : index
    %get3A_39 = vector.load %arg12[%get3A_37, %get3A_38] : memref<64x128xf32, #tpu.memory_space<vmem>>, vector<64x128xf32>
    %dot_general3A_40 = arith.constant dense<0.000000e+00> : vector<3200x128xf32>
    %dot_general3A_41 = tpu.matmul %get3A_33, %get3A_39, %dot_general3A_40 {dimension_numbers = #tpu.dot_dimension_numbers<[0], [0], [1], [1], [0, 1, 1, 1], [], []>, transpose_lhs_hint = false} : vector<64x3200xf32>, vector<64x128xf32>, vector<3200x128xf32> -> vector<3200x128xf32>
    %get3A_42 = arith.constant 0 : index
    %get3A_43 = arith.constant 0 : index
    %get3A_44 = vector.load %arg13[%get3A_42, %get3A_43] : memref<64x128xf32, #tpu.memory_space<vmem>>, vector<64x128xf32>
    %dot_general3A_45 = arith.constant dense<0.000000e+00> : vector<3200x128xf32>
    %dot_general3A_46 = tpu.matmul %get3A_36, %get3A_44, %dot_general3A_45 {dimension_numbers = #tpu.dot_dimension_numbers<[0], [0], [1], [1], [0, 1, 1, 1], [], []>, transpose_lhs_hint = false} : vector<64x3200xf32>, vector<64x128xf32>, vector<3200x128xf32> -> vector<3200x128xf32>
    %add3A_47 = arith.addf %dot_general3A_41, %dot_general3A_46 : vector<3200x128xf32>
    %get3A_48 = arith.constant 0 : index
    %get3A_49 = arith.constant 0 : index
    %get3A_50 = vector.load %arg14[%get3A_48, %get3A_49] : memref<1x128xf32, #tpu.memory_space<vmem>>, vector<1x128xf32>
    %add3A_51 = vector.broadcast %get3A_50 : vector<1x128xf32> to vector<3200x128xf32>
    %add3A_52 = arith.addf %add3A_47, %add3A_51 : vector<3200x128xf32>
    %max3A_53 = arith.constant 0.000000e+00 : f32
    %max3A_54 = vector.broadcast %max3A_53 : f32 to vector<3200x128xf32>
    %max3A_55 = arith.maximumf %add3A_52, %max3A_54 : vector<3200x128xf32>
    %get3A_56 = arith.constant 0 : index
    %get3A_57 = arith.constant 0 : index
    %get3A_58 = vector.load %arg15[%get3A_56, %get3A_57] : memref<128x64xf32, #tpu.memory_space<vmem>>, vector<128x64xf32>
    %dot_general3A_59 = arith.constant dense<0.000000e+00> : vector<3200x64xf32>
    %dot_general3A_60 = tpu.matmul %max3A_55, %get3A_58, %dot_general3A_59 {dimension_numbers = #tpu.dot_dimension_numbers<[1], [0], [0], [1], [0, 0, 1, 1], [], []>, transpose_lhs_hint = false} : vector<3200x128xf32>, vector<128x64xf32>, vector<3200x64xf32> -> vector<3200x64xf32>
    %get3A_61 = arith.constant 0 : index
    %get3A_62 = arith.constant 0 : index
    %get3A_63 = vector.load %arg16[%get3A_61, %get3A_62] : memref<1x64xf32, #tpu.memory_space<vmem>>, vector<1x64xf32>
    %add3A_64 = vector.broadcast %get3A_63 : vector<1x64xf32> to vector<3200x64xf32>
    %add3A_65 = arith.addf %dot_general3A_60, %add3A_64 : vector<3200x64xf32>
    %get3A_66 = arith.constant 0 : index
    %get3A_67 = arith.constant 0 : index
    %get3A_68 = vector.load %arg17[%get3A_66, %get3A_67] : memref<3x64xf32, #tpu.memory_space<vmem>>, vector<3x64xf32>
    %iota3A = tpu.iota {dimensions = array<i32: 0>} : vector<3x1xi32>
    %eq3A = arith.constant 1 : i32
    %eq3A_69 = vector.broadcast %eq3A : i32 to vector<3x1xi32>
    %eq3A_70 = arith.cmpi eq, %iota3A, %eq3A_69 : vector<3x1xi32>
    %jit3A = arith.constant 0.000000e+00 : f32
    %broadcast_in_dim3A = vector.shape_cast %eq3A_70 : vector<3x1xi1> to vector<3x1xi1>
    %broadcast_in_dim3A_71 = vector.broadcast %broadcast_in_dim3A : vector<3x1xi1> to vector<3x64xi1>
    %broadcast_in_dim3A_72 = vector.broadcast %jit3A : f32 to vector<3x64xf32>
    %select_n3A = arith.select %broadcast_in_dim3A_71, %broadcast_in_dim3A_72, %get3A_68 : vector<3x64xi1>, vector<3x64xf32>
    %mul3A = arith.mulf %select_n3A, %select_n3A : vector<3x64xf32>
    %reduce_sum3A = arith.constant dense<0.000000e+00> : vector<3xf32>
    %reduce_sum3A_73 = vector.multi_reduction <add>, %mul3A, %reduce_sum3A [1] : vector<3x64xf32> to vector<3xf32>
    %broadcast_in_dim3A_74 = vector.shape_cast %reduce_sum3A_73 : vector<3xf32> to vector<3x1xf32>
    %sqrt3A = math.sqrt %broadcast_in_dim3A_74 : vector<3x1xf32>
    %max3A_75 = arith.constant 9.99999996E-13 : f32
    %max3A_76 = vector.broadcast %max3A_75 : f32 to vector<3x1xf32>
    %max3A_77 = arith.maximumf %sqrt3A, %max3A_76 : vector<3x1xf32>
    %div3A = arith.constant 1.000000e+00 : f32
    %div3A_78 = vector.broadcast %div3A : f32 to vector<3x1xf32>
    %div3A_79 = arith.divf %div3A_78, %max3A_77 : vector<3x1xf32>
    %min3A = arith.constant 1.000000e+00 : f32
    %min3A_80 = vector.broadcast %min3A : f32 to vector<3x1xf32>
    %min3A_81 = arith.minimumf %min3A_80, %div3A_79 : vector<3x1xf32>
    %mul3A_82 = vector.broadcast %min3A_81 : vector<3x1xf32> to vector<3x64xf32>
    %mul3A_83 = arith.mulf %select_n3A, %mul3A_82 : vector<3x64xf32>
    %get3A_84 = arith.constant 0 : index
    %get3A_85 = arith.constant 0 : index
    %get3A_86 = vector.load %arg9[%get3A_84, %get3A_85] : memref<3200x1xi32, #tpu.memory_space<vmem>>, vector<3200x1xi32>
    %eq3A_87 = arith.constant -1 : i32
    %eq3A_88 = vector.broadcast %eq3A_87 : i32 to vector<3200x1xi32>
    %eq3A_89 = arith.cmpi eq, %get3A_86, %eq3A_88 : vector<3200x1xi32>
    %jit3A_90 = arith.constant 1.000000e+00 : f32
    %jit3A_91 = arith.constant 0.000000e+00 : f32
    %broadcast_in_dim3A_92 = vector.broadcast %jit3A_90 : f32 to vector<3200x1xf32>
    %broadcast_in_dim3A_93 = vector.broadcast %jit3A_91 : f32 to vector<3200x1xf32>
    %select_n3A_94 = arith.select %eq3A_89, %broadcast_in_dim3A_92, %broadcast_in_dim3A_93 : vector<3200x1xi1>, vector<3200x1xf32>
    %slice3A = vector.extract_strided_slice %mul3A_83 {offsets = [0, 0], sizes = [1, 64], strides = [1, 1]} : vector<3x64xf32> to vector<1x64xf32>
    %mul3A_95 = vector.broadcast %select_n3A_94 : vector<3200x1xf32> to vector<3200x64xf32>
    %mul3A_96 = vector.broadcast %slice3A : vector<1x64xf32> to vector<3200x64xf32>
    %mul3A_97 = arith.mulf %mul3A_95, %mul3A_96 : vector<3200x64xf32>
    %eq3A_98 = arith.constant 1 : i32
    %eq3A_99 = vector.broadcast %eq3A_98 : i32 to vector<3200x1xi32>
    %eq3A_100 = arith.cmpi eq, %get3A_86, %eq3A_99 : vector<3200x1xi32>
    %jit3A_101 = arith.constant 1.000000e+00 : f32
    %jit3A_102 = arith.constant 0.000000e+00 : f32
    %broadcast_in_dim3A_103 = vector.broadcast %jit3A_101 : f32 to vector<3200x1xf32>
    %broadcast_in_dim3A_104 = vector.broadcast %jit3A_102 : f32 to vector<3200x1xf32>
    %select_n3A_105 = arith.select %eq3A_100, %broadcast_in_dim3A_103, %broadcast_in_dim3A_104 : vector<3200x1xi1>, vector<3200x1xf32>
    %slice3A_106 = vector.extract_strided_slice %mul3A_83 {offsets = [2, 0], sizes = [1, 64], strides = [1, 1]} : vector<3x64xf32> to vector<1x64xf32>
    %mul3A_107 = vector.broadcast %select_n3A_105 : vector<3200x1xf32> to vector<3200x64xf32>
    %mul3A_108 = vector.broadcast %slice3A_106 : vector<1x64xf32> to vector<3200x64xf32>
    %mul3A_109 = arith.mulf %mul3A_107, %mul3A_108 : vector<3200x64xf32>
    %add3A_110 = arith.addf %mul3A_97, %mul3A_109 : vector<3200x64xf32>
    %add3A_111 = arith.addf %add3A_30, %add3A_110 : vector<3200x64xf32>
    %get3A_112 = arith.constant 0 : index
    %get3A_113 = arith.constant 0 : index
    %get3A_114 = vector.load %arg18[%get3A_112, %get3A_113] : memref<64x192xf32, #tpu.memory_space<vmem>>, vector<64x192xf32>
    %dot_general3A_115 = arith.constant dense<0.000000e+00> : vector<3200x192xf32>
    %dot_general3A_116 = tpu.matmul %add3A_111, %get3A_114, %dot_general3A_115 {dimension_numbers = #tpu.dot_dimension_numbers<[1], [0], [0], [1], [0, 0, 1, 1], [], []>, transpose_lhs_hint = false} : vector<3200x64xf32>, vector<64x192xf32>, vector<3200x192xf32> -> vector<3200x192xf32>
    %get3A_117 = arith.constant 0 : index
    %get3A_118 = arith.constant 0 : index
    %get3A_119 = vector.load %arg20[%get3A_117, %get3A_118] : memref<1x192xf32, #tpu.memory_space<vmem>>, vector<1x192xf32>
    %add3A_120 = vector.broadcast %get3A_119 : vector<1x192xf32> to vector<3200x192xf32>
    %add3A_121 = arith.addf %dot_general3A_116, %add3A_120 : vector<3200x192xf32>
    %reshape3A = vector.shape_cast %add3A_121 : vector<3200x192xf32> to vector<50x64x192xf32>
    %get3A_122 = arith.constant 0 : index
    %get3A_123 = arith.constant 0 : index
    %get3A_124 = vector.load %arg19[%get3A_122, %get3A_123] : memref<64x192xf32, #tpu.memory_space<vmem>>, vector<64x192xf32>
    %get3A_125 = arith.constant 0 : index
    %get3A_126 = arith.constant 0 : index
    %get3A_127 = vector.load %arg21[%get3A_125, %get3A_126] : memref<1x192xf32, #tpu.memory_space<vmem>>, vector<1x192xf32>
    %broadcast_in_dim3A_128 = arith.constant 0.000000e+00 : f32
    %broadcast_in_dim3A_129 = vector.broadcast %broadcast_in_dim3A_128 : f32 to vector<64x64xf32>
    %slice3A_130 = vector.extract_strided_slice %reshape3A {offsets = [0, 0, 0], sizes = [1, 64, 192], strides = [1, 1, 1]} : vector<50x64x192xf32> to vector<1x64x192xf32>
    %squeeze3A = vector.shape_cast %slice3A_130 : vector<1x64x192xf32> to vector<64x192xf32>
    %dot_general3A_131 = arith.constant dense<0.000000e+00> : vector<64x192xf32>
    %dot_general3A_132 = tpu.matmul %broadcast_in_dim3A_129, %get3A_124, %dot_general3A_131 {dimension_numbers = #tpu.dot_dimension_numbers<[1], [0], [0], [1], [0, 0, 1, 1], [], []>, transpose_lhs_hint = false} : vector<64x64xf32>, vector<64x192xf32>, vector<64x192xf32> -> vector<64x192xf32>
    %add3A_133 = vector.broadcast %get3A_127 : vector<1x192xf32> to vector<64x192xf32>
    %add3A_134 = arith.addf %dot_general3A_132, %add3A_133 : vector<64x192xf32>
    %slice3A_135 = vector.extract_strided_slice %squeeze3A {offsets = [0, 0], sizes = [64, 64], strides = [1, 1]} : vector<64x192xf32> to vector<64x64xf32>
    %slice3A_136 = vector.extract_strided_slice %add3A_134 {offsets = [0, 0], sizes = [64, 64], strides = [1, 1]} : vector<64x192xf32> to vector<64x64xf32>
    %add3A_137 = arith.addf %slice3A_135, %slice3A_136 : vector<64x64xf32>
    %logistic3A = arith.negf %add3A_137 : vector<64x64xf32>
    %logistic3A_138 = math.exp %logistic3A : vector<64x64xf32>
    %logistic3A_139 = arith.constant 1.000000e+00 : f32
    %logistic3A_140 = vector.broadcast %logistic3A_139 : f32 to vector<64x64xf32>
    %logistic3A_141 = arith.addf %logistic3A_140, %logistic3A_138 : vector<64x64xf32>
    %logistic3A_142 = arith.divf %logistic3A_140, %logistic3A_141 : vector<64x64xf32>
    %slice3A_143 = vector.extract_strided_slice %squeeze3A {offsets = [0, 64], sizes = [64, 64], strides = [1, 1]} : vector<64x192xf32> to vector<64x64xf32>
    %slice3A_144 = vector.extract_strided_slice %add3A_134 {offsets = [0, 64], sizes = [64, 64], strides = [1, 1]} : vector<64x192xf32> to vector<64x64xf32>
    %add3A_145 = arith.addf %slice3A_143, %slice3A_144 : vector<64x64xf32>
    %logistic3A_146 = arith.negf %add3A_145 : vector<64x64xf32>
    %logistic3A_147 = math.exp %logistic3A_146 : vector<64x64xf32>
    %logistic3A_148 = arith.constant 1.000000e+00 : f32
    %logistic3A_149 = vector.broadcast %logistic3A_148 : f32 to vector<64x64xf32>
    %logistic3A_150 = arith.addf %logistic3A_149, %logistic3A_147 : vector<64x64xf32>
    %logistic3A_151 = arith.divf %logistic3A_149, %logistic3A_150 : vector<64x64xf32>
    %slice3A_152 = vector.extract_strided_slice %squeeze3A {offsets = [0, 128], sizes = [64, 64], strides = [1, 1]} : vector<64x192xf32> to vector<64x64xf32>
    %slice3A_153 = vector.extract_strided_slice %add3A_134 {offsets = [0, 128], sizes = [64, 64], strides = [1, 1]} : vector<64x192xf32> to vector<64x64xf32>
    %mul3A_154 = arith.mulf %logistic3A_142, %slice3A_153 : vector<64x64xf32>
    %add3A_155 = arith.addf %slice3A_152, %mul3A_154 : vector<64x64xf32>
    %tanh3A = math.tanh %add3A_155 : vector<64x64xf32>
    %sub3A = arith.constant 1.000000e+00 : f32
    %sub3A_156 = vector.broadcast %sub3A : f32 to vector<64x64xf32>
    %sub3A_157 = arith.subf %sub3A_156, %logistic3A_151 : vector<64x64xf32>
    %mul3A_158 = arith.mulf %sub3A_157, %tanh3A : vector<64x64xf32>
    %mul3A_159 = arith.mulf %logistic3A_151, %broadcast_in_dim3A_129 : vector<64x64xf32>
    %add3A_160 = arith.addf %mul3A_158, %mul3A_159 : vector<64x64xf32>
    %slice3A_161 = vector.extract_strided_slice %reshape3A {offsets = [1, 0, 0], sizes = [1, 64, 192], strides = [1, 1, 1]} : vector<50x64x192xf32> to vector<1x64x192xf32>
    %squeeze3A_162 = vector.shape_cast %slice3A_161 : vector<1x64x192xf32> to vector<64x192xf32>
    %dot_general3A_163 = arith.constant dense<0.000000e+00> : vector<64x192xf32>
    %dot_general3A_164 = tpu.matmul %add3A_160, %get3A_124, %dot_general3A_163 {dimension_numbers = #tpu.dot_dimension_numbers<[1], [0], [0], [1], [0, 0, 1, 1], [], []>, transpose_lhs_hint = false} : vector<64x64xf32>, vector<64x192xf32>, vector<64x192xf32> -> vector<64x192xf32>
    %add3A_165 = vector.broadcast %get3A_127 : vector<1x192xf32> to vector<64x192xf32>
    %add3A_166 = arith.addf %dot_general3A_164, %add3A_165 : vector<64x192xf32>
    %slice3A_167 = vector.extract_strided_slice %squeeze3A_162 {offsets = [0, 0], sizes = [64, 64], strides = [1, 1]} : vector<64x192xf32> to vector<64x64xf32>
    %slice3A_168 = vector.extract_strided_slice %add3A_166 {offsets = [0, 0], sizes = [64, 64], strides = [1, 1]} : vector<64x192xf32> to vector<64x64xf32>
    %add3A_169 = arith.addf %slice3A_167, %slice3A_168 : vector<64x64xf32>
    %logistic3A_170 = arith.negf %add3A_169 : vector<64x64xf32>
    %logistic3A_171 = math.exp %logistic3A_170 : vector<64x64xf32>
    %logistic3A_172 = arith.constant 1.000000e+00 : f32
    %logistic3A_173 = vector.broadcast %logistic3A_172 : f32 to vector<64x64xf32>
    %logistic3A_174 = arith.addf %logistic3A_173, %logistic3A_171 : vector<64x64xf32>
    %logistic3A_175 = arith.divf %logistic3A_173, %logistic3A_174 : vector<64x64xf32>
    %slice3A_176 = vector.extract_strided_slice %squeeze3A_162 {offsets = [0, 64], sizes = [64, 64], strides = [1, 1]} : vector<64x192xf32> to vector<64x64xf32>
    %slice3A_177 = vector.extract_strided_slice %add3A_166 {offsets = [0, 64], sizes = [64, 64], strides = [1, 1]} : vector<64x192xf32> to vector<64x64xf32>
    %add3A_178 = arith.addf %slice3A_176, %slice3A_177 : vector<64x64xf32>
    %logistic3A_179 = arith.negf %add3A_178 : vector<64x64xf32>
    %logistic3A_180 = math.exp %logistic3A_179 : vector<64x64xf32>
    %logistic3A_181 = arith.constant 1.000000e+00 : f32
    %logistic3A_182 = vector.broadcast %logistic3A_181 : f32 to vector<64x64xf32>
    %logistic3A_183 = arith.addf %logistic3A_182, %logistic3A_180 : vector<64x64xf32>
    %logistic3A_184 = arith.divf %logistic3A_182, %logistic3A_183 : vector<64x64xf32>
    %slice3A_185 = vector.extract_strided_slice %squeeze3A_162 {offsets = [0, 128], sizes = [64, 64], strides = [1, 1]} : vector<64x192xf32> to vector<64x64xf32>
    %slice3A_186 = vector.extract_strided_slice %add3A_166 {offsets = [0, 128], sizes = [64, 64], strides = [1, 1]} : vector<64x192xf32> to vector<64x64xf32>
    %mul3A_187 = arith.mulf %logistic3A_175, %slice3A_186 : vector<64x64xf32>
    %add3A_188 = arith.addf %slice3A_185, %mul3A_187 : vector<64x64xf32>
    %tanh3A_189 = math.tanh %add3A_188 : vector<64x64xf32>
    %sub3A_190 = arith.constant 1.000000e+00 : f32
    %sub3A_191 = vector.broadcast %sub3A_190 : f32 to vector<64x64xf32>
    %sub3A_192 = arith.subf %sub3A_191, %logistic3A_184 : vector<64x64xf32>
    %mul3A_193 = arith.mulf %sub3A_192, %tanh3A_189 : vector<64x64xf32>
    %mul3A_194 = arith.mulf %logistic3A_184, %add3A_160 : vector<64x64xf32>
    %add3A_195 = arith.addf %mul3A_193, %mul3A_194 : vector<64x64xf32>
    %slice3A_196 = vector.extract_strided_slice %reshape3A {offsets = [2, 0, 0], sizes = [1, 64, 192], strides = [1, 1, 1]} : vector<50x64x192xf32> to vector<1x64x192xf32>
    %squeeze3A_197 = vector.shape_cast %slice3A_196 : vector<1x64x192xf32> to vector<64x192xf32>
    %dot_general3A_198 = arith.constant dense<0.000000e+00> : vector<64x192xf32>
    %dot_general3A_199 = tpu.matmul %add3A_195, %get3A_124, %dot_general3A_198 {dimension_numbers = #tpu.dot_dimension_numbers<[1], [0], [0], [1], [0, 0, 1, 1], [], []>, transpose_lhs_hint = false} : vector<64x64xf32>, vector<64x192xf32>, vector<64x192xf32> -> vector<64x192xf32>
    %add3A_200 = vector.broadcast %get3A_127 : vector<1x192xf32> to vector<64x192xf32>
    %add3A_201 = arith.addf %dot_general3A_199, %add3A_200 : vector<64x192xf32>
    %slice3A_202 = vector.extract_strided_slice %squeeze3A_197 {offsets = [0, 0], sizes = [64, 64], strides = [1, 1]} : vector<64x192xf32> to vector<64x64xf32>
    %slice3A_203 = vector.extract_strided_slice %add3A_201 {offsets = [0, 0], sizes = [64, 64], strides = [1, 1]} : vector<64x192xf32> to vector<64x64xf32>
    %add3A_204 = arith.addf %slice3A_202, %slice3A_203 : vector<64x64xf32>
    %logistic3A_205 = arith.negf %add3A_204 : vector<64x64xf32>
    %logistic3A_206 = math.exp %logistic3A_205 : vector<64x64xf32>
    %logistic3A_207 = arith.constant 1.000000e+00 : f32
    %logistic3A_208 = vector.broadcast %logistic3A_207 : f32 to vector<64x64xf32>
    %logistic3A_209 = arith.addf %logistic3A_208, %logistic3A_206 : vector<64x64xf32>
    %logistic3A_210 = arith.divf %logistic3A_208, %logistic3A_209 : vector<64x64xf32>
    %slice3A_211 = vector.extract_strided_slice %squeeze3A_197 {offsets = [0, 64], sizes = [64, 64], strides = [1, 1]} : vector<64x192xf32> to vector<64x64xf32>
    %slice3A_212 = vector.extract_strided_slice %add3A_201 {offsets = [0, 64], sizes = [64, 64], strides = [1, 1]} : vector<64x192xf32> to vector<64x64xf32>
    %add3A_213 = arith.addf %slice3A_211, %slice3A_212 : vector<64x64xf32>
    %logistic3A_214 = arith.negf %add3A_213 : vector<64x64xf32>
    %logistic3A_215 = math.exp %logistic3A_214 : vector<64x64xf32>
    %logistic3A_216 = arith.constant 1.000000e+00 : f32
    %logistic3A_217 = vector.broadcast %logistic3A_216 : f32 to vector<64x64xf32>
    %logistic3A_218 = arith.addf %logistic3A_217, %logistic3A_215 : vector<64x64xf32>
    %logistic3A_219 = arith.divf %logistic3A_217, %logistic3A_218 : vector<64x64xf32>
    %slice3A_220 = vector.extract_strided_slice %squeeze3A_197 {offsets = [0, 128], sizes = [64, 64], strides = [1, 1]} : vector<64x192xf32> to vector<64x64xf32>
    %slice3A_221 = vector.extract_strided_slice %add3A_201 {offsets = [0, 128], sizes = [64, 64], strides = [1, 1]} : vector<64x192xf32> to vector<64x64xf32>
    %mul3A_222 = arith.mulf %logistic3A_210, %slice3A_221 : vector<64x64xf32>
    %add3A_223 = arith.addf %slice3A_220, %mul3A_222 : vector<64x64xf32>
    %tanh3A_224 = math.tanh %add3A_223 : vector<64x64xf32>
    %sub3A_225 = arith.constant 1.000000e+00 : f32
    %sub3A_226 = vector.broadcast %sub3A_225 : f32 to vector<64x64xf32>
    %sub3A_227 = arith.subf %sub3A_226, %logistic3A_219 : vector<64x64xf32>
    %mul3A_228 = arith.mulf %sub3A_227, %tanh3A_224 : vector<64x64xf32>
    %mul3A_229 = arith.mulf %logistic3A_219, %add3A_195 : vector<64x64xf32>
    %add3A_230 = arith.addf %mul3A_228, %mul3A_229 : vector<64x64xf32>
    %slice3A_231 = vector.extract_strided_slice %reshape3A {offsets = [3, 0, 0], sizes = [1, 64, 192], strides = [1, 1, 1]} : vector<50x64x192xf32> to vector<1x64x192xf32>
    %squeeze3A_232 = vector.shape_cast %slice3A_231 : vector<1x64x192xf32> to vector<64x192xf32>
    %dot_general3A_233 = arith.constant dense<0.000000e+00> : vector<64x192xf32>
    %dot_general3A_234 = tpu.matmul %add3A_230, %get3A_124, %dot_general3A_233 {dimension_numbers = #tpu.dot_dimension_numbers<[1], [0], [0], [1], [0, 0, 1, 1], [], []>, transpose_lhs_hint = false} : vector<64x64xf32>, vector<64x192xf32>, vector<64x192xf32> -> vector<64x192xf32>
    %add3A_235 = vector.broadcast %get3A_127 : vector<1x192xf32> to vector<64x192xf32>
    %add3A_236 = arith.addf %dot_general3A_234, %add3A_235 : vector<64x192xf32>
    %slice3A_237 = vector.extract_strided_slice %squeeze3A_232 {offsets = [0, 0], sizes = [64, 64], strides = [1, 1]} : vector<64x192xf32> to vector<64x64xf32>
    %slice3A_238 = vector.extract_strided_slice %add3A_236 {offsets = [0, 0], sizes = [64, 64], strides = [1, 1]} : vector<64x192xf32> to vector<64x64xf32>
    %add3A_239 = arith.addf %slice3A_237, %slice3A_238 : vector<64x64xf32>
    %logistic3A_240 = arith.negf %add3A_239 : vector<64x64xf32>
    %logistic3A_241 = math.exp %logistic3A_240 : vector<64x64xf32>
    %logistic3A_242 = arith.constant 1.000000e+00 : f32
    %logistic3A_243 = vector.broadcast %logistic3A_242 : f32 to vector<64x64xf32>
    %logistic3A_244 = arith.addf %logistic3A_243, %logistic3A_241 : vector<64x64xf32>
    %logistic3A_245 = arith.divf %logistic3A_243, %logistic3A_244 : vector<64x64xf32>
    %slice3A_246 = vector.extract_strided_slice %squeeze3A_232 {offsets = [0, 64], sizes = [64, 64], strides = [1, 1]} : vector<64x192xf32> to vector<64x64xf32>
    %slice3A_247 = vector.extract_strided_slice %add3A_236 {offsets = [0, 64], sizes = [64, 64], strides = [1, 1]} : vector<64x192xf32> to vector<64x64xf32>
    %add3A_248 = arith.addf %slice3A_246, %slice3A_247 : vector<64x64xf32>
    %logistic3A_249 = arith.negf %add3A_248 : vector<64x64xf32>
    %logistic3A_250 = math.exp %logistic3A_249 : vector<64x64xf32>
    %logistic3A_251 = arith.constant 1.000000e+00 : f32
    %logistic3A_252 = vector.broadcast %logistic3A_251 : f32 to vector<64x64xf32>
    %logistic3A_253 = arith.addf %logistic3A_252, %logistic3A_250 : vector<64x64xf32>
    %logistic3A_254 = arith.divf %logistic3A_252, %logistic3A_253 : vector<64x64xf32>
    %slice3A_255 = vector.extract_strided_slice %squeeze3A_232 {offsets = [0, 128], sizes = [64, 64], strides = [1, 1]} : vector<64x192xf32> to vector<64x64xf32>
    %slice3A_256 = vector.extract_strided_slice %add3A_236 {offsets = [0, 128], sizes = [64, 64], strides = [1, 1]} : vector<64x192xf32> to vector<64x64xf32>
    %mul3A_257 = arith.mulf %logistic3A_245, %slice3A_256 : vector<64x64xf32>
    %add3A_258 = arith.addf %slice3A_255, %mul3A_257 : vector<64x64xf32>
    %tanh3A_259 = math.tanh %add3A_258 : vector<64x64xf32>
    %sub3A_260 = arith.constant 1.000000e+00 : f32
    %sub3A_261 = vector.broadcast %sub3A_260 : f32 to vector<64x64xf32>
    %sub3A_262 = arith.subf %sub3A_261, %logistic3A_254 : vector<64x64xf32>
    %mul3A_263 = arith.mulf %sub3A_262, %tanh3A_259 : vector<64x64xf32>
    %mul3A_264 = arith.mulf %logistic3A_254, %add3A_230 : vector<64x64xf32>
    %add3A_265 = arith.addf %mul3A_263, %mul3A_264 : vector<64x64xf32>
    %slice3A_266 = vector.extract_strided_slice %reshape3A {offsets = [4, 0, 0], sizes = [1, 64, 192], strides = [1, 1, 1]} : vector<50x64x192xf32> to vector<1x64x192xf32>
    %squeeze3A_267 = vector.shape_cast %slice3A_266 : vector<1x64x192xf32> to vector<64x192xf32>
    %dot_general3A_268 = arith.constant dense<0.000000e+00> : vector<64x192xf32>
    %dot_general3A_269 = tpu.matmul %add3A_265, %get3A_124, %dot_general3A_268 {dimension_numbers = #tpu.dot_dimension_numbers<[1], [0], [0], [1], [0, 0, 1, 1], [], []>, transpose_lhs_hint = false} : vector<64x64xf32>, vector<64x192xf32>, vector<64x192xf32> -> vector<64x192xf32>
    %add3A_270 = vector.broadcast %get3A_127 : vector<1x192xf32> to vector<64x192xf32>
    %add3A_271 = arith.addf %dot_general3A_269, %add3A_270 : vector<64x192xf32>
    %slice3A_272 = vector.extract_strided_slice %squeeze3A_267 {offsets = [0, 0], sizes = [64, 64], strides = [1, 1]} : vector<64x192xf32> to vector<64x64xf32>
    %slice3A_273 = vector.extract_strided_slice %add3A_271 {offsets = [0, 0], sizes = [64, 64], strides = [1, 1]} : vector<64x192xf32> to vector<64x64xf32>
    %add3A_274 = arith.addf %slice3A_272, %slice3A_273 : vector<64x64xf32>
    %logistic3A_275 = arith.negf %add3A_274 : vector<64x64xf32>
    %logistic3A_276 = math.exp %logistic3A_275 : vector<64x64xf32>
    %logistic3A_277 = arith.constant 1.000000e+00 : f32
    %logistic3A_278 = vector.broadcast %logistic3A_277 : f32 to vector<64x64xf32>
    %logistic3A_279 = arith.addf %logistic3A_278, %logistic3A_276 : vector<64x64xf32>
    %logistic3A_280 = arith.divf %logistic3A_278, %logistic3A_279 : vector<64x64xf32>
    %slice3A_281 = vector.extract_strided_slice %squeeze3A_267 {offsets = [0, 64], sizes = [64, 64], strides = [1, 1]} : vector<64x192xf32> to vector<64x64xf32>
    %slice3A_282 = vector.extract_strided_slice %add3A_271 {offsets = [0, 64], sizes = [64, 64], strides = [1, 1]} : vector<64x192xf32> to vector<64x64xf32>
    %add3A_283 = arith.addf %slice3A_281, %slice3A_282 : vector<64x64xf32>
    %logistic3A_284 = arith.negf %add3A_283 : vector<64x64xf32>
    %logistic3A_285 = math.exp %logistic3A_284 : vector<64x64xf32>
    %logistic3A_286 = arith.constant 1.000000e+00 : f32
    %logistic3A_287 = vector.broadcast %logistic3A_286 : f32 to vector<64x64xf32>
    %logistic3A_288 = arith.addf %logistic3A_287, %logistic3A_285 : vector<64x64xf32>
    %logistic3A_289 = arith.divf %logistic3A_287, %logistic3A_288 : vector<64x64xf32>
    %slice3A_290 = vector.extract_strided_slice %squeeze3A_267 {offsets = [0, 128], sizes = [64, 64], strides = [1, 1]} : vector<64x192xf32> to vector<64x64xf32>
    %slice3A_291 = vector.extract_strided_slice %add3A_271 {offsets = [0, 128], sizes = [64, 64], strides = [1, 1]} : vector<64x192xf32> to vector<64x64xf32>
    %mul3A_292 = arith.mulf %logistic3A_280, %slice3A_291 : vector<64x64xf32>
    %add3A_293 = arith.addf %slice3A_290, %mul3A_292 : vector<64x64xf32>
    %tanh3A_294 = math.tanh %add3A_293 : vector<64x64xf32>
    %sub3A_295 = arith.constant 1.000000e+00 : f32
    %sub3A_296 = vector.broadcast %sub3A_295 : f32 to vector<64x64xf32>
    %sub3A_297 = arith.subf %sub3A_296, %logistic3A_289 : vector<64x64xf32>
    %mul3A_298 = arith.mulf %sub3A_297, %tanh3A_294 : vector<64x64xf32>
    %mul3A_299 = arith.mulf %logistic3A_289, %add3A_265 : vector<64x64xf32>
    %add3A_300 = arith.addf %mul3A_298, %mul3A_299 : vector<64x64xf32>
    %slice3A_301 = vector.extract_strided_slice %reshape3A {offsets = [5, 0, 0], sizes = [1, 64, 192], strides = [1, 1, 1]} : vector<50x64x192xf32> to vector<1x64x192xf32>
    %squeeze3A_302 = vector.shape_cast %slice3A_301 : vector<1x64x192xf32> to vector<64x192xf32>
    %dot_general3A_303 = arith.constant dense<0.000000e+00> : vector<64x192xf32>
    %dot_general3A_304 = tpu.matmul %add3A_300, %get3A_124, %dot_general3A_303 {dimension_numbers = #tpu.dot_dimension_numbers<[1], [0], [0], [1], [0, 0, 1, 1], [], []>, transpose_lhs_hint = false} : vector<64x64xf32>, vector<64x192xf32>, vector<64x192xf32> -> vector<64x192xf32>
    %add3A_305 = vector.broadcast %get3A_127 : vector<1x192xf32> to vector<64x192xf32>
    %add3A_306 = arith.addf %dot_general3A_304, %add3A_305 : vector<64x192xf32>
    %slice3A_307 = vector.extract_strided_slice %squeeze3A_302 {offsets = [0, 0], sizes = [64, 64], strides = [1, 1]} : vector<64x192xf32> to vector<64x64xf32>
    %slice3A_308 = vector.extract_strided_slice %add3A_306 {offsets = [0, 0], sizes = [64, 64], strides = [1, 1]} : vector<64x192xf32> to vector<64x64xf32>
    %add3A_309 = arith.addf %slice3A_307, %slice3A_308 : vector<64x64xf32>
    %logistic3A_310 = arith.negf %add3A_309 : vector<64x64xf32>
    %logistic3A_311 = math.exp %logistic3A_310 : vector<64x64xf32>
    %logistic3A_312 = arith.constant 1.000000e+00 : f32
    %logistic3A_313 = vector.broadcast %logistic3A_312 : f32 to vector<64x64xf32>
    %logistic3A_314 = arith.addf %logistic3A_313, %logistic3A_311 : vector<64x64xf32>
    %logistic3A_315 = arith.divf %logistic3A_313, %logistic3A_314 : vector<64x64xf32>
    %slice3A_316 = vector.extract_strided_slice %squeeze3A_302 {offsets = [0, 64], sizes = [64, 64], strides = [1, 1]} : vector<64x192xf32> to vector<64x64xf32>
    %slice3A_317 = vector.extract_strided_slice %add3A_306 {offsets = [0, 64], sizes = [64, 64], strides = [1, 1]} : vector<64x192xf32> to vector<64x64xf32>
    %add3A_318 = arith.addf %slice3A_316, %slice3A_317 : vector<64x64xf32>
    %logistic3A_319 = arith.negf %add3A_318 : vector<64x64xf32>
    %logistic3A_320 = math.exp %logistic3A_319 : vector<64x64xf32>
    %logistic3A_321 = arith.constant 1.000000e+00 : f32
    %logistic3A_322 = vector.broadcast %logistic3A_321 : f32 to vector<64x64xf32>
    %logistic3A_323 = arith.addf %logistic3A_322, %logistic3A_320 : vector<64x64xf32>
    %logistic3A_324 = arith.divf %logistic3A_322, %logistic3A_323 : vector<64x64xf32>
    %slice3A_325 = vector.extract_strided_slice %squeeze3A_302 {offsets = [0, 128], sizes = [64, 64], strides = [1, 1]} : vector<64x192xf32> to vector<64x64xf32>
    %slice3A_326 = vector.extract_strided_slice %add3A_306 {offsets = [0, 128], sizes = [64, 64], strides = [1, 1]} : vector<64x192xf32> to vector<64x64xf32>
    %mul3A_327 = arith.mulf %logistic3A_315, %slice3A_326 : vector<64x64xf32>
    %add3A_328 = arith.addf %slice3A_325, %mul3A_327 : vector<64x64xf32>
    %tanh3A_329 = math.tanh %add3A_328 : vector<64x64xf32>
    %sub3A_330 = arith.constant 1.000000e+00 : f32
    %sub3A_331 = vector.broadcast %sub3A_330 : f32 to vector<64x64xf32>
    %sub3A_332 = arith.subf %sub3A_331, %logistic3A_324 : vector<64x64xf32>
    %mul3A_333 = arith.mulf %sub3A_332, %tanh3A_329 : vector<64x64xf32>
    %mul3A_334 = arith.mulf %logistic3A_324, %add3A_300 : vector<64x64xf32>
    %add3A_335 = arith.addf %mul3A_333, %mul3A_334 : vector<64x64xf32>
    %slice3A_336 = vector.extract_strided_slice %reshape3A {offsets = [6, 0, 0], sizes = [1, 64, 192], strides = [1, 1, 1]} : vector<50x64x192xf32> to vector<1x64x192xf32>
    %squeeze3A_337 = vector.shape_cast %slice3A_336 : vector<1x64x192xf32> to vector<64x192xf32>
    %dot_general3A_338 = arith.constant dense<0.000000e+00> : vector<64x192xf32>
    %dot_general3A_339 = tpu.matmul %add3A_335, %get3A_124, %dot_general3A_338 {dimension_numbers = #tpu.dot_dimension_numbers<[1], [0], [0], [1], [0, 0, 1, 1], [], []>, transpose_lhs_hint = false} : vector<64x64xf32>, vector<64x192xf32>, vector<64x192xf32> -> vector<64x192xf32>
    %add3A_340 = vector.broadcast %get3A_127 : vector<1x192xf32> to vector<64x192xf32>
    %add3A_341 = arith.addf %dot_general3A_339, %add3A_340 : vector<64x192xf32>
    %slice3A_342 = vector.extract_strided_slice %squeeze3A_337 {offsets = [0, 0], sizes = [64, 64], strides = [1, 1]} : vector<64x192xf32> to vector<64x64xf32>
    %slice3A_343 = vector.extract_strided_slice %add3A_341 {offsets = [0, 0], sizes = [64, 64], strides = [1, 1]} : vector<64x192xf32> to vector<64x64xf32>
    %add3A_344 = arith.addf %slice3A_342, %slice3A_343 : vector<64x64xf32>
    %logistic3A_345 = arith.negf %add3A_344 : vector<64x64xf32>
    %logistic3A_346 = math.exp %logistic3A_345 : vector<64x64xf32>
    %logistic3A_347 = arith.constant 1.000000e+00 : f32
    %logistic3A_348 = vector.broadcast %logistic3A_347 : f32 to vector<64x64xf32>
    %logistic3A_349 = arith.addf %logistic3A_348, %logistic3A_346 : vector<64x64xf32>
    %logistic3A_350 = arith.divf %logistic3A_348, %logistic3A_349 : vector<64x64xf32>
    %slice3A_351 = vector.extract_strided_slice %squeeze3A_337 {offsets = [0, 64], sizes = [64, 64], strides = [1, 1]} : vector<64x192xf32> to vector<64x64xf32>
    %slice3A_352 = vector.extract_strided_slice %add3A_341 {offsets = [0, 64], sizes = [64, 64], strides = [1, 1]} : vector<64x192xf32> to vector<64x64xf32>
    %add3A_353 = arith.addf %slice3A_351, %slice3A_352 : vector<64x64xf32>
    %logistic3A_354 = arith.negf %add3A_353 : vector<64x64xf32>
    %logistic3A_355 = math.exp %logistic3A_354 : vector<64x64xf32>
    %logistic3A_356 = arith.constant 1.000000e+00 : f32
    %logistic3A_357 = vector.broadcast %logistic3A_356 : f32 to vector<64x64xf32>
    %logistic3A_358 = arith.addf %logistic3A_357, %logistic3A_355 : vector<64x64xf32>
    %logistic3A_359 = arith.divf %logistic3A_357, %logistic3A_358 : vector<64x64xf32>
    %slice3A_360 = vector.extract_strided_slice %squeeze3A_337 {offsets = [0, 128], sizes = [64, 64], strides = [1, 1]} : vector<64x192xf32> to vector<64x64xf32>
    %slice3A_361 = vector.extract_strided_slice %add3A_341 {offsets = [0, 128], sizes = [64, 64], strides = [1, 1]} : vector<64x192xf32> to vector<64x64xf32>
    %mul3A_362 = arith.mulf %logistic3A_350, %slice3A_361 : vector<64x64xf32>
    %add3A_363 = arith.addf %slice3A_360, %mul3A_362 : vector<64x64xf32>
    %tanh3A_364 = math.tanh %add3A_363 : vector<64x64xf32>
    %sub3A_365 = arith.constant 1.000000e+00 : f32
    %sub3A_366 = vector.broadcast %sub3A_365 : f32 to vector<64x64xf32>
    %sub3A_367 = arith.subf %sub3A_366, %logistic3A_359 : vector<64x64xf32>
    %mul3A_368 = arith.mulf %sub3A_367, %tanh3A_364 : vector<64x64xf32>
    %mul3A_369 = arith.mulf %logistic3A_359, %add3A_335 : vector<64x64xf32>
    %add3A_370 = arith.addf %mul3A_368, %mul3A_369 : vector<64x64xf32>
    %slice3A_371 = vector.extract_strided_slice %reshape3A {offsets = [7, 0, 0], sizes = [1, 64, 192], strides = [1, 1, 1]} : vector<50x64x192xf32> to vector<1x64x192xf32>
    %squeeze3A_372 = vector.shape_cast %slice3A_371 : vector<1x64x192xf32> to vector<64x192xf32>
    %dot_general3A_373 = arith.constant dense<0.000000e+00> : vector<64x192xf32>
    %dot_general3A_374 = tpu.matmul %add3A_370, %get3A_124, %dot_general3A_373 {dimension_numbers = #tpu.dot_dimension_numbers<[1], [0], [0], [1], [0, 0, 1, 1], [], []>, transpose_lhs_hint = false} : vector<64x64xf32>, vector<64x192xf32>, vector<64x192xf32> -> vector<64x192xf32>
    %add3A_375 = vector.broadcast %get3A_127 : vector<1x192xf32> to vector<64x192xf32>
    %add3A_376 = arith.addf %dot_general3A_374, %add3A_375 : vector<64x192xf32>
    %slice3A_377 = vector.extract_strided_slice %squeeze3A_372 {offsets = [0, 0], sizes = [64, 64], strides = [1, 1]} : vector<64x192xf32> to vector<64x64xf32>
    %slice3A_378 = vector.extract_strided_slice %add3A_376 {offsets = [0, 0], sizes = [64, 64], strides = [1, 1]} : vector<64x192xf32> to vector<64x64xf32>
    %add3A_379 = arith.addf %slice3A_377, %slice3A_378 : vector<64x64xf32>
    %logistic3A_380 = arith.negf %add3A_379 : vector<64x64xf32>
    %logistic3A_381 = math.exp %logistic3A_380 : vector<64x64xf32>
    %logistic3A_382 = arith.constant 1.000000e+00 : f32
    %logistic3A_383 = vector.broadcast %logistic3A_382 : f32 to vector<64x64xf32>
    %logistic3A_384 = arith.addf %logistic3A_383, %logistic3A_381 : vector<64x64xf32>
    %logistic3A_385 = arith.divf %logistic3A_383, %logistic3A_384 : vector<64x64xf32>
    %slice3A_386 = vector.extract_strided_slice %squeeze3A_372 {offsets = [0, 64], sizes = [64, 64], strides = [1, 1]} : vector<64x192xf32> to vector<64x64xf32>
    %slice3A_387 = vector.extract_strided_slice %add3A_376 {offsets = [0, 64], sizes = [64, 64], strides = [1, 1]} : vector<64x192xf32> to vector<64x64xf32>
    %add3A_388 = arith.addf %slice3A_386, %slice3A_387 : vector<64x64xf32>
    %logistic3A_389 = arith.negf %add3A_388 : vector<64x64xf32>
    %logistic3A_390 = math.exp %logistic3A_389 : vector<64x64xf32>
    %logistic3A_391 = arith.constant 1.000000e+00 : f32
    %logistic3A_392 = vector.broadcast %logistic3A_391 : f32 to vector<64x64xf32>
    %logistic3A_393 = arith.addf %logistic3A_392, %logistic3A_390 : vector<64x64xf32>
    %logistic3A_394 = arith.divf %logistic3A_392, %logistic3A_393 : vector<64x64xf32>
    %slice3A_395 = vector.extract_strided_slice %squeeze3A_372 {offsets = [0, 128], sizes = [64, 64], strides = [1, 1]} : vector<64x192xf32> to vector<64x64xf32>
    %slice3A_396 = vector.extract_strided_slice %add3A_376 {offsets = [0, 128], sizes = [64, 64], strides = [1, 1]} : vector<64x192xf32> to vector<64x64xf32>
    %mul3A_397 = arith.mulf %logistic3A_385, %slice3A_396 : vector<64x64xf32>
    %add3A_398 = arith.addf %slice3A_395, %mul3A_397 : vector<64x64xf32>
    %tanh3A_399 = math.tanh %add3A_398 : vector<64x64xf32>
    %sub3A_400 = arith.constant 1.000000e+00 : f32
    %sub3A_401 = vector.broadcast %sub3A_400 : f32 to vector<64x64xf32>
    %sub3A_402 = arith.subf %sub3A_401, %logistic3A_394 : vector<64x64xf32>
    %mul3A_403 = arith.mulf %sub3A_402, %tanh3A_399 : vector<64x64xf32>
    %mul3A_404 = arith.mulf %logistic3A_394, %add3A_370 : vector<64x64xf32>
    %add3A_405 = arith.addf %mul3A_403, %mul3A_404 : vector<64x64xf32>
    %slice3A_406 = vector.extract_strided_slice %reshape3A {offsets = [8, 0, 0], sizes = [1, 64, 192], strides = [1, 1, 1]} : vector<50x64x192xf32> to vector<1x64x192xf32>
    %squeeze3A_407 = vector.shape_cast %slice3A_406 : vector<1x64x192xf32> to vector<64x192xf32>
    %dot_general3A_408 = arith.constant dense<0.000000e+00> : vector<64x192xf32>
    %dot_general3A_409 = tpu.matmul %add3A_405, %get3A_124, %dot_general3A_408 {dimension_numbers = #tpu.dot_dimension_numbers<[1], [0], [0], [1], [0, 0, 1, 1], [], []>, transpose_lhs_hint = false} : vector<64x64xf32>, vector<64x192xf32>, vector<64x192xf32> -> vector<64x192xf32>
    %add3A_410 = vector.broadcast %get3A_127 : vector<1x192xf32> to vector<64x192xf32>
    %add3A_411 = arith.addf %dot_general3A_409, %add3A_410 : vector<64x192xf32>
    %slice3A_412 = vector.extract_strided_slice %squeeze3A_407 {offsets = [0, 0], sizes = [64, 64], strides = [1, 1]} : vector<64x192xf32> to vector<64x64xf32>
    %slice3A_413 = vector.extract_strided_slice %add3A_411 {offsets = [0, 0], sizes = [64, 64], strides = [1, 1]} : vector<64x192xf32> to vector<64x64xf32>
    %add3A_414 = arith.addf %slice3A_412, %slice3A_413 : vector<64x64xf32>
    %logistic3A_415 = arith.negf %add3A_414 : vector<64x64xf32>
    %logistic3A_416 = math.exp %logistic3A_415 : vector<64x64xf32>
    %logistic3A_417 = arith.constant 1.000000e+00 : f32
    %logistic3A_418 = vector.broadcast %logistic3A_417 : f32 to vector<64x64xf32>
    %logistic3A_419 = arith.addf %logistic3A_418, %logistic3A_416 : vector<64x64xf32>
    %logistic3A_420 = arith.divf %logistic3A_418, %logistic3A_419 : vector<64x64xf32>
    %slice3A_421 = vector.extract_strided_slice %squeeze3A_407 {offsets = [0, 64], sizes = [64, 64], strides = [1, 1]} : vector<64x192xf32> to vector<64x64xf32>
    %slice3A_422 = vector.extract_strided_slice %add3A_411 {offsets = [0, 64], sizes = [64, 64], strides = [1, 1]} : vector<64x192xf32> to vector<64x64xf32>
    %add3A_423 = arith.addf %slice3A_421, %slice3A_422 : vector<64x64xf32>
    %logistic3A_424 = arith.negf %add3A_423 : vector<64x64xf32>
    %logistic3A_425 = math.exp %logistic3A_424 : vector<64x64xf32>
    %logistic3A_426 = arith.constant 1.000000e+00 : f32
    %logistic3A_427 = vector.broadcast %logistic3A_426 : f32 to vector<64x64xf32>
    %logistic3A_428 = arith.addf %logistic3A_427, %logistic3A_425 : vector<64x64xf32>
    %logistic3A_429 = arith.divf %logistic3A_427, %logistic3A_428 : vector<64x64xf32>
    %slice3A_430 = vector.extract_strided_slice %squeeze3A_407 {offsets = [0, 128], sizes = [64, 64], strides = [1, 1]} : vector<64x192xf32> to vector<64x64xf32>
    %slice3A_431 = vector.extract_strided_slice %add3A_411 {offsets = [0, 128], sizes = [64, 64], strides = [1, 1]} : vector<64x192xf32> to vector<64x64xf32>
    %mul3A_432 = arith.mulf %logistic3A_420, %slice3A_431 : vector<64x64xf32>
    %add3A_433 = arith.addf %slice3A_430, %mul3A_432 : vector<64x64xf32>
    %tanh3A_434 = math.tanh %add3A_433 : vector<64x64xf32>
    %sub3A_435 = arith.constant 1.000000e+00 : f32
    %sub3A_436 = vector.broadcast %sub3A_435 : f32 to vector<64x64xf32>
    %sub3A_437 = arith.subf %sub3A_436, %logistic3A_429 : vector<64x64xf32>
    %mul3A_438 = arith.mulf %sub3A_437, %tanh3A_434 : vector<64x64xf32>
    %mul3A_439 = arith.mulf %logistic3A_429, %add3A_405 : vector<64x64xf32>
    %add3A_440 = arith.addf %mul3A_438, %mul3A_439 : vector<64x64xf32>
    %slice3A_441 = vector.extract_strided_slice %reshape3A {offsets = [9, 0, 0], sizes = [1, 64, 192], strides = [1, 1, 1]} : vector<50x64x192xf32> to vector<1x64x192xf32>
    %squeeze3A_442 = vector.shape_cast %slice3A_441 : vector<1x64x192xf32> to vector<64x192xf32>
    %dot_general3A_443 = arith.constant dense<0.000000e+00> : vector<64x192xf32>
    %dot_general3A_444 = tpu.matmul %add3A_440, %get3A_124, %dot_general3A_443 {dimension_numbers = #tpu.dot_dimension_numbers<[1], [0], [0], [1], [0, 0, 1, 1], [], []>, transpose_lhs_hint = false} : vector<64x64xf32>, vector<64x192xf32>, vector<64x192xf32> -> vector<64x192xf32>
    %add3A_445 = vector.broadcast %get3A_127 : vector<1x192xf32> to vector<64x192xf32>
    %add3A_446 = arith.addf %dot_general3A_444, %add3A_445 : vector<64x192xf32>
    %slice3A_447 = vector.extract_strided_slice %squeeze3A_442 {offsets = [0, 0], sizes = [64, 64], strides = [1, 1]} : vector<64x192xf32> to vector<64x64xf32>
    %slice3A_448 = vector.extract_strided_slice %add3A_446 {offsets = [0, 0], sizes = [64, 64], strides = [1, 1]} : vector<64x192xf32> to vector<64x64xf32>
    %add3A_449 = arith.addf %slice3A_447, %slice3A_448 : vector<64x64xf32>
    %logistic3A_450 = arith.negf %add3A_449 : vector<64x64xf32>
    %logistic3A_451 = math.exp %logistic3A_450 : vector<64x64xf32>
    %logistic3A_452 = arith.constant 1.000000e+00 : f32
    %logistic3A_453 = vector.broadcast %logistic3A_452 : f32 to vector<64x64xf32>
    %logistic3A_454 = arith.addf %logistic3A_453, %logistic3A_451 : vector<64x64xf32>
    %logistic3A_455 = arith.divf %logistic3A_453, %logistic3A_454 : vector<64x64xf32>
    %slice3A_456 = vector.extract_strided_slice %squeeze3A_442 {offsets = [0, 64], sizes = [64, 64], strides = [1, 1]} : vector<64x192xf32> to vector<64x64xf32>
    %slice3A_457 = vector.extract_strided_slice %add3A_446 {offsets = [0, 64], sizes = [64, 64], strides = [1, 1]} : vector<64x192xf32> to vector<64x64xf32>
    %add3A_458 = arith.addf %slice3A_456, %slice3A_457 : vector<64x64xf32>
    %logistic3A_459 = arith.negf %add3A_458 : vector<64x64xf32>
    %logistic3A_460 = math.exp %logistic3A_459 : vector<64x64xf32>
    %logistic3A_461 = arith.constant 1.000000e+00 : f32
    %logistic3A_462 = vector.broadcast %logistic3A_461 : f32 to vector<64x64xf32>
    %logistic3A_463 = arith.addf %logistic3A_462, %logistic3A_460 : vector<64x64xf32>
    %logistic3A_464 = arith.divf %logistic3A_462, %logistic3A_463 : vector<64x64xf32>
    %slice3A_465 = vector.extract_strided_slice %squeeze3A_442 {offsets = [0, 128], sizes = [64, 64], strides = [1, 1]} : vector<64x192xf32> to vector<64x64xf32>
    %slice3A_466 = vector.extract_strided_slice %add3A_446 {offsets = [0, 128], sizes = [64, 64], strides = [1, 1]} : vector<64x192xf32> to vector<64x64xf32>
    %mul3A_467 = arith.mulf %logistic3A_455, %slice3A_466 : vector<64x64xf32>
    %add3A_468 = arith.addf %slice3A_465, %mul3A_467 : vector<64x64xf32>
    %tanh3A_469 = math.tanh %add3A_468 : vector<64x64xf32>
    %sub3A_470 = arith.constant 1.000000e+00 : f32
    %sub3A_471 = vector.broadcast %sub3A_470 : f32 to vector<64x64xf32>
    %sub3A_472 = arith.subf %sub3A_471, %logistic3A_464 : vector<64x64xf32>
    %mul3A_473 = arith.mulf %sub3A_472, %tanh3A_469 : vector<64x64xf32>
    %mul3A_474 = arith.mulf %logistic3A_464, %add3A_440 : vector<64x64xf32>
    %add3A_475 = arith.addf %mul3A_473, %mul3A_474 : vector<64x64xf32>
    %slice3A_476 = vector.extract_strided_slice %reshape3A {offsets = [10, 0, 0], sizes = [1, 64, 192], strides = [1, 1, 1]} : vector<50x64x192xf32> to vector<1x64x192xf32>
    %squeeze3A_477 = vector.shape_cast %slice3A_476 : vector<1x64x192xf32> to vector<64x192xf32>
    %dot_general3A_478 = arith.constant dense<0.000000e+00> : vector<64x192xf32>
    %dot_general3A_479 = tpu.matmul %add3A_475, %get3A_124, %dot_general3A_478 {dimension_numbers = #tpu.dot_dimension_numbers<[1], [0], [0], [1], [0, 0, 1, 1], [], []>, transpose_lhs_hint = false} : vector<64x64xf32>, vector<64x192xf32>, vector<64x192xf32> -> vector<64x192xf32>
    %add3A_480 = vector.broadcast %get3A_127 : vector<1x192xf32> to vector<64x192xf32>
    %add3A_481 = arith.addf %dot_general3A_479, %add3A_480 : vector<64x192xf32>
    %slice3A_482 = vector.extract_strided_slice %squeeze3A_477 {offsets = [0, 0], sizes = [64, 64], strides = [1, 1]} : vector<64x192xf32> to vector<64x64xf32>
    %slice3A_483 = vector.extract_strided_slice %add3A_481 {offsets = [0, 0], sizes = [64, 64], strides = [1, 1]} : vector<64x192xf32> to vector<64x64xf32>
    %add3A_484 = arith.addf %slice3A_482, %slice3A_483 : vector<64x64xf32>
    %logistic3A_485 = arith.negf %add3A_484 : vector<64x64xf32>
    %logistic3A_486 = math.exp %logistic3A_485 : vector<64x64xf32>
    %logistic3A_487 = arith.constant 1.000000e+00 : f32
    %logistic3A_488 = vector.broadcast %logistic3A_487 : f32 to vector<64x64xf32>
    %logistic3A_489 = arith.addf %logistic3A_488, %logistic3A_486 : vector<64x64xf32>
    %logistic3A_490 = arith.divf %logistic3A_488, %logistic3A_489 : vector<64x64xf32>
    %slice3A_491 = vector.extract_strided_slice %squeeze3A_477 {offsets = [0, 64], sizes = [64, 64], strides = [1, 1]} : vector<64x192xf32> to vector<64x64xf32>
    %slice3A_492 = vector.extract_strided_slice %add3A_481 {offsets = [0, 64], sizes = [64, 64], strides = [1, 1]} : vector<64x192xf32> to vector<64x64xf32>
    %add3A_493 = arith.addf %slice3A_491, %slice3A_492 : vector<64x64xf32>
    %logistic3A_494 = arith.negf %add3A_493 : vector<64x64xf32>
    %logistic3A_495 = math.exp %logistic3A_494 : vector<64x64xf32>
    %logistic3A_496 = arith.constant 1.000000e+00 : f32
    %logistic3A_497 = vector.broadcast %logistic3A_496 : f32 to vector<64x64xf32>
    %logistic3A_498 = arith.addf %logistic3A_497, %logistic3A_495 : vector<64x64xf32>
    %logistic3A_499 = arith.divf %logistic3A_497, %logistic3A_498 : vector<64x64xf32>
    %slice3A_500 = vector.extract_strided_slice %squeeze3A_477 {offsets = [0, 128], sizes = [64, 64], strides = [1, 1]} : vector<64x192xf32> to vector<64x64xf32>
    %slice3A_501 = vector.extract_strided_slice %add3A_481 {offsets = [0, 128], sizes = [64, 64], strides = [1, 1]} : vector<64x192xf32> to vector<64x64xf32>
    %mul3A_502 = arith.mulf %logistic3A_490, %slice3A_501 : vector<64x64xf32>
    %add3A_503 = arith.addf %slice3A_500, %mul3A_502 : vector<64x64xf32>
    %tanh3A_504 = math.tanh %add3A_503 : vector<64x64xf32>
    %sub3A_505 = arith.constant 1.000000e+00 : f32
    %sub3A_506 = vector.broadcast %sub3A_505 : f32 to vector<64x64xf32>
    %sub3A_507 = arith.subf %sub3A_506, %logistic3A_499 : vector<64x64xf32>
    %mul3A_508 = arith.mulf %sub3A_507, %tanh3A_504 : vector<64x64xf32>
    %mul3A_509 = arith.mulf %logistic3A_499, %add3A_475 : vector<64x64xf32>
    %add3A_510 = arith.addf %mul3A_508, %mul3A_509 : vector<64x64xf32>
    %slice3A_511 = vector.extract_strided_slice %reshape3A {offsets = [11, 0, 0], sizes = [1, 64, 192], strides = [1, 1, 1]} : vector<50x64x192xf32> to vector<1x64x192xf32>
    %squeeze3A_512 = vector.shape_cast %slice3A_511 : vector<1x64x192xf32> to vector<64x192xf32>
    %dot_general3A_513 = arith.constant dense<0.000000e+00> : vector<64x192xf32>
    %dot_general3A_514 = tpu.matmul %add3A_510, %get3A_124, %dot_general3A_513 {dimension_numbers = #tpu.dot_dimension_numbers<[1], [0], [0], [1], [0, 0, 1, 1], [], []>, transpose_lhs_hint = false} : vector<64x64xf32>, vector<64x192xf32>, vector<64x192xf32> -> vector<64x192xf32>
    %add3A_515 = vector.broadcast %get3A_127 : vector<1x192xf32> to vector<64x192xf32>
    %add3A_516 = arith.addf %dot_general3A_514, %add3A_515 : vector<64x192xf32>
    %slice3A_517 = vector.extract_strided_slice %squeeze3A_512 {offsets = [0, 0], sizes = [64, 64], strides = [1, 1]} : vector<64x192xf32> to vector<64x64xf32>
    %slice3A_518 = vector.extract_strided_slice %add3A_516 {offsets = [0, 0], sizes = [64, 64], strides = [1, 1]} : vector<64x192xf32> to vector<64x64xf32>
    %add3A_519 = arith.addf %slice3A_517, %slice3A_518 : vector<64x64xf32>
    %logistic3A_520 = arith.negf %add3A_519 : vector<64x64xf32>
    %logistic3A_521 = math.exp %logistic3A_520 : vector<64x64xf32>
    %logistic3A_522 = arith.constant 1.000000e+00 : f32
    %logistic3A_523 = vector.broadcast %logistic3A_522 : f32 to vector<64x64xf32>
    %logistic3A_524 = arith.addf %logistic3A_523, %logistic3A_521 : vector<64x64xf32>
    %logistic3A_525 = arith.divf %logistic3A_523, %logistic3A_524 : vector<64x64xf32>
    %slice3A_526 = vector.extract_strided_slice %squeeze3A_512 {offsets = [0, 64], sizes = [64, 64], strides = [1, 1]} : vector<64x192xf32> to vector<64x64xf32>
    %slice3A_527 = vector.extract_strided_slice %add3A_516 {offsets = [0, 64], sizes = [64, 64], strides = [1, 1]} : vector<64x192xf32> to vector<64x64xf32>
    %add3A_528 = arith.addf %slice3A_526, %slice3A_527 : vector<64x64xf32>
    %logistic3A_529 = arith.negf %add3A_528 : vector<64x64xf32>
    %logistic3A_530 = math.exp %logistic3A_529 : vector<64x64xf32>
    %logistic3A_531 = arith.constant 1.000000e+00 : f32
    %logistic3A_532 = vector.broadcast %logistic3A_531 : f32 to vector<64x64xf32>
    %logistic3A_533 = arith.addf %logistic3A_532, %logistic3A_530 : vector<64x64xf32>
    %logistic3A_534 = arith.divf %logistic3A_532, %logistic3A_533 : vector<64x64xf32>
    %slice3A_535 = vector.extract_strided_slice %squeeze3A_512 {offsets = [0, 128], sizes = [64, 64], strides = [1, 1]} : vector<64x192xf32> to vector<64x64xf32>
    %slice3A_536 = vector.extract_strided_slice %add3A_516 {offsets = [0, 128], sizes = [64, 64], strides = [1, 1]} : vector<64x192xf32> to vector<64x64xf32>
    %mul3A_537 = arith.mulf %logistic3A_525, %slice3A_536 : vector<64x64xf32>
    %add3A_538 = arith.addf %slice3A_535, %mul3A_537 : vector<64x64xf32>
    %tanh3A_539 = math.tanh %add3A_538 : vector<64x64xf32>
    %sub3A_540 = arith.constant 1.000000e+00 : f32
    %sub3A_541 = vector.broadcast %sub3A_540 : f32 to vector<64x64xf32>
    %sub3A_542 = arith.subf %sub3A_541, %logistic3A_534 : vector<64x64xf32>
    %mul3A_543 = arith.mulf %sub3A_542, %tanh3A_539 : vector<64x64xf32>
    %mul3A_544 = arith.mulf %logistic3A_534, %add3A_510 : vector<64x64xf32>
    %add3A_545 = arith.addf %mul3A_543, %mul3A_544 : vector<64x64xf32>
    %slice3A_546 = vector.extract_strided_slice %reshape3A {offsets = [12, 0, 0], sizes = [1, 64, 192], strides = [1, 1, 1]} : vector<50x64x192xf32> to vector<1x64x192xf32>
    %squeeze3A_547 = vector.shape_cast %slice3A_546 : vector<1x64x192xf32> to vector<64x192xf32>
    %dot_general3A_548 = arith.constant dense<0.000000e+00> : vector<64x192xf32>
    %dot_general3A_549 = tpu.matmul %add3A_545, %get3A_124, %dot_general3A_548 {dimension_numbers = #tpu.dot_dimension_numbers<[1], [0], [0], [1], [0, 0, 1, 1], [], []>, transpose_lhs_hint = false} : vector<64x64xf32>, vector<64x192xf32>, vector<64x192xf32> -> vector<64x192xf32>
    %add3A_550 = vector.broadcast %get3A_127 : vector<1x192xf32> to vector<64x192xf32>
    %add3A_551 = arith.addf %dot_general3A_549, %add3A_550 : vector<64x192xf32>
    %slice3A_552 = vector.extract_strided_slice %squeeze3A_547 {offsets = [0, 0], sizes = [64, 64], strides = [1, 1]} : vector<64x192xf32> to vector<64x64xf32>
    %slice3A_553 = vector.extract_strided_slice %add3A_551 {offsets = [0, 0], sizes = [64, 64], strides = [1, 1]} : vector<64x192xf32> to vector<64x64xf32>
    %add3A_554 = arith.addf %slice3A_552, %slice3A_553 : vector<64x64xf32>
    %logistic3A_555 = arith.negf %add3A_554 : vector<64x64xf32>
    %logistic3A_556 = math.exp %logistic3A_555 : vector<64x64xf32>
    %logistic3A_557 = arith.constant 1.000000e+00 : f32
    %logistic3A_558 = vector.broadcast %logistic3A_557 : f32 to vector<64x64xf32>
    %logistic3A_559 = arith.addf %logistic3A_558, %logistic3A_556 : vector<64x64xf32>
    %logistic3A_560 = arith.divf %logistic3A_558, %logistic3A_559 : vector<64x64xf32>
    %slice3A_561 = vector.extract_strided_slice %squeeze3A_547 {offsets = [0, 64], sizes = [64, 64], strides = [1, 1]} : vector<64x192xf32> to vector<64x64xf32>
    %slice3A_562 = vector.extract_strided_slice %add3A_551 {offsets = [0, 64], sizes = [64, 64], strides = [1, 1]} : vector<64x192xf32> to vector<64x64xf32>
    %add3A_563 = arith.addf %slice3A_561, %slice3A_562 : vector<64x64xf32>
    %logistic3A_564 = arith.negf %add3A_563 : vector<64x64xf32>
    %logistic3A_565 = math.exp %logistic3A_564 : vector<64x64xf32>
    %logistic3A_566 = arith.constant 1.000000e+00 : f32
    %logistic3A_567 = vector.broadcast %logistic3A_566 : f32 to vector<64x64xf32>
    %logistic3A_568 = arith.addf %logistic3A_567, %logistic3A_565 : vector<64x64xf32>
    %logistic3A_569 = arith.divf %logistic3A_567, %logistic3A_568 : vector<64x64xf32>
    %slice3A_570 = vector.extract_strided_slice %squeeze3A_547 {offsets = [0, 128], sizes = [64, 64], strides = [1, 1]} : vector<64x192xf32> to vector<64x64xf32>
    %slice3A_571 = vector.extract_strided_slice %add3A_551 {offsets = [0, 128], sizes = [64, 64], strides = [1, 1]} : vector<64x192xf32> to vector<64x64xf32>
    %mul3A_572 = arith.mulf %logistic3A_560, %slice3A_571 : vector<64x64xf32>
    %add3A_573 = arith.addf %slice3A_570, %mul3A_572 : vector<64x64xf32>
    %tanh3A_574 = math.tanh %add3A_573 : vector<64x64xf32>
    %sub3A_575 = arith.constant 1.000000e+00 : f32
    %sub3A_576 = vector.broadcast %sub3A_575 : f32 to vector<64x64xf32>
    %sub3A_577 = arith.subf %sub3A_576, %logistic3A_569 : vector<64x64xf32>
    %mul3A_578 = arith.mulf %sub3A_577, %tanh3A_574 : vector<64x64xf32>
    %mul3A_579 = arith.mulf %logistic3A_569, %add3A_545 : vector<64x64xf32>
    %add3A_580 = arith.addf %mul3A_578, %mul3A_579 : vector<64x64xf32>
    %slice3A_581 = vector.extract_strided_slice %reshape3A {offsets = [13, 0, 0], sizes = [1, 64, 192], strides = [1, 1, 1]} : vector<50x64x192xf32> to vector<1x64x192xf32>
    %squeeze3A_582 = vector.shape_cast %slice3A_581 : vector<1x64x192xf32> to vector<64x192xf32>
    %dot_general3A_583 = arith.constant dense<0.000000e+00> : vector<64x192xf32>
    %dot_general3A_584 = tpu.matmul %add3A_580, %get3A_124, %dot_general3A_583 {dimension_numbers = #tpu.dot_dimension_numbers<[1], [0], [0], [1], [0, 0, 1, 1], [], []>, transpose_lhs_hint = false} : vector<64x64xf32>, vector<64x192xf32>, vector<64x192xf32> -> vector<64x192xf32>
    %add3A_585 = vector.broadcast %get3A_127 : vector<1x192xf32> to vector<64x192xf32>
    %add3A_586 = arith.addf %dot_general3A_584, %add3A_585 : vector<64x192xf32>
    %slice3A_587 = vector.extract_strided_slice %squeeze3A_582 {offsets = [0, 0], sizes = [64, 64], strides = [1, 1]} : vector<64x192xf32> to vector<64x64xf32>
    %slice3A_588 = vector.extract_strided_slice %add3A_586 {offsets = [0, 0], sizes = [64, 64], strides = [1, 1]} : vector<64x192xf32> to vector<64x64xf32>
    %add3A_589 = arith.addf %slice3A_587, %slice3A_588 : vector<64x64xf32>
    %logistic3A_590 = arith.negf %add3A_589 : vector<64x64xf32>
    %logistic3A_591 = math.exp %logistic3A_590 : vector<64x64xf32>
    %logistic3A_592 = arith.constant 1.000000e+00 : f32
    %logistic3A_593 = vector.broadcast %logistic3A_592 : f32 to vector<64x64xf32>
    %logistic3A_594 = arith.addf %logistic3A_593, %logistic3A_591 : vector<64x64xf32>
    %logistic3A_595 = arith.divf %logistic3A_593, %logistic3A_594 : vector<64x64xf32>
    %slice3A_596 = vector.extract_strided_slice %squeeze3A_582 {offsets = [0, 64], sizes = [64, 64], strides = [1, 1]} : vector<64x192xf32> to vector<64x64xf32>
    %slice3A_597 = vector.extract_strided_slice %add3A_586 {offsets = [0, 64], sizes = [64, 64], strides = [1, 1]} : vector<64x192xf32> to vector<64x64xf32>
    %add3A_598 = arith.addf %slice3A_596, %slice3A_597 : vector<64x64xf32>
    %logistic3A_599 = arith.negf %add3A_598 : vector<64x64xf32>
    %logistic3A_600 = math.exp %logistic3A_599 : vector<64x64xf32>
    %logistic3A_601 = arith.constant 1.000000e+00 : f32
    %logistic3A_602 = vector.broadcast %logistic3A_601 : f32 to vector<64x64xf32>
    %logistic3A_603 = arith.addf %logistic3A_602, %logistic3A_600 : vector<64x64xf32>
    %logistic3A_604 = arith.divf %logistic3A_602, %logistic3A_603 : vector<64x64xf32>
    %slice3A_605 = vector.extract_strided_slice %squeeze3A_582 {offsets = [0, 128], sizes = [64, 64], strides = [1, 1]} : vector<64x192xf32> to vector<64x64xf32>
    %slice3A_606 = vector.extract_strided_slice %add3A_586 {offsets = [0, 128], sizes = [64, 64], strides = [1, 1]} : vector<64x192xf32> to vector<64x64xf32>
    %mul3A_607 = arith.mulf %logistic3A_595, %slice3A_606 : vector<64x64xf32>
    %add3A_608 = arith.addf %slice3A_605, %mul3A_607 : vector<64x64xf32>
    %tanh3A_609 = math.tanh %add3A_608 : vector<64x64xf32>
    %sub3A_610 = arith.constant 1.000000e+00 : f32
    %sub3A_611 = vector.broadcast %sub3A_610 : f32 to vector<64x64xf32>
    %sub3A_612 = arith.subf %sub3A_611, %logistic3A_604 : vector<64x64xf32>
    %mul3A_613 = arith.mulf %sub3A_612, %tanh3A_609 : vector<64x64xf32>
    %mul3A_614 = arith.mulf %logistic3A_604, %add3A_580 : vector<64x64xf32>
    %add3A_615 = arith.addf %mul3A_613, %mul3A_614 : vector<64x64xf32>
    %slice3A_616 = vector.extract_strided_slice %reshape3A {offsets = [14, 0, 0], sizes = [1, 64, 192], strides = [1, 1, 1]} : vector<50x64x192xf32> to vector<1x64x192xf32>
    %squeeze3A_617 = vector.shape_cast %slice3A_616 : vector<1x64x192xf32> to vector<64x192xf32>
    %dot_general3A_618 = arith.constant dense<0.000000e+00> : vector<64x192xf32>
    %dot_general3A_619 = tpu.matmul %add3A_615, %get3A_124, %dot_general3A_618 {dimension_numbers = #tpu.dot_dimension_numbers<[1], [0], [0], [1], [0, 0, 1, 1], [], []>, transpose_lhs_hint = false} : vector<64x64xf32>, vector<64x192xf32>, vector<64x192xf32> -> vector<64x192xf32>
    %add3A_620 = vector.broadcast %get3A_127 : vector<1x192xf32> to vector<64x192xf32>
    %add3A_621 = arith.addf %dot_general3A_619, %add3A_620 : vector<64x192xf32>
    %slice3A_622 = vector.extract_strided_slice %squeeze3A_617 {offsets = [0, 0], sizes = [64, 64], strides = [1, 1]} : vector<64x192xf32> to vector<64x64xf32>
    %slice3A_623 = vector.extract_strided_slice %add3A_621 {offsets = [0, 0], sizes = [64, 64], strides = [1, 1]} : vector<64x192xf32> to vector<64x64xf32>
    %add3A_624 = arith.addf %slice3A_622, %slice3A_623 : vector<64x64xf32>
    %logistic3A_625 = arith.negf %add3A_624 : vector<64x64xf32>
    %logistic3A_626 = math.exp %logistic3A_625 : vector<64x64xf32>
    %logistic3A_627 = arith.constant 1.000000e+00 : f32
    %logistic3A_628 = vector.broadcast %logistic3A_627 : f32 to vector<64x64xf32>
    %logistic3A_629 = arith.addf %logistic3A_628, %logistic3A_626 : vector<64x64xf32>
    %logistic3A_630 = arith.divf %logistic3A_628, %logistic3A_629 : vector<64x64xf32>
    %slice3A_631 = vector.extract_strided_slice %squeeze3A_617 {offsets = [0, 64], sizes = [64, 64], strides = [1, 1]} : vector<64x192xf32> to vector<64x64xf32>
    %slice3A_632 = vector.extract_strided_slice %add3A_621 {offsets = [0, 64], sizes = [64, 64], strides = [1, 1]} : vector<64x192xf32> to vector<64x64xf32>
    %add3A_633 = arith.addf %slice3A_631, %slice3A_632 : vector<64x64xf32>
    %logistic3A_634 = arith.negf %add3A_633 : vector<64x64xf32>
    %logistic3A_635 = math.exp %logistic3A_634 : vector<64x64xf32>
    %logistic3A_636 = arith.constant 1.000000e+00 : f32
    %logistic3A_637 = vector.broadcast %logistic3A_636 : f32 to vector<64x64xf32>
    %logistic3A_638 = arith.addf %logistic3A_637, %logistic3A_635 : vector<64x64xf32>
    %logistic3A_639 = arith.divf %logistic3A_637, %logistic3A_638 : vector<64x64xf32>
    %slice3A_640 = vector.extract_strided_slice %squeeze3A_617 {offsets = [0, 128], sizes = [64, 64], strides = [1, 1]} : vector<64x192xf32> to vector<64x64xf32>
    %slice3A_641 = vector.extract_strided_slice %add3A_621 {offsets = [0, 128], sizes = [64, 64], strides = [1, 1]} : vector<64x192xf32> to vector<64x64xf32>
    %mul3A_642 = arith.mulf %logistic3A_630, %slice3A_641 : vector<64x64xf32>
    %add3A_643 = arith.addf %slice3A_640, %mul3A_642 : vector<64x64xf32>
    %tanh3A_644 = math.tanh %add3A_643 : vector<64x64xf32>
    %sub3A_645 = arith.constant 1.000000e+00 : f32
    %sub3A_646 = vector.broadcast %sub3A_645 : f32 to vector<64x64xf32>
    %sub3A_647 = arith.subf %sub3A_646, %logistic3A_639 : vector<64x64xf32>
    %mul3A_648 = arith.mulf %sub3A_647, %tanh3A_644 : vector<64x64xf32>
    %mul3A_649 = arith.mulf %logistic3A_639, %add3A_615 : vector<64x64xf32>
    %add3A_650 = arith.addf %mul3A_648, %mul3A_649 : vector<64x64xf32>
    %slice3A_651 = vector.extract_strided_slice %reshape3A {offsets = [15, 0, 0], sizes = [1, 64, 192], strides = [1, 1, 1]} : vector<50x64x192xf32> to vector<1x64x192xf32>
    %squeeze3A_652 = vector.shape_cast %slice3A_651 : vector<1x64x192xf32> to vector<64x192xf32>
    %dot_general3A_653 = arith.constant dense<0.000000e+00> : vector<64x192xf32>
    %dot_general3A_654 = tpu.matmul %add3A_650, %get3A_124, %dot_general3A_653 {dimension_numbers = #tpu.dot_dimension_numbers<[1], [0], [0], [1], [0, 0, 1, 1], [], []>, transpose_lhs_hint = false} : vector<64x64xf32>, vector<64x192xf32>, vector<64x192xf32> -> vector<64x192xf32>
    %add3A_655 = vector.broadcast %get3A_127 : vector<1x192xf32> to vector<64x192xf32>
    %add3A_656 = arith.addf %dot_general3A_654, %add3A_655 : vector<64x192xf32>
    %slice3A_657 = vector.extract_strided_slice %squeeze3A_652 {offsets = [0, 0], sizes = [64, 64], strides = [1, 1]} : vector<64x192xf32> to vector<64x64xf32>
    %slice3A_658 = vector.extract_strided_slice %add3A_656 {offsets = [0, 0], sizes = [64, 64], strides = [1, 1]} : vector<64x192xf32> to vector<64x64xf32>
    %add3A_659 = arith.addf %slice3A_657, %slice3A_658 : vector<64x64xf32>
    %logistic3A_660 = arith.negf %add3A_659 : vector<64x64xf32>
    %logistic3A_661 = math.exp %logistic3A_660 : vector<64x64xf32>
    %logistic3A_662 = arith.constant 1.000000e+00 : f32
    %logistic3A_663 = vector.broadcast %logistic3A_662 : f32 to vector<64x64xf32>
    %logistic3A_664 = arith.addf %logistic3A_663, %logistic3A_661 : vector<64x64xf32>
    %logistic3A_665 = arith.divf %logistic3A_663, %logistic3A_664 : vector<64x64xf32>
    %slice3A_666 = vector.extract_strided_slice %squeeze3A_652 {offsets = [0, 64], sizes = [64, 64], strides = [1, 1]} : vector<64x192xf32> to vector<64x64xf32>
    %slice3A_667 = vector.extract_strided_slice %add3A_656 {offsets = [0, 64], sizes = [64, 64], strides = [1, 1]} : vector<64x192xf32> to vector<64x64xf32>
    %add3A_668 = arith.addf %slice3A_666, %slice3A_667 : vector<64x64xf32>
    %logistic3A_669 = arith.negf %add3A_668 : vector<64x64xf32>
    %logistic3A_670 = math.exp %logistic3A_669 : vector<64x64xf32>
    %logistic3A_671 = arith.constant 1.000000e+00 : f32
    %logistic3A_672 = vector.broadcast %logistic3A_671 : f32 to vector<64x64xf32>
    %logistic3A_673 = arith.addf %logistic3A_672, %logistic3A_670 : vector<64x64xf32>
    %logistic3A_674 = arith.divf %logistic3A_672, %logistic3A_673 : vector<64x64xf32>
    %slice3A_675 = vector.extract_strided_slice %squeeze3A_652 {offsets = [0, 128], sizes = [64, 64], strides = [1, 1]} : vector<64x192xf32> to vector<64x64xf32>
    %slice3A_676 = vector.extract_strided_slice %add3A_656 {offsets = [0, 128], sizes = [64, 64], strides = [1, 1]} : vector<64x192xf32> to vector<64x64xf32>
    %mul3A_677 = arith.mulf %logistic3A_665, %slice3A_676 : vector<64x64xf32>
    %add3A_678 = arith.addf %slice3A_675, %mul3A_677 : vector<64x64xf32>
    %tanh3A_679 = math.tanh %add3A_678 : vector<64x64xf32>
    %sub3A_680 = arith.constant 1.000000e+00 : f32
    %sub3A_681 = vector.broadcast %sub3A_680 : f32 to vector<64x64xf32>
    %sub3A_682 = arith.subf %sub3A_681, %logistic3A_674 : vector<64x64xf32>
    %mul3A_683 = arith.mulf %sub3A_682, %tanh3A_679 : vector<64x64xf32>
    %mul3A_684 = arith.mulf %logistic3A_674, %add3A_650 : vector<64x64xf32>
    %add3A_685 = arith.addf %mul3A_683, %mul3A_684 : vector<64x64xf32>
    %slice3A_686 = vector.extract_strided_slice %reshape3A {offsets = [16, 0, 0], sizes = [1, 64, 192], strides = [1, 1, 1]} : vector<50x64x192xf32> to vector<1x64x192xf32>
    %squeeze3A_687 = vector.shape_cast %slice3A_686 : vector<1x64x192xf32> to vector<64x192xf32>
    %dot_general3A_688 = arith.constant dense<0.000000e+00> : vector<64x192xf32>
    %dot_general3A_689 = tpu.matmul %add3A_685, %get3A_124, %dot_general3A_688 {dimension_numbers = #tpu.dot_dimension_numbers<[1], [0], [0], [1], [0, 0, 1, 1], [], []>, transpose_lhs_hint = false} : vector<64x64xf32>, vector<64x192xf32>, vector<64x192xf32> -> vector<64x192xf32>
    %add3A_690 = vector.broadcast %get3A_127 : vector<1x192xf32> to vector<64x192xf32>
    %add3A_691 = arith.addf %dot_general3A_689, %add3A_690 : vector<64x192xf32>
    %slice3A_692 = vector.extract_strided_slice %squeeze3A_687 {offsets = [0, 0], sizes = [64, 64], strides = [1, 1]} : vector<64x192xf32> to vector<64x64xf32>
    %slice3A_693 = vector.extract_strided_slice %add3A_691 {offsets = [0, 0], sizes = [64, 64], strides = [1, 1]} : vector<64x192xf32> to vector<64x64xf32>
    %add3A_694 = arith.addf %slice3A_692, %slice3A_693 : vector<64x64xf32>
    %logistic3A_695 = arith.negf %add3A_694 : vector<64x64xf32>
    %logistic3A_696 = math.exp %logistic3A_695 : vector<64x64xf32>
    %logistic3A_697 = arith.constant 1.000000e+00 : f32
    %logistic3A_698 = vector.broadcast %logistic3A_697 : f32 to vector<64x64xf32>
    %logistic3A_699 = arith.addf %logistic3A_698, %logistic3A_696 : vector<64x64xf32>
    %logistic3A_700 = arith.divf %logistic3A_698, %logistic3A_699 : vector<64x64xf32>
    %slice3A_701 = vector.extract_strided_slice %squeeze3A_687 {offsets = [0, 64], sizes = [64, 64], strides = [1, 1]} : vector<64x192xf32> to vector<64x64xf32>
    %slice3A_702 = vector.extract_strided_slice %add3A_691 {offsets = [0, 64], sizes = [64, 64], strides = [1, 1]} : vector<64x192xf32> to vector<64x64xf32>
    %add3A_703 = arith.addf %slice3A_701, %slice3A_702 : vector<64x64xf32>
    %logistic3A_704 = arith.negf %add3A_703 : vector<64x64xf32>
    %logistic3A_705 = math.exp %logistic3A_704 : vector<64x64xf32>
    %logistic3A_706 = arith.constant 1.000000e+00 : f32
    %logistic3A_707 = vector.broadcast %logistic3A_706 : f32 to vector<64x64xf32>
    %logistic3A_708 = arith.addf %logistic3A_707, %logistic3A_705 : vector<64x64xf32>
    %logistic3A_709 = arith.divf %logistic3A_707, %logistic3A_708 : vector<64x64xf32>
    %slice3A_710 = vector.extract_strided_slice %squeeze3A_687 {offsets = [0, 128], sizes = [64, 64], strides = [1, 1]} : vector<64x192xf32> to vector<64x64xf32>
    %slice3A_711 = vector.extract_strided_slice %add3A_691 {offsets = [0, 128], sizes = [64, 64], strides = [1, 1]} : vector<64x192xf32> to vector<64x64xf32>
    %mul3A_712 = arith.mulf %logistic3A_700, %slice3A_711 : vector<64x64xf32>
    %add3A_713 = arith.addf %slice3A_710, %mul3A_712 : vector<64x64xf32>
    %tanh3A_714 = math.tanh %add3A_713 : vector<64x64xf32>
    %sub3A_715 = arith.constant 1.000000e+00 : f32
    %sub3A_716 = vector.broadcast %sub3A_715 : f32 to vector<64x64xf32>
    %sub3A_717 = arith.subf %sub3A_716, %logistic3A_709 : vector<64x64xf32>
    %mul3A_718 = arith.mulf %sub3A_717, %tanh3A_714 : vector<64x64xf32>
    %mul3A_719 = arith.mulf %logistic3A_709, %add3A_685 : vector<64x64xf32>
    %add3A_720 = arith.addf %mul3A_718, %mul3A_719 : vector<64x64xf32>
    %slice3A_721 = vector.extract_strided_slice %reshape3A {offsets = [17, 0, 0], sizes = [1, 64, 192], strides = [1, 1, 1]} : vector<50x64x192xf32> to vector<1x64x192xf32>
    %squeeze3A_722 = vector.shape_cast %slice3A_721 : vector<1x64x192xf32> to vector<64x192xf32>
    %dot_general3A_723 = arith.constant dense<0.000000e+00> : vector<64x192xf32>
    %dot_general3A_724 = tpu.matmul %add3A_720, %get3A_124, %dot_general3A_723 {dimension_numbers = #tpu.dot_dimension_numbers<[1], [0], [0], [1], [0, 0, 1, 1], [], []>, transpose_lhs_hint = false} : vector<64x64xf32>, vector<64x192xf32>, vector<64x192xf32> -> vector<64x192xf32>
    %add3A_725 = vector.broadcast %get3A_127 : vector<1x192xf32> to vector<64x192xf32>
    %add3A_726 = arith.addf %dot_general3A_724, %add3A_725 : vector<64x192xf32>
    %slice3A_727 = vector.extract_strided_slice %squeeze3A_722 {offsets = [0, 0], sizes = [64, 64], strides = [1, 1]} : vector<64x192xf32> to vector<64x64xf32>
    %slice3A_728 = vector.extract_strided_slice %add3A_726 {offsets = [0, 0], sizes = [64, 64], strides = [1, 1]} : vector<64x192xf32> to vector<64x64xf32>
    %add3A_729 = arith.addf %slice3A_727, %slice3A_728 : vector<64x64xf32>
    %logistic3A_730 = arith.negf %add3A_729 : vector<64x64xf32>
    %logistic3A_731 = math.exp %logistic3A_730 : vector<64x64xf32>
    %logistic3A_732 = arith.constant 1.000000e+00 : f32
    %logistic3A_733 = vector.broadcast %logistic3A_732 : f32 to vector<64x64xf32>
    %logistic3A_734 = arith.addf %logistic3A_733, %logistic3A_731 : vector<64x64xf32>
    %logistic3A_735 = arith.divf %logistic3A_733, %logistic3A_734 : vector<64x64xf32>
    %slice3A_736 = vector.extract_strided_slice %squeeze3A_722 {offsets = [0, 64], sizes = [64, 64], strides = [1, 1]} : vector<64x192xf32> to vector<64x64xf32>
    %slice3A_737 = vector.extract_strided_slice %add3A_726 {offsets = [0, 64], sizes = [64, 64], strides = [1, 1]} : vector<64x192xf32> to vector<64x64xf32>
    %add3A_738 = arith.addf %slice3A_736, %slice3A_737 : vector<64x64xf32>
    %logistic3A_739 = arith.negf %add3A_738 : vector<64x64xf32>
    %logistic3A_740 = math.exp %logistic3A_739 : vector<64x64xf32>
    %logistic3A_741 = arith.constant 1.000000e+00 : f32
    %logistic3A_742 = vector.broadcast %logistic3A_741 : f32 to vector<64x64xf32>
    %logistic3A_743 = arith.addf %logistic3A_742, %logistic3A_740 : vector<64x64xf32>
    %logistic3A_744 = arith.divf %logistic3A_742, %logistic3A_743 : vector<64x64xf32>
    %slice3A_745 = vector.extract_strided_slice %squeeze3A_722 {offsets = [0, 128], sizes = [64, 64], strides = [1, 1]} : vector<64x192xf32> to vector<64x64xf32>
    %slice3A_746 = vector.extract_strided_slice %add3A_726 {offsets = [0, 128], sizes = [64, 64], strides = [1, 1]} : vector<64x192xf32> to vector<64x64xf32>
    %mul3A_747 = arith.mulf %logistic3A_735, %slice3A_746 : vector<64x64xf32>
    %add3A_748 = arith.addf %slice3A_745, %mul3A_747 : vector<64x64xf32>
    %tanh3A_749 = math.tanh %add3A_748 : vector<64x64xf32>
    %sub3A_750 = arith.constant 1.000000e+00 : f32
    %sub3A_751 = vector.broadcast %sub3A_750 : f32 to vector<64x64xf32>
    %sub3A_752 = arith.subf %sub3A_751, %logistic3A_744 : vector<64x64xf32>
    %mul3A_753 = arith.mulf %sub3A_752, %tanh3A_749 : vector<64x64xf32>
    %mul3A_754 = arith.mulf %logistic3A_744, %add3A_720 : vector<64x64xf32>
    %add3A_755 = arith.addf %mul3A_753, %mul3A_754 : vector<64x64xf32>
    %slice3A_756 = vector.extract_strided_slice %reshape3A {offsets = [18, 0, 0], sizes = [1, 64, 192], strides = [1, 1, 1]} : vector<50x64x192xf32> to vector<1x64x192xf32>
    %squeeze3A_757 = vector.shape_cast %slice3A_756 : vector<1x64x192xf32> to vector<64x192xf32>
    %dot_general3A_758 = arith.constant dense<0.000000e+00> : vector<64x192xf32>
    %dot_general3A_759 = tpu.matmul %add3A_755, %get3A_124, %dot_general3A_758 {dimension_numbers = #tpu.dot_dimension_numbers<[1], [0], [0], [1], [0, 0, 1, 1], [], []>, transpose_lhs_hint = false} : vector<64x64xf32>, vector<64x192xf32>, vector<64x192xf32> -> vector<64x192xf32>
    %add3A_760 = vector.broadcast %get3A_127 : vector<1x192xf32> to vector<64x192xf32>
    %add3A_761 = arith.addf %dot_general3A_759, %add3A_760 : vector<64x192xf32>
    %slice3A_762 = vector.extract_strided_slice %squeeze3A_757 {offsets = [0, 0], sizes = [64, 64], strides = [1, 1]} : vector<64x192xf32> to vector<64x64xf32>
    %slice3A_763 = vector.extract_strided_slice %add3A_761 {offsets = [0, 0], sizes = [64, 64], strides = [1, 1]} : vector<64x192xf32> to vector<64x64xf32>
    %add3A_764 = arith.addf %slice3A_762, %slice3A_763 : vector<64x64xf32>
    %logistic3A_765 = arith.negf %add3A_764 : vector<64x64xf32>
    %logistic3A_766 = math.exp %logistic3A_765 : vector<64x64xf32>
    %logistic3A_767 = arith.constant 1.000000e+00 : f32
    %logistic3A_768 = vector.broadcast %logistic3A_767 : f32 to vector<64x64xf32>
    %logistic3A_769 = arith.addf %logistic3A_768, %logistic3A_766 : vector<64x64xf32>
    %logistic3A_770 = arith.divf %logistic3A_768, %logistic3A_769 : vector<64x64xf32>
    %slice3A_771 = vector.extract_strided_slice %squeeze3A_757 {offsets = [0, 64], sizes = [64, 64], strides = [1, 1]} : vector<64x192xf32> to vector<64x64xf32>
    %slice3A_772 = vector.extract_strided_slice %add3A_761 {offsets = [0, 64], sizes = [64, 64], strides = [1, 1]} : vector<64x192xf32> to vector<64x64xf32>
    %add3A_773 = arith.addf %slice3A_771, %slice3A_772 : vector<64x64xf32>
    %logistic3A_774 = arith.negf %add3A_773 : vector<64x64xf32>
    %logistic3A_775 = math.exp %logistic3A_774 : vector<64x64xf32>
    %logistic3A_776 = arith.constant 1.000000e+00 : f32
    %logistic3A_777 = vector.broadcast %logistic3A_776 : f32 to vector<64x64xf32>
    %logistic3A_778 = arith.addf %logistic3A_777, %logistic3A_775 : vector<64x64xf32>
    %logistic3A_779 = arith.divf %logistic3A_777, %logistic3A_778 : vector<64x64xf32>
    %slice3A_780 = vector.extract_strided_slice %squeeze3A_757 {offsets = [0, 128], sizes = [64, 64], strides = [1, 1]} : vector<64x192xf32> to vector<64x64xf32>
    %slice3A_781 = vector.extract_strided_slice %add3A_761 {offsets = [0, 128], sizes = [64, 64], strides = [1, 1]} : vector<64x192xf32> to vector<64x64xf32>
    %mul3A_782 = arith.mulf %logistic3A_770, %slice3A_781 : vector<64x64xf32>
    %add3A_783 = arith.addf %slice3A_780, %mul3A_782 : vector<64x64xf32>
    %tanh3A_784 = math.tanh %add3A_783 : vector<64x64xf32>
    %sub3A_785 = arith.constant 1.000000e+00 : f32
    %sub3A_786 = vector.broadcast %sub3A_785 : f32 to vector<64x64xf32>
    %sub3A_787 = arith.subf %sub3A_786, %logistic3A_779 : vector<64x64xf32>
    %mul3A_788 = arith.mulf %sub3A_787, %tanh3A_784 : vector<64x64xf32>
    %mul3A_789 = arith.mulf %logistic3A_779, %add3A_755 : vector<64x64xf32>
    %add3A_790 = arith.addf %mul3A_788, %mul3A_789 : vector<64x64xf32>
    %slice3A_791 = vector.extract_strided_slice %reshape3A {offsets = [19, 0, 0], sizes = [1, 64, 192], strides = [1, 1, 1]} : vector<50x64x192xf32> to vector<1x64x192xf32>
    %squeeze3A_792 = vector.shape_cast %slice3A_791 : vector<1x64x192xf32> to vector<64x192xf32>
    %dot_general3A_793 = arith.constant dense<0.000000e+00> : vector<64x192xf32>
    %dot_general3A_794 = tpu.matmul %add3A_790, %get3A_124, %dot_general3A_793 {dimension_numbers = #tpu.dot_dimension_numbers<[1], [0], [0], [1], [0, 0, 1, 1], [], []>, transpose_lhs_hint = false} : vector<64x64xf32>, vector<64x192xf32>, vector<64x192xf32> -> vector<64x192xf32>
    %add3A_795 = vector.broadcast %get3A_127 : vector<1x192xf32> to vector<64x192xf32>
    %add3A_796 = arith.addf %dot_general3A_794, %add3A_795 : vector<64x192xf32>
    %slice3A_797 = vector.extract_strided_slice %squeeze3A_792 {offsets = [0, 0], sizes = [64, 64], strides = [1, 1]} : vector<64x192xf32> to vector<64x64xf32>
    %slice3A_798 = vector.extract_strided_slice %add3A_796 {offsets = [0, 0], sizes = [64, 64], strides = [1, 1]} : vector<64x192xf32> to vector<64x64xf32>
    %add3A_799 = arith.addf %slice3A_797, %slice3A_798 : vector<64x64xf32>
    %logistic3A_800 = arith.negf %add3A_799 : vector<64x64xf32>
    %logistic3A_801 = math.exp %logistic3A_800 : vector<64x64xf32>
    %logistic3A_802 = arith.constant 1.000000e+00 : f32
    %logistic3A_803 = vector.broadcast %logistic3A_802 : f32 to vector<64x64xf32>
    %logistic3A_804 = arith.addf %logistic3A_803, %logistic3A_801 : vector<64x64xf32>
    %logistic3A_805 = arith.divf %logistic3A_803, %logistic3A_804 : vector<64x64xf32>
    %slice3A_806 = vector.extract_strided_slice %squeeze3A_792 {offsets = [0, 64], sizes = [64, 64], strides = [1, 1]} : vector<64x192xf32> to vector<64x64xf32>
    %slice3A_807 = vector.extract_strided_slice %add3A_796 {offsets = [0, 64], sizes = [64, 64], strides = [1, 1]} : vector<64x192xf32> to vector<64x64xf32>
    %add3A_808 = arith.addf %slice3A_806, %slice3A_807 : vector<64x64xf32>
    %logistic3A_809 = arith.negf %add3A_808 : vector<64x64xf32>
    %logistic3A_810 = math.exp %logistic3A_809 : vector<64x64xf32>
    %logistic3A_811 = arith.constant 1.000000e+00 : f32
    %logistic3A_812 = vector.broadcast %logistic3A_811 : f32 to vector<64x64xf32>
    %logistic3A_813 = arith.addf %logistic3A_812, %logistic3A_810 : vector<64x64xf32>
    %logistic3A_814 = arith.divf %logistic3A_812, %logistic3A_813 : vector<64x64xf32>
    %slice3A_815 = vector.extract_strided_slice %squeeze3A_792 {offsets = [0, 128], sizes = [64, 64], strides = [1, 1]} : vector<64x192xf32> to vector<64x64xf32>
    %slice3A_816 = vector.extract_strided_slice %add3A_796 {offsets = [0, 128], sizes = [64, 64], strides = [1, 1]} : vector<64x192xf32> to vector<64x64xf32>
    %mul3A_817 = arith.mulf %logistic3A_805, %slice3A_816 : vector<64x64xf32>
    %add3A_818 = arith.addf %slice3A_815, %mul3A_817 : vector<64x64xf32>
    %tanh3A_819 = math.tanh %add3A_818 : vector<64x64xf32>
    %sub3A_820 = arith.constant 1.000000e+00 : f32
    %sub3A_821 = vector.broadcast %sub3A_820 : f32 to vector<64x64xf32>
    %sub3A_822 = arith.subf %sub3A_821, %logistic3A_814 : vector<64x64xf32>
    %mul3A_823 = arith.mulf %sub3A_822, %tanh3A_819 : vector<64x64xf32>
    %mul3A_824 = arith.mulf %logistic3A_814, %add3A_790 : vector<64x64xf32>
    %add3A_825 = arith.addf %mul3A_823, %mul3A_824 : vector<64x64xf32>
    %slice3A_826 = vector.extract_strided_slice %reshape3A {offsets = [20, 0, 0], sizes = [1, 64, 192], strides = [1, 1, 1]} : vector<50x64x192xf32> to vector<1x64x192xf32>
    %squeeze3A_827 = vector.shape_cast %slice3A_826 : vector<1x64x192xf32> to vector<64x192xf32>
    %dot_general3A_828 = arith.constant dense<0.000000e+00> : vector<64x192xf32>
    %dot_general3A_829 = tpu.matmul %add3A_825, %get3A_124, %dot_general3A_828 {dimension_numbers = #tpu.dot_dimension_numbers<[1], [0], [0], [1], [0, 0, 1, 1], [], []>, transpose_lhs_hint = false} : vector<64x64xf32>, vector<64x192xf32>, vector<64x192xf32> -> vector<64x192xf32>
    %add3A_830 = vector.broadcast %get3A_127 : vector<1x192xf32> to vector<64x192xf32>
    %add3A_831 = arith.addf %dot_general3A_829, %add3A_830 : vector<64x192xf32>
    %slice3A_832 = vector.extract_strided_slice %squeeze3A_827 {offsets = [0, 0], sizes = [64, 64], strides = [1, 1]} : vector<64x192xf32> to vector<64x64xf32>
    %slice3A_833 = vector.extract_strided_slice %add3A_831 {offsets = [0, 0], sizes = [64, 64], strides = [1, 1]} : vector<64x192xf32> to vector<64x64xf32>
    %add3A_834 = arith.addf %slice3A_832, %slice3A_833 : vector<64x64xf32>
    %logistic3A_835 = arith.negf %add3A_834 : vector<64x64xf32>
    %logistic3A_836 = math.exp %logistic3A_835 : vector<64x64xf32>
    %logistic3A_837 = arith.constant 1.000000e+00 : f32
    %logistic3A_838 = vector.broadcast %logistic3A_837 : f32 to vector<64x64xf32>
    %logistic3A_839 = arith.addf %logistic3A_838, %logistic3A_836 : vector<64x64xf32>
    %logistic3A_840 = arith.divf %logistic3A_838, %logistic3A_839 : vector<64x64xf32>
    %slice3A_841 = vector.extract_strided_slice %squeeze3A_827 {offsets = [0, 64], sizes = [64, 64], strides = [1, 1]} : vector<64x192xf32> to vector<64x64xf32>
    %slice3A_842 = vector.extract_strided_slice %add3A_831 {offsets = [0, 64], sizes = [64, 64], strides = [1, 1]} : vector<64x192xf32> to vector<64x64xf32>
    %add3A_843 = arith.addf %slice3A_841, %slice3A_842 : vector<64x64xf32>
    %logistic3A_844 = arith.negf %add3A_843 : vector<64x64xf32>
    %logistic3A_845 = math.exp %logistic3A_844 : vector<64x64xf32>
    %logistic3A_846 = arith.constant 1.000000e+00 : f32
    %logistic3A_847 = vector.broadcast %logistic3A_846 : f32 to vector<64x64xf32>
    %logistic3A_848 = arith.addf %logistic3A_847, %logistic3A_845 : vector<64x64xf32>
    %logistic3A_849 = arith.divf %logistic3A_847, %logistic3A_848 : vector<64x64xf32>
    %slice3A_850 = vector.extract_strided_slice %squeeze3A_827 {offsets = [0, 128], sizes = [64, 64], strides = [1, 1]} : vector<64x192xf32> to vector<64x64xf32>
    %slice3A_851 = vector.extract_strided_slice %add3A_831 {offsets = [0, 128], sizes = [64, 64], strides = [1, 1]} : vector<64x192xf32> to vector<64x64xf32>
    %mul3A_852 = arith.mulf %logistic3A_840, %slice3A_851 : vector<64x64xf32>
    %add3A_853 = arith.addf %slice3A_850, %mul3A_852 : vector<64x64xf32>
    %tanh3A_854 = math.tanh %add3A_853 : vector<64x64xf32>
    %sub3A_855 = arith.constant 1.000000e+00 : f32
    %sub3A_856 = vector.broadcast %sub3A_855 : f32 to vector<64x64xf32>
    %sub3A_857 = arith.subf %sub3A_856, %logistic3A_849 : vector<64x64xf32>
    %mul3A_858 = arith.mulf %sub3A_857, %tanh3A_854 : vector<64x64xf32>
    %mul3A_859 = arith.mulf %logistic3A_849, %add3A_825 : vector<64x64xf32>
    %add3A_860 = arith.addf %mul3A_858, %mul3A_859 : vector<64x64xf32>
    %slice3A_861 = vector.extract_strided_slice %reshape3A {offsets = [21, 0, 0], sizes = [1, 64, 192], strides = [1, 1, 1]} : vector<50x64x192xf32> to vector<1x64x192xf32>
    %squeeze3A_862 = vector.shape_cast %slice3A_861 : vector<1x64x192xf32> to vector<64x192xf32>
    %dot_general3A_863 = arith.constant dense<0.000000e+00> : vector<64x192xf32>
    %dot_general3A_864 = tpu.matmul %add3A_860, %get3A_124, %dot_general3A_863 {dimension_numbers = #tpu.dot_dimension_numbers<[1], [0], [0], [1], [0, 0, 1, 1], [], []>, transpose_lhs_hint = false} : vector<64x64xf32>, vector<64x192xf32>, vector<64x192xf32> -> vector<64x192xf32>
    %add3A_865 = vector.broadcast %get3A_127 : vector<1x192xf32> to vector<64x192xf32>
    %add3A_866 = arith.addf %dot_general3A_864, %add3A_865 : vector<64x192xf32>
    %slice3A_867 = vector.extract_strided_slice %squeeze3A_862 {offsets = [0, 0], sizes = [64, 64], strides = [1, 1]} : vector<64x192xf32> to vector<64x64xf32>
    %slice3A_868 = vector.extract_strided_slice %add3A_866 {offsets = [0, 0], sizes = [64, 64], strides = [1, 1]} : vector<64x192xf32> to vector<64x64xf32>
    %add3A_869 = arith.addf %slice3A_867, %slice3A_868 : vector<64x64xf32>
    %logistic3A_870 = arith.negf %add3A_869 : vector<64x64xf32>
    %logistic3A_871 = math.exp %logistic3A_870 : vector<64x64xf32>
    %logistic3A_872 = arith.constant 1.000000e+00 : f32
    %logistic3A_873 = vector.broadcast %logistic3A_872 : f32 to vector<64x64xf32>
    %logistic3A_874 = arith.addf %logistic3A_873, %logistic3A_871 : vector<64x64xf32>
    %logistic3A_875 = arith.divf %logistic3A_873, %logistic3A_874 : vector<64x64xf32>
    %slice3A_876 = vector.extract_strided_slice %squeeze3A_862 {offsets = [0, 64], sizes = [64, 64], strides = [1, 1]} : vector<64x192xf32> to vector<64x64xf32>
    %slice3A_877 = vector.extract_strided_slice %add3A_866 {offsets = [0, 64], sizes = [64, 64], strides = [1, 1]} : vector<64x192xf32> to vector<64x64xf32>
    %add3A_878 = arith.addf %slice3A_876, %slice3A_877 : vector<64x64xf32>
    %logistic3A_879 = arith.negf %add3A_878 : vector<64x64xf32>
    %logistic3A_880 = math.exp %logistic3A_879 : vector<64x64xf32>
    %logistic3A_881 = arith.constant 1.000000e+00 : f32
    %logistic3A_882 = vector.broadcast %logistic3A_881 : f32 to vector<64x64xf32>
    %logistic3A_883 = arith.addf %logistic3A_882, %logistic3A_880 : vector<64x64xf32>
    %logistic3A_884 = arith.divf %logistic3A_882, %logistic3A_883 : vector<64x64xf32>
    %slice3A_885 = vector.extract_strided_slice %squeeze3A_862 {offsets = [0, 128], sizes = [64, 64], strides = [1, 1]} : vector<64x192xf32> to vector<64x64xf32>
    %slice3A_886 = vector.extract_strided_slice %add3A_866 {offsets = [0, 128], sizes = [64, 64], strides = [1, 1]} : vector<64x192xf32> to vector<64x64xf32>
    %mul3A_887 = arith.mulf %logistic3A_875, %slice3A_886 : vector<64x64xf32>
    %add3A_888 = arith.addf %slice3A_885, %mul3A_887 : vector<64x64xf32>
    %tanh3A_889 = math.tanh %add3A_888 : vector<64x64xf32>
    %sub3A_890 = arith.constant 1.000000e+00 : f32
    %sub3A_891 = vector.broadcast %sub3A_890 : f32 to vector<64x64xf32>
    %sub3A_892 = arith.subf %sub3A_891, %logistic3A_884 : vector<64x64xf32>
    %mul3A_893 = arith.mulf %sub3A_892, %tanh3A_889 : vector<64x64xf32>
    %mul3A_894 = arith.mulf %logistic3A_884, %add3A_860 : vector<64x64xf32>
    %add3A_895 = arith.addf %mul3A_893, %mul3A_894 : vector<64x64xf32>
    %slice3A_896 = vector.extract_strided_slice %reshape3A {offsets = [22, 0, 0], sizes = [1, 64, 192], strides = [1, 1, 1]} : vector<50x64x192xf32> to vector<1x64x192xf32>
    %squeeze3A_897 = vector.shape_cast %slice3A_896 : vector<1x64x192xf32> to vector<64x192xf32>
    %dot_general3A_898 = arith.constant dense<0.000000e+00> : vector<64x192xf32>
    %dot_general3A_899 = tpu.matmul %add3A_895, %get3A_124, %dot_general3A_898 {dimension_numbers = #tpu.dot_dimension_numbers<[1], [0], [0], [1], [0, 0, 1, 1], [], []>, transpose_lhs_hint = false} : vector<64x64xf32>, vector<64x192xf32>, vector<64x192xf32> -> vector<64x192xf32>
    %add3A_900 = vector.broadcast %get3A_127 : vector<1x192xf32> to vector<64x192xf32>
    %add3A_901 = arith.addf %dot_general3A_899, %add3A_900 : vector<64x192xf32>
    %slice3A_902 = vector.extract_strided_slice %squeeze3A_897 {offsets = [0, 0], sizes = [64, 64], strides = [1, 1]} : vector<64x192xf32> to vector<64x64xf32>
    %slice3A_903 = vector.extract_strided_slice %add3A_901 {offsets = [0, 0], sizes = [64, 64], strides = [1, 1]} : vector<64x192xf32> to vector<64x64xf32>
    %add3A_904 = arith.addf %slice3A_902, %slice3A_903 : vector<64x64xf32>
    %logistic3A_905 = arith.negf %add3A_904 : vector<64x64xf32>
    %logistic3A_906 = math.exp %logistic3A_905 : vector<64x64xf32>
    %logistic3A_907 = arith.constant 1.000000e+00 : f32
    %logistic3A_908 = vector.broadcast %logistic3A_907 : f32 to vector<64x64xf32>
    %logistic3A_909 = arith.addf %logistic3A_908, %logistic3A_906 : vector<64x64xf32>
    %logistic3A_910 = arith.divf %logistic3A_908, %logistic3A_909 : vector<64x64xf32>
    %slice3A_911 = vector.extract_strided_slice %squeeze3A_897 {offsets = [0, 64], sizes = [64, 64], strides = [1, 1]} : vector<64x192xf32> to vector<64x64xf32>
    %slice3A_912 = vector.extract_strided_slice %add3A_901 {offsets = [0, 64], sizes = [64, 64], strides = [1, 1]} : vector<64x192xf32> to vector<64x64xf32>
    %add3A_913 = arith.addf %slice3A_911, %slice3A_912 : vector<64x64xf32>
    %logistic3A_914 = arith.negf %add3A_913 : vector<64x64xf32>
    %logistic3A_915 = math.exp %logistic3A_914 : vector<64x64xf32>
    %logistic3A_916 = arith.constant 1.000000e+00 : f32
    %logistic3A_917 = vector.broadcast %logistic3A_916 : f32 to vector<64x64xf32>
    %logistic3A_918 = arith.addf %logistic3A_917, %logistic3A_915 : vector<64x64xf32>
    %logistic3A_919 = arith.divf %logistic3A_917, %logistic3A_918 : vector<64x64xf32>
    %slice3A_920 = vector.extract_strided_slice %squeeze3A_897 {offsets = [0, 128], sizes = [64, 64], strides = [1, 1]} : vector<64x192xf32> to vector<64x64xf32>
    %slice3A_921 = vector.extract_strided_slice %add3A_901 {offsets = [0, 128], sizes = [64, 64], strides = [1, 1]} : vector<64x192xf32> to vector<64x64xf32>
    %mul3A_922 = arith.mulf %logistic3A_910, %slice3A_921 : vector<64x64xf32>
    %add3A_923 = arith.addf %slice3A_920, %mul3A_922 : vector<64x64xf32>
    %tanh3A_924 = math.tanh %add3A_923 : vector<64x64xf32>
    %sub3A_925 = arith.constant 1.000000e+00 : f32
    %sub3A_926 = vector.broadcast %sub3A_925 : f32 to vector<64x64xf32>
    %sub3A_927 = arith.subf %sub3A_926, %logistic3A_919 : vector<64x64xf32>
    %mul3A_928 = arith.mulf %sub3A_927, %tanh3A_924 : vector<64x64xf32>
    %mul3A_929 = arith.mulf %logistic3A_919, %add3A_895 : vector<64x64xf32>
    %add3A_930 = arith.addf %mul3A_928, %mul3A_929 : vector<64x64xf32>
    %slice3A_931 = vector.extract_strided_slice %reshape3A {offsets = [23, 0, 0], sizes = [1, 64, 192], strides = [1, 1, 1]} : vector<50x64x192xf32> to vector<1x64x192xf32>
    %squeeze3A_932 = vector.shape_cast %slice3A_931 : vector<1x64x192xf32> to vector<64x192xf32>
    %dot_general3A_933 = arith.constant dense<0.000000e+00> : vector<64x192xf32>
    %dot_general3A_934 = tpu.matmul %add3A_930, %get3A_124, %dot_general3A_933 {dimension_numbers = #tpu.dot_dimension_numbers<[1], [0], [0], [1], [0, 0, 1, 1], [], []>, transpose_lhs_hint = false} : vector<64x64xf32>, vector<64x192xf32>, vector<64x192xf32> -> vector<64x192xf32>
    %add3A_935 = vector.broadcast %get3A_127 : vector<1x192xf32> to vector<64x192xf32>
    %add3A_936 = arith.addf %dot_general3A_934, %add3A_935 : vector<64x192xf32>
    %slice3A_937 = vector.extract_strided_slice %squeeze3A_932 {offsets = [0, 0], sizes = [64, 64], strides = [1, 1]} : vector<64x192xf32> to vector<64x64xf32>
    %slice3A_938 = vector.extract_strided_slice %add3A_936 {offsets = [0, 0], sizes = [64, 64], strides = [1, 1]} : vector<64x192xf32> to vector<64x64xf32>
    %add3A_939 = arith.addf %slice3A_937, %slice3A_938 : vector<64x64xf32>
    %logistic3A_940 = arith.negf %add3A_939 : vector<64x64xf32>
    %logistic3A_941 = math.exp %logistic3A_940 : vector<64x64xf32>
    %logistic3A_942 = arith.constant 1.000000e+00 : f32
    %logistic3A_943 = vector.broadcast %logistic3A_942 : f32 to vector<64x64xf32>
    %logistic3A_944 = arith.addf %logistic3A_943, %logistic3A_941 : vector<64x64xf32>
    %logistic3A_945 = arith.divf %logistic3A_943, %logistic3A_944 : vector<64x64xf32>
    %slice3A_946 = vector.extract_strided_slice %squeeze3A_932 {offsets = [0, 64], sizes = [64, 64], strides = [1, 1]} : vector<64x192xf32> to vector<64x64xf32>
    %slice3A_947 = vector.extract_strided_slice %add3A_936 {offsets = [0, 64], sizes = [64, 64], strides = [1, 1]} : vector<64x192xf32> to vector<64x64xf32>
    %add3A_948 = arith.addf %slice3A_946, %slice3A_947 : vector<64x64xf32>
    %logistic3A_949 = arith.negf %add3A_948 : vector<64x64xf32>
    %logistic3A_950 = math.exp %logistic3A_949 : vector<64x64xf32>
    %logistic3A_951 = arith.constant 1.000000e+00 : f32
    %logistic3A_952 = vector.broadcast %logistic3A_951 : f32 to vector<64x64xf32>
    %logistic3A_953 = arith.addf %logistic3A_952, %logistic3A_950 : vector<64x64xf32>
    %logistic3A_954 = arith.divf %logistic3A_952, %logistic3A_953 : vector<64x64xf32>
    %slice3A_955 = vector.extract_strided_slice %squeeze3A_932 {offsets = [0, 128], sizes = [64, 64], strides = [1, 1]} : vector<64x192xf32> to vector<64x64xf32>
    %slice3A_956 = vector.extract_strided_slice %add3A_936 {offsets = [0, 128], sizes = [64, 64], strides = [1, 1]} : vector<64x192xf32> to vector<64x64xf32>
    %mul3A_957 = arith.mulf %logistic3A_945, %slice3A_956 : vector<64x64xf32>
    %add3A_958 = arith.addf %slice3A_955, %mul3A_957 : vector<64x64xf32>
    %tanh3A_959 = math.tanh %add3A_958 : vector<64x64xf32>
    %sub3A_960 = arith.constant 1.000000e+00 : f32
    %sub3A_961 = vector.broadcast %sub3A_960 : f32 to vector<64x64xf32>
    %sub3A_962 = arith.subf %sub3A_961, %logistic3A_954 : vector<64x64xf32>
    %mul3A_963 = arith.mulf %sub3A_962, %tanh3A_959 : vector<64x64xf32>
    %mul3A_964 = arith.mulf %logistic3A_954, %add3A_930 : vector<64x64xf32>
    %add3A_965 = arith.addf %mul3A_963, %mul3A_964 : vector<64x64xf32>
    %slice3A_966 = vector.extract_strided_slice %reshape3A {offsets = [24, 0, 0], sizes = [1, 64, 192], strides = [1, 1, 1]} : vector<50x64x192xf32> to vector<1x64x192xf32>
    %squeeze3A_967 = vector.shape_cast %slice3A_966 : vector<1x64x192xf32> to vector<64x192xf32>
    %dot_general3A_968 = arith.constant dense<0.000000e+00> : vector<64x192xf32>
    %dot_general3A_969 = tpu.matmul %add3A_965, %get3A_124, %dot_general3A_968 {dimension_numbers = #tpu.dot_dimension_numbers<[1], [0], [0], [1], [0, 0, 1, 1], [], []>, transpose_lhs_hint = false} : vector<64x64xf32>, vector<64x192xf32>, vector<64x192xf32> -> vector<64x192xf32>
    %add3A_970 = vector.broadcast %get3A_127 : vector<1x192xf32> to vector<64x192xf32>
    %add3A_971 = arith.addf %dot_general3A_969, %add3A_970 : vector<64x192xf32>
    %slice3A_972 = vector.extract_strided_slice %squeeze3A_967 {offsets = [0, 0], sizes = [64, 64], strides = [1, 1]} : vector<64x192xf32> to vector<64x64xf32>
    %slice3A_973 = vector.extract_strided_slice %add3A_971 {offsets = [0, 0], sizes = [64, 64], strides = [1, 1]} : vector<64x192xf32> to vector<64x64xf32>
    %add3A_974 = arith.addf %slice3A_972, %slice3A_973 : vector<64x64xf32>
    %logistic3A_975 = arith.negf %add3A_974 : vector<64x64xf32>
    %logistic3A_976 = math.exp %logistic3A_975 : vector<64x64xf32>
    %logistic3A_977 = arith.constant 1.000000e+00 : f32
    %logistic3A_978 = vector.broadcast %logistic3A_977 : f32 to vector<64x64xf32>
    %logistic3A_979 = arith.addf %logistic3A_978, %logistic3A_976 : vector<64x64xf32>
    %logistic3A_980 = arith.divf %logistic3A_978, %logistic3A_979 : vector<64x64xf32>
    %slice3A_981 = vector.extract_strided_slice %squeeze3A_967 {offsets = [0, 64], sizes = [64, 64], strides = [1, 1]} : vector<64x192xf32> to vector<64x64xf32>
    %slice3A_982 = vector.extract_strided_slice %add3A_971 {offsets = [0, 64], sizes = [64, 64], strides = [1, 1]} : vector<64x192xf32> to vector<64x64xf32>
    %add3A_983 = arith.addf %slice3A_981, %slice3A_982 : vector<64x64xf32>
    %logistic3A_984 = arith.negf %add3A_983 : vector<64x64xf32>
    %logistic3A_985 = math.exp %logistic3A_984 : vector<64x64xf32>
    %logistic3A_986 = arith.constant 1.000000e+00 : f32
    %logistic3A_987 = vector.broadcast %logistic3A_986 : f32 to vector<64x64xf32>
    %logistic3A_988 = arith.addf %logistic3A_987, %logistic3A_985 : vector<64x64xf32>
    %logistic3A_989 = arith.divf %logistic3A_987, %logistic3A_988 : vector<64x64xf32>
    %slice3A_990 = vector.extract_strided_slice %squeeze3A_967 {offsets = [0, 128], sizes = [64, 64], strides = [1, 1]} : vector<64x192xf32> to vector<64x64xf32>
    %slice3A_991 = vector.extract_strided_slice %add3A_971 {offsets = [0, 128], sizes = [64, 64], strides = [1, 1]} : vector<64x192xf32> to vector<64x64xf32>
    %mul3A_992 = arith.mulf %logistic3A_980, %slice3A_991 : vector<64x64xf32>
    %add3A_993 = arith.addf %slice3A_990, %mul3A_992 : vector<64x64xf32>
    %tanh3A_994 = math.tanh %add3A_993 : vector<64x64xf32>
    %sub3A_995 = arith.constant 1.000000e+00 : f32
    %sub3A_996 = vector.broadcast %sub3A_995 : f32 to vector<64x64xf32>
    %sub3A_997 = arith.subf %sub3A_996, %logistic3A_989 : vector<64x64xf32>
    %mul3A_998 = arith.mulf %sub3A_997, %tanh3A_994 : vector<64x64xf32>
    %mul3A_999 = arith.mulf %logistic3A_989, %add3A_965 : vector<64x64xf32>
    %add3A_1000 = arith.addf %mul3A_998, %mul3A_999 : vector<64x64xf32>
    %slice3A_1001 = vector.extract_strided_slice %reshape3A {offsets = [25, 0, 0], sizes = [1, 64, 192], strides = [1, 1, 1]} : vector<50x64x192xf32> to vector<1x64x192xf32>
    %squeeze3A_1002 = vector.shape_cast %slice3A_1001 : vector<1x64x192xf32> to vector<64x192xf32>
    %dot_general3A_1003 = arith.constant dense<0.000000e+00> : vector<64x192xf32>
    %dot_general3A_1004 = tpu.matmul %add3A_1000, %get3A_124, %dot_general3A_1003 {dimension_numbers = #tpu.dot_dimension_numbers<[1], [0], [0], [1], [0, 0, 1, 1], [], []>, transpose_lhs_hint = false} : vector<64x64xf32>, vector<64x192xf32>, vector<64x192xf32> -> vector<64x192xf32>
    %add3A_1005 = vector.broadcast %get3A_127 : vector<1x192xf32> to vector<64x192xf32>
    %add3A_1006 = arith.addf %dot_general3A_1004, %add3A_1005 : vector<64x192xf32>
    %slice3A_1007 = vector.extract_strided_slice %squeeze3A_1002 {offsets = [0, 0], sizes = [64, 64], strides = [1, 1]} : vector<64x192xf32> to vector<64x64xf32>
    %slice3A_1008 = vector.extract_strided_slice %add3A_1006 {offsets = [0, 0], sizes = [64, 64], strides = [1, 1]} : vector<64x192xf32> to vector<64x64xf32>
    %add3A_1009 = arith.addf %slice3A_1007, %slice3A_1008 : vector<64x64xf32>
    %logistic3A_1010 = arith.negf %add3A_1009 : vector<64x64xf32>
    %logistic3A_1011 = math.exp %logistic3A_1010 : vector<64x64xf32>
    %logistic3A_1012 = arith.constant 1.000000e+00 : f32
    %logistic3A_1013 = vector.broadcast %logistic3A_1012 : f32 to vector<64x64xf32>
    %logistic3A_1014 = arith.addf %logistic3A_1013, %logistic3A_1011 : vector<64x64xf32>
    %logistic3A_1015 = arith.divf %logistic3A_1013, %logistic3A_1014 : vector<64x64xf32>
    %slice3A_1016 = vector.extract_strided_slice %squeeze3A_1002 {offsets = [0, 64], sizes = [64, 64], strides = [1, 1]} : vector<64x192xf32> to vector<64x64xf32>
    %slice3A_1017 = vector.extract_strided_slice %add3A_1006 {offsets = [0, 64], sizes = [64, 64], strides = [1, 1]} : vector<64x192xf32> to vector<64x64xf32>
    %add3A_1018 = arith.addf %slice3A_1016, %slice3A_1017 : vector<64x64xf32>
    %logistic3A_1019 = arith.negf %add3A_1018 : vector<64x64xf32>
    %logistic3A_1020 = math.exp %logistic3A_1019 : vector<64x64xf32>
    %logistic3A_1021 = arith.constant 1.000000e+00 : f32
    %logistic3A_1022 = vector.broadcast %logistic3A_1021 : f32 to vector<64x64xf32>
    %logistic3A_1023 = arith.addf %logistic3A_1022, %logistic3A_1020 : vector<64x64xf32>
    %logistic3A_1024 = arith.divf %logistic3A_1022, %logistic3A_1023 : vector<64x64xf32>
    %slice3A_1025 = vector.extract_strided_slice %squeeze3A_1002 {offsets = [0, 128], sizes = [64, 64], strides = [1, 1]} : vector<64x192xf32> to vector<64x64xf32>
    %slice3A_1026 = vector.extract_strided_slice %add3A_1006 {offsets = [0, 128], sizes = [64, 64], strides = [1, 1]} : vector<64x192xf32> to vector<64x64xf32>
    %mul3A_1027 = arith.mulf %logistic3A_1015, %slice3A_1026 : vector<64x64xf32>
    %add3A_1028 = arith.addf %slice3A_1025, %mul3A_1027 : vector<64x64xf32>
    %tanh3A_1029 = math.tanh %add3A_1028 : vector<64x64xf32>
    %sub3A_1030 = arith.constant 1.000000e+00 : f32
    %sub3A_1031 = vector.broadcast %sub3A_1030 : f32 to vector<64x64xf32>
    %sub3A_1032 = arith.subf %sub3A_1031, %logistic3A_1024 : vector<64x64xf32>
    %mul3A_1033 = arith.mulf %sub3A_1032, %tanh3A_1029 : vector<64x64xf32>
    %mul3A_1034 = arith.mulf %logistic3A_1024, %add3A_1000 : vector<64x64xf32>
    %add3A_1035 = arith.addf %mul3A_1033, %mul3A_1034 : vector<64x64xf32>
    %slice3A_1036 = vector.extract_strided_slice %reshape3A {offsets = [26, 0, 0], sizes = [1, 64, 192], strides = [1, 1, 1]} : vector<50x64x192xf32> to vector<1x64x192xf32>
    %squeeze3A_1037 = vector.shape_cast %slice3A_1036 : vector<1x64x192xf32> to vector<64x192xf32>
    %dot_general3A_1038 = arith.constant dense<0.000000e+00> : vector<64x192xf32>
    %dot_general3A_1039 = tpu.matmul %add3A_1035, %get3A_124, %dot_general3A_1038 {dimension_numbers = #tpu.dot_dimension_numbers<[1], [0], [0], [1], [0, 0, 1, 1], [], []>, transpose_lhs_hint = false} : vector<64x64xf32>, vector<64x192xf32>, vector<64x192xf32> -> vector<64x192xf32>
    %add3A_1040 = vector.broadcast %get3A_127 : vector<1x192xf32> to vector<64x192xf32>
    %add3A_1041 = arith.addf %dot_general3A_1039, %add3A_1040 : vector<64x192xf32>
    %slice3A_1042 = vector.extract_strided_slice %squeeze3A_1037 {offsets = [0, 0], sizes = [64, 64], strides = [1, 1]} : vector<64x192xf32> to vector<64x64xf32>
    %slice3A_1043 = vector.extract_strided_slice %add3A_1041 {offsets = [0, 0], sizes = [64, 64], strides = [1, 1]} : vector<64x192xf32> to vector<64x64xf32>
    %add3A_1044 = arith.addf %slice3A_1042, %slice3A_1043 : vector<64x64xf32>
    %logistic3A_1045 = arith.negf %add3A_1044 : vector<64x64xf32>
    %logistic3A_1046 = math.exp %logistic3A_1045 : vector<64x64xf32>
    %logistic3A_1047 = arith.constant 1.000000e+00 : f32
    %logistic3A_1048 = vector.broadcast %logistic3A_1047 : f32 to vector<64x64xf32>
    %logistic3A_1049 = arith.addf %logistic3A_1048, %logistic3A_1046 : vector<64x64xf32>
    %logistic3A_1050 = arith.divf %logistic3A_1048, %logistic3A_1049 : vector<64x64xf32>
    %slice3A_1051 = vector.extract_strided_slice %squeeze3A_1037 {offsets = [0, 64], sizes = [64, 64], strides = [1, 1]} : vector<64x192xf32> to vector<64x64xf32>
    %slice3A_1052 = vector.extract_strided_slice %add3A_1041 {offsets = [0, 64], sizes = [64, 64], strides = [1, 1]} : vector<64x192xf32> to vector<64x64xf32>
    %add3A_1053 = arith.addf %slice3A_1051, %slice3A_1052 : vector<64x64xf32>
    %logistic3A_1054 = arith.negf %add3A_1053 : vector<64x64xf32>
    %logistic3A_1055 = math.exp %logistic3A_1054 : vector<64x64xf32>
    %logistic3A_1056 = arith.constant 1.000000e+00 : f32
    %logistic3A_1057 = vector.broadcast %logistic3A_1056 : f32 to vector<64x64xf32>
    %logistic3A_1058 = arith.addf %logistic3A_1057, %logistic3A_1055 : vector<64x64xf32>
    %logistic3A_1059 = arith.divf %logistic3A_1057, %logistic3A_1058 : vector<64x64xf32>
    %slice3A_1060 = vector.extract_strided_slice %squeeze3A_1037 {offsets = [0, 128], sizes = [64, 64], strides = [1, 1]} : vector<64x192xf32> to vector<64x64xf32>
    %slice3A_1061 = vector.extract_strided_slice %add3A_1041 {offsets = [0, 128], sizes = [64, 64], strides = [1, 1]} : vector<64x192xf32> to vector<64x64xf32>
    %mul3A_1062 = arith.mulf %logistic3A_1050, %slice3A_1061 : vector<64x64xf32>
    %add3A_1063 = arith.addf %slice3A_1060, %mul3A_1062 : vector<64x64xf32>
    %tanh3A_1064 = math.tanh %add3A_1063 : vector<64x64xf32>
    %sub3A_1065 = arith.constant 1.000000e+00 : f32
    %sub3A_1066 = vector.broadcast %sub3A_1065 : f32 to vector<64x64xf32>
    %sub3A_1067 = arith.subf %sub3A_1066, %logistic3A_1059 : vector<64x64xf32>
    %mul3A_1068 = arith.mulf %sub3A_1067, %tanh3A_1064 : vector<64x64xf32>
    %mul3A_1069 = arith.mulf %logistic3A_1059, %add3A_1035 : vector<64x64xf32>
    %add3A_1070 = arith.addf %mul3A_1068, %mul3A_1069 : vector<64x64xf32>
    %slice3A_1071 = vector.extract_strided_slice %reshape3A {offsets = [27, 0, 0], sizes = [1, 64, 192], strides = [1, 1, 1]} : vector<50x64x192xf32> to vector<1x64x192xf32>
    %squeeze3A_1072 = vector.shape_cast %slice3A_1071 : vector<1x64x192xf32> to vector<64x192xf32>
    %dot_general3A_1073 = arith.constant dense<0.000000e+00> : vector<64x192xf32>
    %dot_general3A_1074 = tpu.matmul %add3A_1070, %get3A_124, %dot_general3A_1073 {dimension_numbers = #tpu.dot_dimension_numbers<[1], [0], [0], [1], [0, 0, 1, 1], [], []>, transpose_lhs_hint = false} : vector<64x64xf32>, vector<64x192xf32>, vector<64x192xf32> -> vector<64x192xf32>
    %add3A_1075 = vector.broadcast %get3A_127 : vector<1x192xf32> to vector<64x192xf32>
    %add3A_1076 = arith.addf %dot_general3A_1074, %add3A_1075 : vector<64x192xf32>
    %slice3A_1077 = vector.extract_strided_slice %squeeze3A_1072 {offsets = [0, 0], sizes = [64, 64], strides = [1, 1]} : vector<64x192xf32> to vector<64x64xf32>
    %slice3A_1078 = vector.extract_strided_slice %add3A_1076 {offsets = [0, 0], sizes = [64, 64], strides = [1, 1]} : vector<64x192xf32> to vector<64x64xf32>
    %add3A_1079 = arith.addf %slice3A_1077, %slice3A_1078 : vector<64x64xf32>
    %logistic3A_1080 = arith.negf %add3A_1079 : vector<64x64xf32>
    %logistic3A_1081 = math.exp %logistic3A_1080 : vector<64x64xf32>
    %logistic3A_1082 = arith.constant 1.000000e+00 : f32
    %logistic3A_1083 = vector.broadcast %logistic3A_1082 : f32 to vector<64x64xf32>
    %logistic3A_1084 = arith.addf %logistic3A_1083, %logistic3A_1081 : vector<64x64xf32>
    %logistic3A_1085 = arith.divf %logistic3A_1083, %logistic3A_1084 : vector<64x64xf32>
    %slice3A_1086 = vector.extract_strided_slice %squeeze3A_1072 {offsets = [0, 64], sizes = [64, 64], strides = [1, 1]} : vector<64x192xf32> to vector<64x64xf32>
    %slice3A_1087 = vector.extract_strided_slice %add3A_1076 {offsets = [0, 64], sizes = [64, 64], strides = [1, 1]} : vector<64x192xf32> to vector<64x64xf32>
    %add3A_1088 = arith.addf %slice3A_1086, %slice3A_1087 : vector<64x64xf32>
    %logistic3A_1089 = arith.negf %add3A_1088 : vector<64x64xf32>
    %logistic3A_1090 = math.exp %logistic3A_1089 : vector<64x64xf32>
    %logistic3A_1091 = arith.constant 1.000000e+00 : f32
    %logistic3A_1092 = vector.broadcast %logistic3A_1091 : f32 to vector<64x64xf32>
    %logistic3A_1093 = arith.addf %logistic3A_1092, %logistic3A_1090 : vector<64x64xf32>
    %logistic3A_1094 = arith.divf %logistic3A_1092, %logistic3A_1093 : vector<64x64xf32>
    %slice3A_1095 = vector.extract_strided_slice %squeeze3A_1072 {offsets = [0, 128], sizes = [64, 64], strides = [1, 1]} : vector<64x192xf32> to vector<64x64xf32>
    %slice3A_1096 = vector.extract_strided_slice %add3A_1076 {offsets = [0, 128], sizes = [64, 64], strides = [1, 1]} : vector<64x192xf32> to vector<64x64xf32>
    %mul3A_1097 = arith.mulf %logistic3A_1085, %slice3A_1096 : vector<64x64xf32>
    %add3A_1098 = arith.addf %slice3A_1095, %mul3A_1097 : vector<64x64xf32>
    %tanh3A_1099 = math.tanh %add3A_1098 : vector<64x64xf32>
    %sub3A_1100 = arith.constant 1.000000e+00 : f32
    %sub3A_1101 = vector.broadcast %sub3A_1100 : f32 to vector<64x64xf32>
    %sub3A_1102 = arith.subf %sub3A_1101, %logistic3A_1094 : vector<64x64xf32>
    %mul3A_1103 = arith.mulf %sub3A_1102, %tanh3A_1099 : vector<64x64xf32>
    %mul3A_1104 = arith.mulf %logistic3A_1094, %add3A_1070 : vector<64x64xf32>
    %add3A_1105 = arith.addf %mul3A_1103, %mul3A_1104 : vector<64x64xf32>
    %slice3A_1106 = vector.extract_strided_slice %reshape3A {offsets = [28, 0, 0], sizes = [1, 64, 192], strides = [1, 1, 1]} : vector<50x64x192xf32> to vector<1x64x192xf32>
    %squeeze3A_1107 = vector.shape_cast %slice3A_1106 : vector<1x64x192xf32> to vector<64x192xf32>
    %dot_general3A_1108 = arith.constant dense<0.000000e+00> : vector<64x192xf32>
    %dot_general3A_1109 = tpu.matmul %add3A_1105, %get3A_124, %dot_general3A_1108 {dimension_numbers = #tpu.dot_dimension_numbers<[1], [0], [0], [1], [0, 0, 1, 1], [], []>, transpose_lhs_hint = false} : vector<64x64xf32>, vector<64x192xf32>, vector<64x192xf32> -> vector<64x192xf32>
    %add3A_1110 = vector.broadcast %get3A_127 : vector<1x192xf32> to vector<64x192xf32>
    %add3A_1111 = arith.addf %dot_general3A_1109, %add3A_1110 : vector<64x192xf32>
    %slice3A_1112 = vector.extract_strided_slice %squeeze3A_1107 {offsets = [0, 0], sizes = [64, 64], strides = [1, 1]} : vector<64x192xf32> to vector<64x64xf32>
    %slice3A_1113 = vector.extract_strided_slice %add3A_1111 {offsets = [0, 0], sizes = [64, 64], strides = [1, 1]} : vector<64x192xf32> to vector<64x64xf32>
    %add3A_1114 = arith.addf %slice3A_1112, %slice3A_1113 : vector<64x64xf32>
    %logistic3A_1115 = arith.negf %add3A_1114 : vector<64x64xf32>
    %logistic3A_1116 = math.exp %logistic3A_1115 : vector<64x64xf32>
    %logistic3A_1117 = arith.constant 1.000000e+00 : f32
    %logistic3A_1118 = vector.broadcast %logistic3A_1117 : f32 to vector<64x64xf32>
    %logistic3A_1119 = arith.addf %logistic3A_1118, %logistic3A_1116 : vector<64x64xf32>
    %logistic3A_1120 = arith.divf %logistic3A_1118, %logistic3A_1119 : vector<64x64xf32>
    %slice3A_1121 = vector.extract_strided_slice %squeeze3A_1107 {offsets = [0, 64], sizes = [64, 64], strides = [1, 1]} : vector<64x192xf32> to vector<64x64xf32>
    %slice3A_1122 = vector.extract_strided_slice %add3A_1111 {offsets = [0, 64], sizes = [64, 64], strides = [1, 1]} : vector<64x192xf32> to vector<64x64xf32>
    %add3A_1123 = arith.addf %slice3A_1121, %slice3A_1122 : vector<64x64xf32>
    %logistic3A_1124 = arith.negf %add3A_1123 : vector<64x64xf32>
    %logistic3A_1125 = math.exp %logistic3A_1124 : vector<64x64xf32>
    %logistic3A_1126 = arith.constant 1.000000e+00 : f32
    %logistic3A_1127 = vector.broadcast %logistic3A_1126 : f32 to vector<64x64xf32>
    %logistic3A_1128 = arith.addf %logistic3A_1127, %logistic3A_1125 : vector<64x64xf32>
    %logistic3A_1129 = arith.divf %logistic3A_1127, %logistic3A_1128 : vector<64x64xf32>
    %slice3A_1130 = vector.extract_strided_slice %squeeze3A_1107 {offsets = [0, 128], sizes = [64, 64], strides = [1, 1]} : vector<64x192xf32> to vector<64x64xf32>
    %slice3A_1131 = vector.extract_strided_slice %add3A_1111 {offsets = [0, 128], sizes = [64, 64], strides = [1, 1]} : vector<64x192xf32> to vector<64x64xf32>
    %mul3A_1132 = arith.mulf %logistic3A_1120, %slice3A_1131 : vector<64x64xf32>
    %add3A_1133 = arith.addf %slice3A_1130, %mul3A_1132 : vector<64x64xf32>
    %tanh3A_1134 = math.tanh %add3A_1133 : vector<64x64xf32>
    %sub3A_1135 = arith.constant 1.000000e+00 : f32
    %sub3A_1136 = vector.broadcast %sub3A_1135 : f32 to vector<64x64xf32>
    %sub3A_1137 = arith.subf %sub3A_1136, %logistic3A_1129 : vector<64x64xf32>
    %mul3A_1138 = arith.mulf %sub3A_1137, %tanh3A_1134 : vector<64x64xf32>
    %mul3A_1139 = arith.mulf %logistic3A_1129, %add3A_1105 : vector<64x64xf32>
    %add3A_1140 = arith.addf %mul3A_1138, %mul3A_1139 : vector<64x64xf32>
    %slice3A_1141 = vector.extract_strided_slice %reshape3A {offsets = [29, 0, 0], sizes = [1, 64, 192], strides = [1, 1, 1]} : vector<50x64x192xf32> to vector<1x64x192xf32>
    %squeeze3A_1142 = vector.shape_cast %slice3A_1141 : vector<1x64x192xf32> to vector<64x192xf32>
    %dot_general3A_1143 = arith.constant dense<0.000000e+00> : vector<64x192xf32>
    %dot_general3A_1144 = tpu.matmul %add3A_1140, %get3A_124, %dot_general3A_1143 {dimension_numbers = #tpu.dot_dimension_numbers<[1], [0], [0], [1], [0, 0, 1, 1], [], []>, transpose_lhs_hint = false} : vector<64x64xf32>, vector<64x192xf32>, vector<64x192xf32> -> vector<64x192xf32>
    %add3A_1145 = vector.broadcast %get3A_127 : vector<1x192xf32> to vector<64x192xf32>
    %add3A_1146 = arith.addf %dot_general3A_1144, %add3A_1145 : vector<64x192xf32>
    %slice3A_1147 = vector.extract_strided_slice %squeeze3A_1142 {offsets = [0, 0], sizes = [64, 64], strides = [1, 1]} : vector<64x192xf32> to vector<64x64xf32>
    %slice3A_1148 = vector.extract_strided_slice %add3A_1146 {offsets = [0, 0], sizes = [64, 64], strides = [1, 1]} : vector<64x192xf32> to vector<64x64xf32>
    %add3A_1149 = arith.addf %slice3A_1147, %slice3A_1148 : vector<64x64xf32>
    %logistic3A_1150 = arith.negf %add3A_1149 : vector<64x64xf32>
    %logistic3A_1151 = math.exp %logistic3A_1150 : vector<64x64xf32>
    %logistic3A_1152 = arith.constant 1.000000e+00 : f32
    %logistic3A_1153 = vector.broadcast %logistic3A_1152 : f32 to vector<64x64xf32>
    %logistic3A_1154 = arith.addf %logistic3A_1153, %logistic3A_1151 : vector<64x64xf32>
    %logistic3A_1155 = arith.divf %logistic3A_1153, %logistic3A_1154 : vector<64x64xf32>
    %slice3A_1156 = vector.extract_strided_slice %squeeze3A_1142 {offsets = [0, 64], sizes = [64, 64], strides = [1, 1]} : vector<64x192xf32> to vector<64x64xf32>
    %slice3A_1157 = vector.extract_strided_slice %add3A_1146 {offsets = [0, 64], sizes = [64, 64], strides = [1, 1]} : vector<64x192xf32> to vector<64x64xf32>
    %add3A_1158 = arith.addf %slice3A_1156, %slice3A_1157 : vector<64x64xf32>
    %logistic3A_1159 = arith.negf %add3A_1158 : vector<64x64xf32>
    %logistic3A_1160 = math.exp %logistic3A_1159 : vector<64x64xf32>
    %logistic3A_1161 = arith.constant 1.000000e+00 : f32
    %logistic3A_1162 = vector.broadcast %logistic3A_1161 : f32 to vector<64x64xf32>
    %logistic3A_1163 = arith.addf %logistic3A_1162, %logistic3A_1160 : vector<64x64xf32>
    %logistic3A_1164 = arith.divf %logistic3A_1162, %logistic3A_1163 : vector<64x64xf32>
    %slice3A_1165 = vector.extract_strided_slice %squeeze3A_1142 {offsets = [0, 128], sizes = [64, 64], strides = [1, 1]} : vector<64x192xf32> to vector<64x64xf32>
    %slice3A_1166 = vector.extract_strided_slice %add3A_1146 {offsets = [0, 128], sizes = [64, 64], strides = [1, 1]} : vector<64x192xf32> to vector<64x64xf32>
    %mul3A_1167 = arith.mulf %logistic3A_1155, %slice3A_1166 : vector<64x64xf32>
    %add3A_1168 = arith.addf %slice3A_1165, %mul3A_1167 : vector<64x64xf32>
    %tanh3A_1169 = math.tanh %add3A_1168 : vector<64x64xf32>
    %sub3A_1170 = arith.constant 1.000000e+00 : f32
    %sub3A_1171 = vector.broadcast %sub3A_1170 : f32 to vector<64x64xf32>
    %sub3A_1172 = arith.subf %sub3A_1171, %logistic3A_1164 : vector<64x64xf32>
    %mul3A_1173 = arith.mulf %sub3A_1172, %tanh3A_1169 : vector<64x64xf32>
    %mul3A_1174 = arith.mulf %logistic3A_1164, %add3A_1140 : vector<64x64xf32>
    %add3A_1175 = arith.addf %mul3A_1173, %mul3A_1174 : vector<64x64xf32>
    %slice3A_1176 = vector.extract_strided_slice %reshape3A {offsets = [30, 0, 0], sizes = [1, 64, 192], strides = [1, 1, 1]} : vector<50x64x192xf32> to vector<1x64x192xf32>
    %squeeze3A_1177 = vector.shape_cast %slice3A_1176 : vector<1x64x192xf32> to vector<64x192xf32>
    %dot_general3A_1178 = arith.constant dense<0.000000e+00> : vector<64x192xf32>
    %dot_general3A_1179 = tpu.matmul %add3A_1175, %get3A_124, %dot_general3A_1178 {dimension_numbers = #tpu.dot_dimension_numbers<[1], [0], [0], [1], [0, 0, 1, 1], [], []>, transpose_lhs_hint = false} : vector<64x64xf32>, vector<64x192xf32>, vector<64x192xf32> -> vector<64x192xf32>
    %add3A_1180 = vector.broadcast %get3A_127 : vector<1x192xf32> to vector<64x192xf32>
    %add3A_1181 = arith.addf %dot_general3A_1179, %add3A_1180 : vector<64x192xf32>
    %slice3A_1182 = vector.extract_strided_slice %squeeze3A_1177 {offsets = [0, 0], sizes = [64, 64], strides = [1, 1]} : vector<64x192xf32> to vector<64x64xf32>
    %slice3A_1183 = vector.extract_strided_slice %add3A_1181 {offsets = [0, 0], sizes = [64, 64], strides = [1, 1]} : vector<64x192xf32> to vector<64x64xf32>
    %add3A_1184 = arith.addf %slice3A_1182, %slice3A_1183 : vector<64x64xf32>
    %logistic3A_1185 = arith.negf %add3A_1184 : vector<64x64xf32>
    %logistic3A_1186 = math.exp %logistic3A_1185 : vector<64x64xf32>
    %logistic3A_1187 = arith.constant 1.000000e+00 : f32
    %logistic3A_1188 = vector.broadcast %logistic3A_1187 : f32 to vector<64x64xf32>
    %logistic3A_1189 = arith.addf %logistic3A_1188, %logistic3A_1186 : vector<64x64xf32>
    %logistic3A_1190 = arith.divf %logistic3A_1188, %logistic3A_1189 : vector<64x64xf32>
    %slice3A_1191 = vector.extract_strided_slice %squeeze3A_1177 {offsets = [0, 64], sizes = [64, 64], strides = [1, 1]} : vector<64x192xf32> to vector<64x64xf32>
    %slice3A_1192 = vector.extract_strided_slice %add3A_1181 {offsets = [0, 64], sizes = [64, 64], strides = [1, 1]} : vector<64x192xf32> to vector<64x64xf32>
    %add3A_1193 = arith.addf %slice3A_1191, %slice3A_1192 : vector<64x64xf32>
    %logistic3A_1194 = arith.negf %add3A_1193 : vector<64x64xf32>
    %logistic3A_1195 = math.exp %logistic3A_1194 : vector<64x64xf32>
    %logistic3A_1196 = arith.constant 1.000000e+00 : f32
    %logistic3A_1197 = vector.broadcast %logistic3A_1196 : f32 to vector<64x64xf32>
    %logistic3A_1198 = arith.addf %logistic3A_1197, %logistic3A_1195 : vector<64x64xf32>
    %logistic3A_1199 = arith.divf %logistic3A_1197, %logistic3A_1198 : vector<64x64xf32>
    %slice3A_1200 = vector.extract_strided_slice %squeeze3A_1177 {offsets = [0, 128], sizes = [64, 64], strides = [1, 1]} : vector<64x192xf32> to vector<64x64xf32>
    %slice3A_1201 = vector.extract_strided_slice %add3A_1181 {offsets = [0, 128], sizes = [64, 64], strides = [1, 1]} : vector<64x192xf32> to vector<64x64xf32>
    %mul3A_1202 = arith.mulf %logistic3A_1190, %slice3A_1201 : vector<64x64xf32>
    %add3A_1203 = arith.addf %slice3A_1200, %mul3A_1202 : vector<64x64xf32>
    %tanh3A_1204 = math.tanh %add3A_1203 : vector<64x64xf32>
    %sub3A_1205 = arith.constant 1.000000e+00 : f32
    %sub3A_1206 = vector.broadcast %sub3A_1205 : f32 to vector<64x64xf32>
    %sub3A_1207 = arith.subf %sub3A_1206, %logistic3A_1199 : vector<64x64xf32>
    %mul3A_1208 = arith.mulf %sub3A_1207, %tanh3A_1204 : vector<64x64xf32>
    %mul3A_1209 = arith.mulf %logistic3A_1199, %add3A_1175 : vector<64x64xf32>
    %add3A_1210 = arith.addf %mul3A_1208, %mul3A_1209 : vector<64x64xf32>
    %slice3A_1211 = vector.extract_strided_slice %reshape3A {offsets = [31, 0, 0], sizes = [1, 64, 192], strides = [1, 1, 1]} : vector<50x64x192xf32> to vector<1x64x192xf32>
    %squeeze3A_1212 = vector.shape_cast %slice3A_1211 : vector<1x64x192xf32> to vector<64x192xf32>
    %dot_general3A_1213 = arith.constant dense<0.000000e+00> : vector<64x192xf32>
    %dot_general3A_1214 = tpu.matmul %add3A_1210, %get3A_124, %dot_general3A_1213 {dimension_numbers = #tpu.dot_dimension_numbers<[1], [0], [0], [1], [0, 0, 1, 1], [], []>, transpose_lhs_hint = false} : vector<64x64xf32>, vector<64x192xf32>, vector<64x192xf32> -> vector<64x192xf32>
    %add3A_1215 = vector.broadcast %get3A_127 : vector<1x192xf32> to vector<64x192xf32>
    %add3A_1216 = arith.addf %dot_general3A_1214, %add3A_1215 : vector<64x192xf32>
    %slice3A_1217 = vector.extract_strided_slice %squeeze3A_1212 {offsets = [0, 0], sizes = [64, 64], strides = [1, 1]} : vector<64x192xf32> to vector<64x64xf32>
    %slice3A_1218 = vector.extract_strided_slice %add3A_1216 {offsets = [0, 0], sizes = [64, 64], strides = [1, 1]} : vector<64x192xf32> to vector<64x64xf32>
    %add3A_1219 = arith.addf %slice3A_1217, %slice3A_1218 : vector<64x64xf32>
    %logistic3A_1220 = arith.negf %add3A_1219 : vector<64x64xf32>
    %logistic3A_1221 = math.exp %logistic3A_1220 : vector<64x64xf32>
    %logistic3A_1222 = arith.constant 1.000000e+00 : f32
    %logistic3A_1223 = vector.broadcast %logistic3A_1222 : f32 to vector<64x64xf32>
    %logistic3A_1224 = arith.addf %logistic3A_1223, %logistic3A_1221 : vector<64x64xf32>
    %logistic3A_1225 = arith.divf %logistic3A_1223, %logistic3A_1224 : vector<64x64xf32>
    %slice3A_1226 = vector.extract_strided_slice %squeeze3A_1212 {offsets = [0, 64], sizes = [64, 64], strides = [1, 1]} : vector<64x192xf32> to vector<64x64xf32>
    %slice3A_1227 = vector.extract_strided_slice %add3A_1216 {offsets = [0, 64], sizes = [64, 64], strides = [1, 1]} : vector<64x192xf32> to vector<64x64xf32>
    %add3A_1228 = arith.addf %slice3A_1226, %slice3A_1227 : vector<64x64xf32>
    %logistic3A_1229 = arith.negf %add3A_1228 : vector<64x64xf32>
    %logistic3A_1230 = math.exp %logistic3A_1229 : vector<64x64xf32>
    %logistic3A_1231 = arith.constant 1.000000e+00 : f32
    %logistic3A_1232 = vector.broadcast %logistic3A_1231 : f32 to vector<64x64xf32>
    %logistic3A_1233 = arith.addf %logistic3A_1232, %logistic3A_1230 : vector<64x64xf32>
    %logistic3A_1234 = arith.divf %logistic3A_1232, %logistic3A_1233 : vector<64x64xf32>
    %slice3A_1235 = vector.extract_strided_slice %squeeze3A_1212 {offsets = [0, 128], sizes = [64, 64], strides = [1, 1]} : vector<64x192xf32> to vector<64x64xf32>
    %slice3A_1236 = vector.extract_strided_slice %add3A_1216 {offsets = [0, 128], sizes = [64, 64], strides = [1, 1]} : vector<64x192xf32> to vector<64x64xf32>
    %mul3A_1237 = arith.mulf %logistic3A_1225, %slice3A_1236 : vector<64x64xf32>
    %add3A_1238 = arith.addf %slice3A_1235, %mul3A_1237 : vector<64x64xf32>
    %tanh3A_1239 = math.tanh %add3A_1238 : vector<64x64xf32>
    %sub3A_1240 = arith.constant 1.000000e+00 : f32
    %sub3A_1241 = vector.broadcast %sub3A_1240 : f32 to vector<64x64xf32>
    %sub3A_1242 = arith.subf %sub3A_1241, %logistic3A_1234 : vector<64x64xf32>
    %mul3A_1243 = arith.mulf %sub3A_1242, %tanh3A_1239 : vector<64x64xf32>
    %mul3A_1244 = arith.mulf %logistic3A_1234, %add3A_1210 : vector<64x64xf32>
    %add3A_1245 = arith.addf %mul3A_1243, %mul3A_1244 : vector<64x64xf32>
    %slice3A_1246 = vector.extract_strided_slice %reshape3A {offsets = [32, 0, 0], sizes = [1, 64, 192], strides = [1, 1, 1]} : vector<50x64x192xf32> to vector<1x64x192xf32>
    %squeeze3A_1247 = vector.shape_cast %slice3A_1246 : vector<1x64x192xf32> to vector<64x192xf32>
    %dot_general3A_1248 = arith.constant dense<0.000000e+00> : vector<64x192xf32>
    %dot_general3A_1249 = tpu.matmul %add3A_1245, %get3A_124, %dot_general3A_1248 {dimension_numbers = #tpu.dot_dimension_numbers<[1], [0], [0], [1], [0, 0, 1, 1], [], []>, transpose_lhs_hint = false} : vector<64x64xf32>, vector<64x192xf32>, vector<64x192xf32> -> vector<64x192xf32>
    %add3A_1250 = vector.broadcast %get3A_127 : vector<1x192xf32> to vector<64x192xf32>
    %add3A_1251 = arith.addf %dot_general3A_1249, %add3A_1250 : vector<64x192xf32>
    %slice3A_1252 = vector.extract_strided_slice %squeeze3A_1247 {offsets = [0, 0], sizes = [64, 64], strides = [1, 1]} : vector<64x192xf32> to vector<64x64xf32>
    %slice3A_1253 = vector.extract_strided_slice %add3A_1251 {offsets = [0, 0], sizes = [64, 64], strides = [1, 1]} : vector<64x192xf32> to vector<64x64xf32>
    %add3A_1254 = arith.addf %slice3A_1252, %slice3A_1253 : vector<64x64xf32>
    %logistic3A_1255 = arith.negf %add3A_1254 : vector<64x64xf32>
    %logistic3A_1256 = math.exp %logistic3A_1255 : vector<64x64xf32>
    %logistic3A_1257 = arith.constant 1.000000e+00 : f32
    %logistic3A_1258 = vector.broadcast %logistic3A_1257 : f32 to vector<64x64xf32>
    %logistic3A_1259 = arith.addf %logistic3A_1258, %logistic3A_1256 : vector<64x64xf32>
    %logistic3A_1260 = arith.divf %logistic3A_1258, %logistic3A_1259 : vector<64x64xf32>
    %slice3A_1261 = vector.extract_strided_slice %squeeze3A_1247 {offsets = [0, 64], sizes = [64, 64], strides = [1, 1]} : vector<64x192xf32> to vector<64x64xf32>
    %slice3A_1262 = vector.extract_strided_slice %add3A_1251 {offsets = [0, 64], sizes = [64, 64], strides = [1, 1]} : vector<64x192xf32> to vector<64x64xf32>
    %add3A_1263 = arith.addf %slice3A_1261, %slice3A_1262 : vector<64x64xf32>
    %logistic3A_1264 = arith.negf %add3A_1263 : vector<64x64xf32>
    %logistic3A_1265 = math.exp %logistic3A_1264 : vector<64x64xf32>
    %logistic3A_1266 = arith.constant 1.000000e+00 : f32
    %logistic3A_1267 = vector.broadcast %logistic3A_1266 : f32 to vector<64x64xf32>
    %logistic3A_1268 = arith.addf %logistic3A_1267, %logistic3A_1265 : vector<64x64xf32>
    %logistic3A_1269 = arith.divf %logistic3A_1267, %logistic3A_1268 : vector<64x64xf32>
    %slice3A_1270 = vector.extract_strided_slice %squeeze3A_1247 {offsets = [0, 128], sizes = [64, 64], strides = [1, 1]} : vector<64x192xf32> to vector<64x64xf32>
    %slice3A_1271 = vector.extract_strided_slice %add3A_1251 {offsets = [0, 128], sizes = [64, 64], strides = [1, 1]} : vector<64x192xf32> to vector<64x64xf32>
    %mul3A_1272 = arith.mulf %logistic3A_1260, %slice3A_1271 : vector<64x64xf32>
    %add3A_1273 = arith.addf %slice3A_1270, %mul3A_1272 : vector<64x64xf32>
    %tanh3A_1274 = math.tanh %add3A_1273 : vector<64x64xf32>
    %sub3A_1275 = arith.constant 1.000000e+00 : f32
    %sub3A_1276 = vector.broadcast %sub3A_1275 : f32 to vector<64x64xf32>
    %sub3A_1277 = arith.subf %sub3A_1276, %logistic3A_1269 : vector<64x64xf32>
    %mul3A_1278 = arith.mulf %sub3A_1277, %tanh3A_1274 : vector<64x64xf32>
    %mul3A_1279 = arith.mulf %logistic3A_1269, %add3A_1245 : vector<64x64xf32>
    %add3A_1280 = arith.addf %mul3A_1278, %mul3A_1279 : vector<64x64xf32>
    %slice3A_1281 = vector.extract_strided_slice %reshape3A {offsets = [33, 0, 0], sizes = [1, 64, 192], strides = [1, 1, 1]} : vector<50x64x192xf32> to vector<1x64x192xf32>
    %squeeze3A_1282 = vector.shape_cast %slice3A_1281 : vector<1x64x192xf32> to vector<64x192xf32>
    %dot_general3A_1283 = arith.constant dense<0.000000e+00> : vector<64x192xf32>
    %dot_general3A_1284 = tpu.matmul %add3A_1280, %get3A_124, %dot_general3A_1283 {dimension_numbers = #tpu.dot_dimension_numbers<[1], [0], [0], [1], [0, 0, 1, 1], [], []>, transpose_lhs_hint = false} : vector<64x64xf32>, vector<64x192xf32>, vector<64x192xf32> -> vector<64x192xf32>
    %add3A_1285 = vector.broadcast %get3A_127 : vector<1x192xf32> to vector<64x192xf32>
    %add3A_1286 = arith.addf %dot_general3A_1284, %add3A_1285 : vector<64x192xf32>
    %slice3A_1287 = vector.extract_strided_slice %squeeze3A_1282 {offsets = [0, 0], sizes = [64, 64], strides = [1, 1]} : vector<64x192xf32> to vector<64x64xf32>
    %slice3A_1288 = vector.extract_strided_slice %add3A_1286 {offsets = [0, 0], sizes = [64, 64], strides = [1, 1]} : vector<64x192xf32> to vector<64x64xf32>
    %add3A_1289 = arith.addf %slice3A_1287, %slice3A_1288 : vector<64x64xf32>
    %logistic3A_1290 = arith.negf %add3A_1289 : vector<64x64xf32>
    %logistic3A_1291 = math.exp %logistic3A_1290 : vector<64x64xf32>
    %logistic3A_1292 = arith.constant 1.000000e+00 : f32
    %logistic3A_1293 = vector.broadcast %logistic3A_1292 : f32 to vector<64x64xf32>
    %logistic3A_1294 = arith.addf %logistic3A_1293, %logistic3A_1291 : vector<64x64xf32>
    %logistic3A_1295 = arith.divf %logistic3A_1293, %logistic3A_1294 : vector<64x64xf32>
    %slice3A_1296 = vector.extract_strided_slice %squeeze3A_1282 {offsets = [0, 64], sizes = [64, 64], strides = [1, 1]} : vector<64x192xf32> to vector<64x64xf32>
    %slice3A_1297 = vector.extract_strided_slice %add3A_1286 {offsets = [0, 64], sizes = [64, 64], strides = [1, 1]} : vector<64x192xf32> to vector<64x64xf32>
    %add3A_1298 = arith.addf %slice3A_1296, %slice3A_1297 : vector<64x64xf32>
    %logistic3A_1299 = arith.negf %add3A_1298 : vector<64x64xf32>
    %logistic3A_1300 = math.exp %logistic3A_1299 : vector<64x64xf32>
    %logistic3A_1301 = arith.constant 1.000000e+00 : f32
    %logistic3A_1302 = vector.broadcast %logistic3A_1301 : f32 to vector<64x64xf32>
    %logistic3A_1303 = arith.addf %logistic3A_1302, %logistic3A_1300 : vector<64x64xf32>
    %logistic3A_1304 = arith.divf %logistic3A_1302, %logistic3A_1303 : vector<64x64xf32>
    %slice3A_1305 = vector.extract_strided_slice %squeeze3A_1282 {offsets = [0, 128], sizes = [64, 64], strides = [1, 1]} : vector<64x192xf32> to vector<64x64xf32>
    %slice3A_1306 = vector.extract_strided_slice %add3A_1286 {offsets = [0, 128], sizes = [64, 64], strides = [1, 1]} : vector<64x192xf32> to vector<64x64xf32>
    %mul3A_1307 = arith.mulf %logistic3A_1295, %slice3A_1306 : vector<64x64xf32>
    %add3A_1308 = arith.addf %slice3A_1305, %mul3A_1307 : vector<64x64xf32>
    %tanh3A_1309 = math.tanh %add3A_1308 : vector<64x64xf32>
    %sub3A_1310 = arith.constant 1.000000e+00 : f32
    %sub3A_1311 = vector.broadcast %sub3A_1310 : f32 to vector<64x64xf32>
    %sub3A_1312 = arith.subf %sub3A_1311, %logistic3A_1304 : vector<64x64xf32>
    %mul3A_1313 = arith.mulf %sub3A_1312, %tanh3A_1309 : vector<64x64xf32>
    %mul3A_1314 = arith.mulf %logistic3A_1304, %add3A_1280 : vector<64x64xf32>
    %add3A_1315 = arith.addf %mul3A_1313, %mul3A_1314 : vector<64x64xf32>
    %slice3A_1316 = vector.extract_strided_slice %reshape3A {offsets = [34, 0, 0], sizes = [1, 64, 192], strides = [1, 1, 1]} : vector<50x64x192xf32> to vector<1x64x192xf32>
    %squeeze3A_1317 = vector.shape_cast %slice3A_1316 : vector<1x64x192xf32> to vector<64x192xf32>
    %dot_general3A_1318 = arith.constant dense<0.000000e+00> : vector<64x192xf32>
    %dot_general3A_1319 = tpu.matmul %add3A_1315, %get3A_124, %dot_general3A_1318 {dimension_numbers = #tpu.dot_dimension_numbers<[1], [0], [0], [1], [0, 0, 1, 1], [], []>, transpose_lhs_hint = false} : vector<64x64xf32>, vector<64x192xf32>, vector<64x192xf32> -> vector<64x192xf32>
    %add3A_1320 = vector.broadcast %get3A_127 : vector<1x192xf32> to vector<64x192xf32>
    %add3A_1321 = arith.addf %dot_general3A_1319, %add3A_1320 : vector<64x192xf32>
    %slice3A_1322 = vector.extract_strided_slice %squeeze3A_1317 {offsets = [0, 0], sizes = [64, 64], strides = [1, 1]} : vector<64x192xf32> to vector<64x64xf32>
    %slice3A_1323 = vector.extract_strided_slice %add3A_1321 {offsets = [0, 0], sizes = [64, 64], strides = [1, 1]} : vector<64x192xf32> to vector<64x64xf32>
    %add3A_1324 = arith.addf %slice3A_1322, %slice3A_1323 : vector<64x64xf32>
    %logistic3A_1325 = arith.negf %add3A_1324 : vector<64x64xf32>
    %logistic3A_1326 = math.exp %logistic3A_1325 : vector<64x64xf32>
    %logistic3A_1327 = arith.constant 1.000000e+00 : f32
    %logistic3A_1328 = vector.broadcast %logistic3A_1327 : f32 to vector<64x64xf32>
    %logistic3A_1329 = arith.addf %logistic3A_1328, %logistic3A_1326 : vector<64x64xf32>
    %logistic3A_1330 = arith.divf %logistic3A_1328, %logistic3A_1329 : vector<64x64xf32>
    %slice3A_1331 = vector.extract_strided_slice %squeeze3A_1317 {offsets = [0, 64], sizes = [64, 64], strides = [1, 1]} : vector<64x192xf32> to vector<64x64xf32>
    %slice3A_1332 = vector.extract_strided_slice %add3A_1321 {offsets = [0, 64], sizes = [64, 64], strides = [1, 1]} : vector<64x192xf32> to vector<64x64xf32>
    %add3A_1333 = arith.addf %slice3A_1331, %slice3A_1332 : vector<64x64xf32>
    %logistic3A_1334 = arith.negf %add3A_1333 : vector<64x64xf32>
    %logistic3A_1335 = math.exp %logistic3A_1334 : vector<64x64xf32>
    %logistic3A_1336 = arith.constant 1.000000e+00 : f32
    %logistic3A_1337 = vector.broadcast %logistic3A_1336 : f32 to vector<64x64xf32>
    %logistic3A_1338 = arith.addf %logistic3A_1337, %logistic3A_1335 : vector<64x64xf32>
    %logistic3A_1339 = arith.divf %logistic3A_1337, %logistic3A_1338 : vector<64x64xf32>
    %slice3A_1340 = vector.extract_strided_slice %squeeze3A_1317 {offsets = [0, 128], sizes = [64, 64], strides = [1, 1]} : vector<64x192xf32> to vector<64x64xf32>
    %slice3A_1341 = vector.extract_strided_slice %add3A_1321 {offsets = [0, 128], sizes = [64, 64], strides = [1, 1]} : vector<64x192xf32> to vector<64x64xf32>
    %mul3A_1342 = arith.mulf %logistic3A_1330, %slice3A_1341 : vector<64x64xf32>
    %add3A_1343 = arith.addf %slice3A_1340, %mul3A_1342 : vector<64x64xf32>
    %tanh3A_1344 = math.tanh %add3A_1343 : vector<64x64xf32>
    %sub3A_1345 = arith.constant 1.000000e+00 : f32
    %sub3A_1346 = vector.broadcast %sub3A_1345 : f32 to vector<64x64xf32>
    %sub3A_1347 = arith.subf %sub3A_1346, %logistic3A_1339 : vector<64x64xf32>
    %mul3A_1348 = arith.mulf %sub3A_1347, %tanh3A_1344 : vector<64x64xf32>
    %mul3A_1349 = arith.mulf %logistic3A_1339, %add3A_1315 : vector<64x64xf32>
    %add3A_1350 = arith.addf %mul3A_1348, %mul3A_1349 : vector<64x64xf32>
    %slice3A_1351 = vector.extract_strided_slice %reshape3A {offsets = [35, 0, 0], sizes = [1, 64, 192], strides = [1, 1, 1]} : vector<50x64x192xf32> to vector<1x64x192xf32>
    %squeeze3A_1352 = vector.shape_cast %slice3A_1351 : vector<1x64x192xf32> to vector<64x192xf32>
    %dot_general3A_1353 = arith.constant dense<0.000000e+00> : vector<64x192xf32>
    %dot_general3A_1354 = tpu.matmul %add3A_1350, %get3A_124, %dot_general3A_1353 {dimension_numbers = #tpu.dot_dimension_numbers<[1], [0], [0], [1], [0, 0, 1, 1], [], []>, transpose_lhs_hint = false} : vector<64x64xf32>, vector<64x192xf32>, vector<64x192xf32> -> vector<64x192xf32>
    %add3A_1355 = vector.broadcast %get3A_127 : vector<1x192xf32> to vector<64x192xf32>
    %add3A_1356 = arith.addf %dot_general3A_1354, %add3A_1355 : vector<64x192xf32>
    %slice3A_1357 = vector.extract_strided_slice %squeeze3A_1352 {offsets = [0, 0], sizes = [64, 64], strides = [1, 1]} : vector<64x192xf32> to vector<64x64xf32>
    %slice3A_1358 = vector.extract_strided_slice %add3A_1356 {offsets = [0, 0], sizes = [64, 64], strides = [1, 1]} : vector<64x192xf32> to vector<64x64xf32>
    %add3A_1359 = arith.addf %slice3A_1357, %slice3A_1358 : vector<64x64xf32>
    %logistic3A_1360 = arith.negf %add3A_1359 : vector<64x64xf32>
    %logistic3A_1361 = math.exp %logistic3A_1360 : vector<64x64xf32>
    %logistic3A_1362 = arith.constant 1.000000e+00 : f32
    %logistic3A_1363 = vector.broadcast %logistic3A_1362 : f32 to vector<64x64xf32>
    %logistic3A_1364 = arith.addf %logistic3A_1363, %logistic3A_1361 : vector<64x64xf32>
    %logistic3A_1365 = arith.divf %logistic3A_1363, %logistic3A_1364 : vector<64x64xf32>
    %slice3A_1366 = vector.extract_strided_slice %squeeze3A_1352 {offsets = [0, 64], sizes = [64, 64], strides = [1, 1]} : vector<64x192xf32> to vector<64x64xf32>
    %slice3A_1367 = vector.extract_strided_slice %add3A_1356 {offsets = [0, 64], sizes = [64, 64], strides = [1, 1]} : vector<64x192xf32> to vector<64x64xf32>
    %add3A_1368 = arith.addf %slice3A_1366, %slice3A_1367 : vector<64x64xf32>
    %logistic3A_1369 = arith.negf %add3A_1368 : vector<64x64xf32>
    %logistic3A_1370 = math.exp %logistic3A_1369 : vector<64x64xf32>
    %logistic3A_1371 = arith.constant 1.000000e+00 : f32
    %logistic3A_1372 = vector.broadcast %logistic3A_1371 : f32 to vector<64x64xf32>
    %logistic3A_1373 = arith.addf %logistic3A_1372, %logistic3A_1370 : vector<64x64xf32>
    %logistic3A_1374 = arith.divf %logistic3A_1372, %logistic3A_1373 : vector<64x64xf32>
    %slice3A_1375 = vector.extract_strided_slice %squeeze3A_1352 {offsets = [0, 128], sizes = [64, 64], strides = [1, 1]} : vector<64x192xf32> to vector<64x64xf32>
    %slice3A_1376 = vector.extract_strided_slice %add3A_1356 {offsets = [0, 128], sizes = [64, 64], strides = [1, 1]} : vector<64x192xf32> to vector<64x64xf32>
    %mul3A_1377 = arith.mulf %logistic3A_1365, %slice3A_1376 : vector<64x64xf32>
    %add3A_1378 = arith.addf %slice3A_1375, %mul3A_1377 : vector<64x64xf32>
    %tanh3A_1379 = math.tanh %add3A_1378 : vector<64x64xf32>
    %sub3A_1380 = arith.constant 1.000000e+00 : f32
    %sub3A_1381 = vector.broadcast %sub3A_1380 : f32 to vector<64x64xf32>
    %sub3A_1382 = arith.subf %sub3A_1381, %logistic3A_1374 : vector<64x64xf32>
    %mul3A_1383 = arith.mulf %sub3A_1382, %tanh3A_1379 : vector<64x64xf32>
    %mul3A_1384 = arith.mulf %logistic3A_1374, %add3A_1350 : vector<64x64xf32>
    %add3A_1385 = arith.addf %mul3A_1383, %mul3A_1384 : vector<64x64xf32>
    %slice3A_1386 = vector.extract_strided_slice %reshape3A {offsets = [36, 0, 0], sizes = [1, 64, 192], strides = [1, 1, 1]} : vector<50x64x192xf32> to vector<1x64x192xf32>
    %squeeze3A_1387 = vector.shape_cast %slice3A_1386 : vector<1x64x192xf32> to vector<64x192xf32>
    %dot_general3A_1388 = arith.constant dense<0.000000e+00> : vector<64x192xf32>
    %dot_general3A_1389 = tpu.matmul %add3A_1385, %get3A_124, %dot_general3A_1388 {dimension_numbers = #tpu.dot_dimension_numbers<[1], [0], [0], [1], [0, 0, 1, 1], [], []>, transpose_lhs_hint = false} : vector<64x64xf32>, vector<64x192xf32>, vector<64x192xf32> -> vector<64x192xf32>
    %add3A_1390 = vector.broadcast %get3A_127 : vector<1x192xf32> to vector<64x192xf32>
    %add3A_1391 = arith.addf %dot_general3A_1389, %add3A_1390 : vector<64x192xf32>
    %slice3A_1392 = vector.extract_strided_slice %squeeze3A_1387 {offsets = [0, 0], sizes = [64, 64], strides = [1, 1]} : vector<64x192xf32> to vector<64x64xf32>
    %slice3A_1393 = vector.extract_strided_slice %add3A_1391 {offsets = [0, 0], sizes = [64, 64], strides = [1, 1]} : vector<64x192xf32> to vector<64x64xf32>
    %add3A_1394 = arith.addf %slice3A_1392, %slice3A_1393 : vector<64x64xf32>
    %logistic3A_1395 = arith.negf %add3A_1394 : vector<64x64xf32>
    %logistic3A_1396 = math.exp %logistic3A_1395 : vector<64x64xf32>
    %logistic3A_1397 = arith.constant 1.000000e+00 : f32
    %logistic3A_1398 = vector.broadcast %logistic3A_1397 : f32 to vector<64x64xf32>
    %logistic3A_1399 = arith.addf %logistic3A_1398, %logistic3A_1396 : vector<64x64xf32>
    %logistic3A_1400 = arith.divf %logistic3A_1398, %logistic3A_1399 : vector<64x64xf32>
    %slice3A_1401 = vector.extract_strided_slice %squeeze3A_1387 {offsets = [0, 64], sizes = [64, 64], strides = [1, 1]} : vector<64x192xf32> to vector<64x64xf32>
    %slice3A_1402 = vector.extract_strided_slice %add3A_1391 {offsets = [0, 64], sizes = [64, 64], strides = [1, 1]} : vector<64x192xf32> to vector<64x64xf32>
    %add3A_1403 = arith.addf %slice3A_1401, %slice3A_1402 : vector<64x64xf32>
    %logistic3A_1404 = arith.negf %add3A_1403 : vector<64x64xf32>
    %logistic3A_1405 = math.exp %logistic3A_1404 : vector<64x64xf32>
    %logistic3A_1406 = arith.constant 1.000000e+00 : f32
    %logistic3A_1407 = vector.broadcast %logistic3A_1406 : f32 to vector<64x64xf32>
    %logistic3A_1408 = arith.addf %logistic3A_1407, %logistic3A_1405 : vector<64x64xf32>
    %logistic3A_1409 = arith.divf %logistic3A_1407, %logistic3A_1408 : vector<64x64xf32>
    %slice3A_1410 = vector.extract_strided_slice %squeeze3A_1387 {offsets = [0, 128], sizes = [64, 64], strides = [1, 1]} : vector<64x192xf32> to vector<64x64xf32>
    %slice3A_1411 = vector.extract_strided_slice %add3A_1391 {offsets = [0, 128], sizes = [64, 64], strides = [1, 1]} : vector<64x192xf32> to vector<64x64xf32>
    %mul3A_1412 = arith.mulf %logistic3A_1400, %slice3A_1411 : vector<64x64xf32>
    %add3A_1413 = arith.addf %slice3A_1410, %mul3A_1412 : vector<64x64xf32>
    %tanh3A_1414 = math.tanh %add3A_1413 : vector<64x64xf32>
    %sub3A_1415 = arith.constant 1.000000e+00 : f32
    %sub3A_1416 = vector.broadcast %sub3A_1415 : f32 to vector<64x64xf32>
    %sub3A_1417 = arith.subf %sub3A_1416, %logistic3A_1409 : vector<64x64xf32>
    %mul3A_1418 = arith.mulf %sub3A_1417, %tanh3A_1414 : vector<64x64xf32>
    %mul3A_1419 = arith.mulf %logistic3A_1409, %add3A_1385 : vector<64x64xf32>
    %add3A_1420 = arith.addf %mul3A_1418, %mul3A_1419 : vector<64x64xf32>
    %slice3A_1421 = vector.extract_strided_slice %reshape3A {offsets = [37, 0, 0], sizes = [1, 64, 192], strides = [1, 1, 1]} : vector<50x64x192xf32> to vector<1x64x192xf32>
    %squeeze3A_1422 = vector.shape_cast %slice3A_1421 : vector<1x64x192xf32> to vector<64x192xf32>
    %dot_general3A_1423 = arith.constant dense<0.000000e+00> : vector<64x192xf32>
    %dot_general3A_1424 = tpu.matmul %add3A_1420, %get3A_124, %dot_general3A_1423 {dimension_numbers = #tpu.dot_dimension_numbers<[1], [0], [0], [1], [0, 0, 1, 1], [], []>, transpose_lhs_hint = false} : vector<64x64xf32>, vector<64x192xf32>, vector<64x192xf32> -> vector<64x192xf32>
    %add3A_1425 = vector.broadcast %get3A_127 : vector<1x192xf32> to vector<64x192xf32>
    %add3A_1426 = arith.addf %dot_general3A_1424, %add3A_1425 : vector<64x192xf32>
    %slice3A_1427 = vector.extract_strided_slice %squeeze3A_1422 {offsets = [0, 0], sizes = [64, 64], strides = [1, 1]} : vector<64x192xf32> to vector<64x64xf32>
    %slice3A_1428 = vector.extract_strided_slice %add3A_1426 {offsets = [0, 0], sizes = [64, 64], strides = [1, 1]} : vector<64x192xf32> to vector<64x64xf32>
    %add3A_1429 = arith.addf %slice3A_1427, %slice3A_1428 : vector<64x64xf32>
    %logistic3A_1430 = arith.negf %add3A_1429 : vector<64x64xf32>
    %logistic3A_1431 = math.exp %logistic3A_1430 : vector<64x64xf32>
    %logistic3A_1432 = arith.constant 1.000000e+00 : f32
    %logistic3A_1433 = vector.broadcast %logistic3A_1432 : f32 to vector<64x64xf32>
    %logistic3A_1434 = arith.addf %logistic3A_1433, %logistic3A_1431 : vector<64x64xf32>
    %logistic3A_1435 = arith.divf %logistic3A_1433, %logistic3A_1434 : vector<64x64xf32>
    %slice3A_1436 = vector.extract_strided_slice %squeeze3A_1422 {offsets = [0, 64], sizes = [64, 64], strides = [1, 1]} : vector<64x192xf32> to vector<64x64xf32>
    %slice3A_1437 = vector.extract_strided_slice %add3A_1426 {offsets = [0, 64], sizes = [64, 64], strides = [1, 1]} : vector<64x192xf32> to vector<64x64xf32>
    %add3A_1438 = arith.addf %slice3A_1436, %slice3A_1437 : vector<64x64xf32>
    %logistic3A_1439 = arith.negf %add3A_1438 : vector<64x64xf32>
    %logistic3A_1440 = math.exp %logistic3A_1439 : vector<64x64xf32>
    %logistic3A_1441 = arith.constant 1.000000e+00 : f32
    %logistic3A_1442 = vector.broadcast %logistic3A_1441 : f32 to vector<64x64xf32>
    %logistic3A_1443 = arith.addf %logistic3A_1442, %logistic3A_1440 : vector<64x64xf32>
    %logistic3A_1444 = arith.divf %logistic3A_1442, %logistic3A_1443 : vector<64x64xf32>
    %slice3A_1445 = vector.extract_strided_slice %squeeze3A_1422 {offsets = [0, 128], sizes = [64, 64], strides = [1, 1]} : vector<64x192xf32> to vector<64x64xf32>
    %slice3A_1446 = vector.extract_strided_slice %add3A_1426 {offsets = [0, 128], sizes = [64, 64], strides = [1, 1]} : vector<64x192xf32> to vector<64x64xf32>
    %mul3A_1447 = arith.mulf %logistic3A_1435, %slice3A_1446 : vector<64x64xf32>
    %add3A_1448 = arith.addf %slice3A_1445, %mul3A_1447 : vector<64x64xf32>
    %tanh3A_1449 = math.tanh %add3A_1448 : vector<64x64xf32>
    %sub3A_1450 = arith.constant 1.000000e+00 : f32
    %sub3A_1451 = vector.broadcast %sub3A_1450 : f32 to vector<64x64xf32>
    %sub3A_1452 = arith.subf %sub3A_1451, %logistic3A_1444 : vector<64x64xf32>
    %mul3A_1453 = arith.mulf %sub3A_1452, %tanh3A_1449 : vector<64x64xf32>
    %mul3A_1454 = arith.mulf %logistic3A_1444, %add3A_1420 : vector<64x64xf32>
    %add3A_1455 = arith.addf %mul3A_1453, %mul3A_1454 : vector<64x64xf32>
    %slice3A_1456 = vector.extract_strided_slice %reshape3A {offsets = [38, 0, 0], sizes = [1, 64, 192], strides = [1, 1, 1]} : vector<50x64x192xf32> to vector<1x64x192xf32>
    %squeeze3A_1457 = vector.shape_cast %slice3A_1456 : vector<1x64x192xf32> to vector<64x192xf32>
    %dot_general3A_1458 = arith.constant dense<0.000000e+00> : vector<64x192xf32>
    %dot_general3A_1459 = tpu.matmul %add3A_1455, %get3A_124, %dot_general3A_1458 {dimension_numbers = #tpu.dot_dimension_numbers<[1], [0], [0], [1], [0, 0, 1, 1], [], []>, transpose_lhs_hint = false} : vector<64x64xf32>, vector<64x192xf32>, vector<64x192xf32> -> vector<64x192xf32>
    %add3A_1460 = vector.broadcast %get3A_127 : vector<1x192xf32> to vector<64x192xf32>
    %add3A_1461 = arith.addf %dot_general3A_1459, %add3A_1460 : vector<64x192xf32>
    %slice3A_1462 = vector.extract_strided_slice %squeeze3A_1457 {offsets = [0, 0], sizes = [64, 64], strides = [1, 1]} : vector<64x192xf32> to vector<64x64xf32>
    %slice3A_1463 = vector.extract_strided_slice %add3A_1461 {offsets = [0, 0], sizes = [64, 64], strides = [1, 1]} : vector<64x192xf32> to vector<64x64xf32>
    %add3A_1464 = arith.addf %slice3A_1462, %slice3A_1463 : vector<64x64xf32>
    %logistic3A_1465 = arith.negf %add3A_1464 : vector<64x64xf32>
    %logistic3A_1466 = math.exp %logistic3A_1465 : vector<64x64xf32>
    %logistic3A_1467 = arith.constant 1.000000e+00 : f32
    %logistic3A_1468 = vector.broadcast %logistic3A_1467 : f32 to vector<64x64xf32>
    %logistic3A_1469 = arith.addf %logistic3A_1468, %logistic3A_1466 : vector<64x64xf32>
    %logistic3A_1470 = arith.divf %logistic3A_1468, %logistic3A_1469 : vector<64x64xf32>
    %slice3A_1471 = vector.extract_strided_slice %squeeze3A_1457 {offsets = [0, 64], sizes = [64, 64], strides = [1, 1]} : vector<64x192xf32> to vector<64x64xf32>
    %slice3A_1472 = vector.extract_strided_slice %add3A_1461 {offsets = [0, 64], sizes = [64, 64], strides = [1, 1]} : vector<64x192xf32> to vector<64x64xf32>
    %add3A_1473 = arith.addf %slice3A_1471, %slice3A_1472 : vector<64x64xf32>
    %logistic3A_1474 = arith.negf %add3A_1473 : vector<64x64xf32>
    %logistic3A_1475 = math.exp %logistic3A_1474 : vector<64x64xf32>
    %logistic3A_1476 = arith.constant 1.000000e+00 : f32
    %logistic3A_1477 = vector.broadcast %logistic3A_1476 : f32 to vector<64x64xf32>
    %logistic3A_1478 = arith.addf %logistic3A_1477, %logistic3A_1475 : vector<64x64xf32>
    %logistic3A_1479 = arith.divf %logistic3A_1477, %logistic3A_1478 : vector<64x64xf32>
    %slice3A_1480 = vector.extract_strided_slice %squeeze3A_1457 {offsets = [0, 128], sizes = [64, 64], strides = [1, 1]} : vector<64x192xf32> to vector<64x64xf32>
    %slice3A_1481 = vector.extract_strided_slice %add3A_1461 {offsets = [0, 128], sizes = [64, 64], strides = [1, 1]} : vector<64x192xf32> to vector<64x64xf32>
    %mul3A_1482 = arith.mulf %logistic3A_1470, %slice3A_1481 : vector<64x64xf32>
    %add3A_1483 = arith.addf %slice3A_1480, %mul3A_1482 : vector<64x64xf32>
    %tanh3A_1484 = math.tanh %add3A_1483 : vector<64x64xf32>
    %sub3A_1485 = arith.constant 1.000000e+00 : f32
    %sub3A_1486 = vector.broadcast %sub3A_1485 : f32 to vector<64x64xf32>
    %sub3A_1487 = arith.subf %sub3A_1486, %logistic3A_1479 : vector<64x64xf32>
    %mul3A_1488 = arith.mulf %sub3A_1487, %tanh3A_1484 : vector<64x64xf32>
    %mul3A_1489 = arith.mulf %logistic3A_1479, %add3A_1455 : vector<64x64xf32>
    %add3A_1490 = arith.addf %mul3A_1488, %mul3A_1489 : vector<64x64xf32>
    %slice3A_1491 = vector.extract_strided_slice %reshape3A {offsets = [39, 0, 0], sizes = [1, 64, 192], strides = [1, 1, 1]} : vector<50x64x192xf32> to vector<1x64x192xf32>
    %squeeze3A_1492 = vector.shape_cast %slice3A_1491 : vector<1x64x192xf32> to vector<64x192xf32>
    %dot_general3A_1493 = arith.constant dense<0.000000e+00> : vector<64x192xf32>
    %dot_general3A_1494 = tpu.matmul %add3A_1490, %get3A_124, %dot_general3A_1493 {dimension_numbers = #tpu.dot_dimension_numbers<[1], [0], [0], [1], [0, 0, 1, 1], [], []>, transpose_lhs_hint = false} : vector<64x64xf32>, vector<64x192xf32>, vector<64x192xf32> -> vector<64x192xf32>
    %add3A_1495 = vector.broadcast %get3A_127 : vector<1x192xf32> to vector<64x192xf32>
    %add3A_1496 = arith.addf %dot_general3A_1494, %add3A_1495 : vector<64x192xf32>
    %slice3A_1497 = vector.extract_strided_slice %squeeze3A_1492 {offsets = [0, 0], sizes = [64, 64], strides = [1, 1]} : vector<64x192xf32> to vector<64x64xf32>
    %slice3A_1498 = vector.extract_strided_slice %add3A_1496 {offsets = [0, 0], sizes = [64, 64], strides = [1, 1]} : vector<64x192xf32> to vector<64x64xf32>
    %add3A_1499 = arith.addf %slice3A_1497, %slice3A_1498 : vector<64x64xf32>
    %logistic3A_1500 = arith.negf %add3A_1499 : vector<64x64xf32>
    %logistic3A_1501 = math.exp %logistic3A_1500 : vector<64x64xf32>
    %logistic3A_1502 = arith.constant 1.000000e+00 : f32
    %logistic3A_1503 = vector.broadcast %logistic3A_1502 : f32 to vector<64x64xf32>
    %logistic3A_1504 = arith.addf %logistic3A_1503, %logistic3A_1501 : vector<64x64xf32>
    %logistic3A_1505 = arith.divf %logistic3A_1503, %logistic3A_1504 : vector<64x64xf32>
    %slice3A_1506 = vector.extract_strided_slice %squeeze3A_1492 {offsets = [0, 64], sizes = [64, 64], strides = [1, 1]} : vector<64x192xf32> to vector<64x64xf32>
    %slice3A_1507 = vector.extract_strided_slice %add3A_1496 {offsets = [0, 64], sizes = [64, 64], strides = [1, 1]} : vector<64x192xf32> to vector<64x64xf32>
    %add3A_1508 = arith.addf %slice3A_1506, %slice3A_1507 : vector<64x64xf32>
    %logistic3A_1509 = arith.negf %add3A_1508 : vector<64x64xf32>
    %logistic3A_1510 = math.exp %logistic3A_1509 : vector<64x64xf32>
    %logistic3A_1511 = arith.constant 1.000000e+00 : f32
    %logistic3A_1512 = vector.broadcast %logistic3A_1511 : f32 to vector<64x64xf32>
    %logistic3A_1513 = arith.addf %logistic3A_1512, %logistic3A_1510 : vector<64x64xf32>
    %logistic3A_1514 = arith.divf %logistic3A_1512, %logistic3A_1513 : vector<64x64xf32>
    %slice3A_1515 = vector.extract_strided_slice %squeeze3A_1492 {offsets = [0, 128], sizes = [64, 64], strides = [1, 1]} : vector<64x192xf32> to vector<64x64xf32>
    %slice3A_1516 = vector.extract_strided_slice %add3A_1496 {offsets = [0, 128], sizes = [64, 64], strides = [1, 1]} : vector<64x192xf32> to vector<64x64xf32>
    %mul3A_1517 = arith.mulf %logistic3A_1505, %slice3A_1516 : vector<64x64xf32>
    %add3A_1518 = arith.addf %slice3A_1515, %mul3A_1517 : vector<64x64xf32>
    %tanh3A_1519 = math.tanh %add3A_1518 : vector<64x64xf32>
    %sub3A_1520 = arith.constant 1.000000e+00 : f32
    %sub3A_1521 = vector.broadcast %sub3A_1520 : f32 to vector<64x64xf32>
    %sub3A_1522 = arith.subf %sub3A_1521, %logistic3A_1514 : vector<64x64xf32>
    %mul3A_1523 = arith.mulf %sub3A_1522, %tanh3A_1519 : vector<64x64xf32>
    %mul3A_1524 = arith.mulf %logistic3A_1514, %add3A_1490 : vector<64x64xf32>
    %add3A_1525 = arith.addf %mul3A_1523, %mul3A_1524 : vector<64x64xf32>
    %slice3A_1526 = vector.extract_strided_slice %reshape3A {offsets = [40, 0, 0], sizes = [1, 64, 192], strides = [1, 1, 1]} : vector<50x64x192xf32> to vector<1x64x192xf32>
    %squeeze3A_1527 = vector.shape_cast %slice3A_1526 : vector<1x64x192xf32> to vector<64x192xf32>
    %dot_general3A_1528 = arith.constant dense<0.000000e+00> : vector<64x192xf32>
    %dot_general3A_1529 = tpu.matmul %add3A_1525, %get3A_124, %dot_general3A_1528 {dimension_numbers = #tpu.dot_dimension_numbers<[1], [0], [0], [1], [0, 0, 1, 1], [], []>, transpose_lhs_hint = false} : vector<64x64xf32>, vector<64x192xf32>, vector<64x192xf32> -> vector<64x192xf32>
    %add3A_1530 = vector.broadcast %get3A_127 : vector<1x192xf32> to vector<64x192xf32>
    %add3A_1531 = arith.addf %dot_general3A_1529, %add3A_1530 : vector<64x192xf32>
    %slice3A_1532 = vector.extract_strided_slice %squeeze3A_1527 {offsets = [0, 0], sizes = [64, 64], strides = [1, 1]} : vector<64x192xf32> to vector<64x64xf32>
    %slice3A_1533 = vector.extract_strided_slice %add3A_1531 {offsets = [0, 0], sizes = [64, 64], strides = [1, 1]} : vector<64x192xf32> to vector<64x64xf32>
    %add3A_1534 = arith.addf %slice3A_1532, %slice3A_1533 : vector<64x64xf32>
    %logistic3A_1535 = arith.negf %add3A_1534 : vector<64x64xf32>
    %logistic3A_1536 = math.exp %logistic3A_1535 : vector<64x64xf32>
    %logistic3A_1537 = arith.constant 1.000000e+00 : f32
    %logistic3A_1538 = vector.broadcast %logistic3A_1537 : f32 to vector<64x64xf32>
    %logistic3A_1539 = arith.addf %logistic3A_1538, %logistic3A_1536 : vector<64x64xf32>
    %logistic3A_1540 = arith.divf %logistic3A_1538, %logistic3A_1539 : vector<64x64xf32>
    %slice3A_1541 = vector.extract_strided_slice %squeeze3A_1527 {offsets = [0, 64], sizes = [64, 64], strides = [1, 1]} : vector<64x192xf32> to vector<64x64xf32>
    %slice3A_1542 = vector.extract_strided_slice %add3A_1531 {offsets = [0, 64], sizes = [64, 64], strides = [1, 1]} : vector<64x192xf32> to vector<64x64xf32>
    %add3A_1543 = arith.addf %slice3A_1541, %slice3A_1542 : vector<64x64xf32>
    %logistic3A_1544 = arith.negf %add3A_1543 : vector<64x64xf32>
    %logistic3A_1545 = math.exp %logistic3A_1544 : vector<64x64xf32>
    %logistic3A_1546 = arith.constant 1.000000e+00 : f32
    %logistic3A_1547 = vector.broadcast %logistic3A_1546 : f32 to vector<64x64xf32>
    %logistic3A_1548 = arith.addf %logistic3A_1547, %logistic3A_1545 : vector<64x64xf32>
    %logistic3A_1549 = arith.divf %logistic3A_1547, %logistic3A_1548 : vector<64x64xf32>
    %slice3A_1550 = vector.extract_strided_slice %squeeze3A_1527 {offsets = [0, 128], sizes = [64, 64], strides = [1, 1]} : vector<64x192xf32> to vector<64x64xf32>
    %slice3A_1551 = vector.extract_strided_slice %add3A_1531 {offsets = [0, 128], sizes = [64, 64], strides = [1, 1]} : vector<64x192xf32> to vector<64x64xf32>
    %mul3A_1552 = arith.mulf %logistic3A_1540, %slice3A_1551 : vector<64x64xf32>
    %add3A_1553 = arith.addf %slice3A_1550, %mul3A_1552 : vector<64x64xf32>
    %tanh3A_1554 = math.tanh %add3A_1553 : vector<64x64xf32>
    %sub3A_1555 = arith.constant 1.000000e+00 : f32
    %sub3A_1556 = vector.broadcast %sub3A_1555 : f32 to vector<64x64xf32>
    %sub3A_1557 = arith.subf %sub3A_1556, %logistic3A_1549 : vector<64x64xf32>
    %mul3A_1558 = arith.mulf %sub3A_1557, %tanh3A_1554 : vector<64x64xf32>
    %mul3A_1559 = arith.mulf %logistic3A_1549, %add3A_1525 : vector<64x64xf32>
    %add3A_1560 = arith.addf %mul3A_1558, %mul3A_1559 : vector<64x64xf32>
    %slice3A_1561 = vector.extract_strided_slice %reshape3A {offsets = [41, 0, 0], sizes = [1, 64, 192], strides = [1, 1, 1]} : vector<50x64x192xf32> to vector<1x64x192xf32>
    %squeeze3A_1562 = vector.shape_cast %slice3A_1561 : vector<1x64x192xf32> to vector<64x192xf32>
    %dot_general3A_1563 = arith.constant dense<0.000000e+00> : vector<64x192xf32>
    %dot_general3A_1564 = tpu.matmul %add3A_1560, %get3A_124, %dot_general3A_1563 {dimension_numbers = #tpu.dot_dimension_numbers<[1], [0], [0], [1], [0, 0, 1, 1], [], []>, transpose_lhs_hint = false} : vector<64x64xf32>, vector<64x192xf32>, vector<64x192xf32> -> vector<64x192xf32>
    %add3A_1565 = vector.broadcast %get3A_127 : vector<1x192xf32> to vector<64x192xf32>
    %add3A_1566 = arith.addf %dot_general3A_1564, %add3A_1565 : vector<64x192xf32>
    %slice3A_1567 = vector.extract_strided_slice %squeeze3A_1562 {offsets = [0, 0], sizes = [64, 64], strides = [1, 1]} : vector<64x192xf32> to vector<64x64xf32>
    %slice3A_1568 = vector.extract_strided_slice %add3A_1566 {offsets = [0, 0], sizes = [64, 64], strides = [1, 1]} : vector<64x192xf32> to vector<64x64xf32>
    %add3A_1569 = arith.addf %slice3A_1567, %slice3A_1568 : vector<64x64xf32>
    %logistic3A_1570 = arith.negf %add3A_1569 : vector<64x64xf32>
    %logistic3A_1571 = math.exp %logistic3A_1570 : vector<64x64xf32>
    %logistic3A_1572 = arith.constant 1.000000e+00 : f32
    %logistic3A_1573 = vector.broadcast %logistic3A_1572 : f32 to vector<64x64xf32>
    %logistic3A_1574 = arith.addf %logistic3A_1573, %logistic3A_1571 : vector<64x64xf32>
    %logistic3A_1575 = arith.divf %logistic3A_1573, %logistic3A_1574 : vector<64x64xf32>
    %slice3A_1576 = vector.extract_strided_slice %squeeze3A_1562 {offsets = [0, 64], sizes = [64, 64], strides = [1, 1]} : vector<64x192xf32> to vector<64x64xf32>
    %slice3A_1577 = vector.extract_strided_slice %add3A_1566 {offsets = [0, 64], sizes = [64, 64], strides = [1, 1]} : vector<64x192xf32> to vector<64x64xf32>
    %add3A_1578 = arith.addf %slice3A_1576, %slice3A_1577 : vector<64x64xf32>
    %logistic3A_1579 = arith.negf %add3A_1578 : vector<64x64xf32>
    %logistic3A_1580 = math.exp %logistic3A_1579 : vector<64x64xf32>
    %logistic3A_1581 = arith.constant 1.000000e+00 : f32
    %logistic3A_1582 = vector.broadcast %logistic3A_1581 : f32 to vector<64x64xf32>
    %logistic3A_1583 = arith.addf %logistic3A_1582, %logistic3A_1580 : vector<64x64xf32>
    %logistic3A_1584 = arith.divf %logistic3A_1582, %logistic3A_1583 : vector<64x64xf32>
    %slice3A_1585 = vector.extract_strided_slice %squeeze3A_1562 {offsets = [0, 128], sizes = [64, 64], strides = [1, 1]} : vector<64x192xf32> to vector<64x64xf32>
    %slice3A_1586 = vector.extract_strided_slice %add3A_1566 {offsets = [0, 128], sizes = [64, 64], strides = [1, 1]} : vector<64x192xf32> to vector<64x64xf32>
    %mul3A_1587 = arith.mulf %logistic3A_1575, %slice3A_1586 : vector<64x64xf32>
    %add3A_1588 = arith.addf %slice3A_1585, %mul3A_1587 : vector<64x64xf32>
    %tanh3A_1589 = math.tanh %add3A_1588 : vector<64x64xf32>
    %sub3A_1590 = arith.constant 1.000000e+00 : f32
    %sub3A_1591 = vector.broadcast %sub3A_1590 : f32 to vector<64x64xf32>
    %sub3A_1592 = arith.subf %sub3A_1591, %logistic3A_1584 : vector<64x64xf32>
    %mul3A_1593 = arith.mulf %sub3A_1592, %tanh3A_1589 : vector<64x64xf32>
    %mul3A_1594 = arith.mulf %logistic3A_1584, %add3A_1560 : vector<64x64xf32>
    %add3A_1595 = arith.addf %mul3A_1593, %mul3A_1594 : vector<64x64xf32>
    %slice3A_1596 = vector.extract_strided_slice %reshape3A {offsets = [42, 0, 0], sizes = [1, 64, 192], strides = [1, 1, 1]} : vector<50x64x192xf32> to vector<1x64x192xf32>
    %squeeze3A_1597 = vector.shape_cast %slice3A_1596 : vector<1x64x192xf32> to vector<64x192xf32>
    %dot_general3A_1598 = arith.constant dense<0.000000e+00> : vector<64x192xf32>
    %dot_general3A_1599 = tpu.matmul %add3A_1595, %get3A_124, %dot_general3A_1598 {dimension_numbers = #tpu.dot_dimension_numbers<[1], [0], [0], [1], [0, 0, 1, 1], [], []>, transpose_lhs_hint = false} : vector<64x64xf32>, vector<64x192xf32>, vector<64x192xf32> -> vector<64x192xf32>
    %add3A_1600 = vector.broadcast %get3A_127 : vector<1x192xf32> to vector<64x192xf32>
    %add3A_1601 = arith.addf %dot_general3A_1599, %add3A_1600 : vector<64x192xf32>
    %slice3A_1602 = vector.extract_strided_slice %squeeze3A_1597 {offsets = [0, 0], sizes = [64, 64], strides = [1, 1]} : vector<64x192xf32> to vector<64x64xf32>
    %slice3A_1603 = vector.extract_strided_slice %add3A_1601 {offsets = [0, 0], sizes = [64, 64], strides = [1, 1]} : vector<64x192xf32> to vector<64x64xf32>
    %add3A_1604 = arith.addf %slice3A_1602, %slice3A_1603 : vector<64x64xf32>
    %logistic3A_1605 = arith.negf %add3A_1604 : vector<64x64xf32>
    %logistic3A_1606 = math.exp %logistic3A_1605 : vector<64x64xf32>
    %logistic3A_1607 = arith.constant 1.000000e+00 : f32
    %logistic3A_1608 = vector.broadcast %logistic3A_1607 : f32 to vector<64x64xf32>
    %logistic3A_1609 = arith.addf %logistic3A_1608, %logistic3A_1606 : vector<64x64xf32>
    %logistic3A_1610 = arith.divf %logistic3A_1608, %logistic3A_1609 : vector<64x64xf32>
    %slice3A_1611 = vector.extract_strided_slice %squeeze3A_1597 {offsets = [0, 64], sizes = [64, 64], strides = [1, 1]} : vector<64x192xf32> to vector<64x64xf32>
    %slice3A_1612 = vector.extract_strided_slice %add3A_1601 {offsets = [0, 64], sizes = [64, 64], strides = [1, 1]} : vector<64x192xf32> to vector<64x64xf32>
    %add3A_1613 = arith.addf %slice3A_1611, %slice3A_1612 : vector<64x64xf32>
    %logistic3A_1614 = arith.negf %add3A_1613 : vector<64x64xf32>
    %logistic3A_1615 = math.exp %logistic3A_1614 : vector<64x64xf32>
    %logistic3A_1616 = arith.constant 1.000000e+00 : f32
    %logistic3A_1617 = vector.broadcast %logistic3A_1616 : f32 to vector<64x64xf32>
    %logistic3A_1618 = arith.addf %logistic3A_1617, %logistic3A_1615 : vector<64x64xf32>
    %logistic3A_1619 = arith.divf %logistic3A_1617, %logistic3A_1618 : vector<64x64xf32>
    %slice3A_1620 = vector.extract_strided_slice %squeeze3A_1597 {offsets = [0, 128], sizes = [64, 64], strides = [1, 1]} : vector<64x192xf32> to vector<64x64xf32>
    %slice3A_1621 = vector.extract_strided_slice %add3A_1601 {offsets = [0, 128], sizes = [64, 64], strides = [1, 1]} : vector<64x192xf32> to vector<64x64xf32>
    %mul3A_1622 = arith.mulf %logistic3A_1610, %slice3A_1621 : vector<64x64xf32>
    %add3A_1623 = arith.addf %slice3A_1620, %mul3A_1622 : vector<64x64xf32>
    %tanh3A_1624 = math.tanh %add3A_1623 : vector<64x64xf32>
    %sub3A_1625 = arith.constant 1.000000e+00 : f32
    %sub3A_1626 = vector.broadcast %sub3A_1625 : f32 to vector<64x64xf32>
    %sub3A_1627 = arith.subf %sub3A_1626, %logistic3A_1619 : vector<64x64xf32>
    %mul3A_1628 = arith.mulf %sub3A_1627, %tanh3A_1624 : vector<64x64xf32>
    %mul3A_1629 = arith.mulf %logistic3A_1619, %add3A_1595 : vector<64x64xf32>
    %add3A_1630 = arith.addf %mul3A_1628, %mul3A_1629 : vector<64x64xf32>
    %slice3A_1631 = vector.extract_strided_slice %reshape3A {offsets = [43, 0, 0], sizes = [1, 64, 192], strides = [1, 1, 1]} : vector<50x64x192xf32> to vector<1x64x192xf32>
    %squeeze3A_1632 = vector.shape_cast %slice3A_1631 : vector<1x64x192xf32> to vector<64x192xf32>
    %dot_general3A_1633 = arith.constant dense<0.000000e+00> : vector<64x192xf32>
    %dot_general3A_1634 = tpu.matmul %add3A_1630, %get3A_124, %dot_general3A_1633 {dimension_numbers = #tpu.dot_dimension_numbers<[1], [0], [0], [1], [0, 0, 1, 1], [], []>, transpose_lhs_hint = false} : vector<64x64xf32>, vector<64x192xf32>, vector<64x192xf32> -> vector<64x192xf32>
    %add3A_1635 = vector.broadcast %get3A_127 : vector<1x192xf32> to vector<64x192xf32>
    %add3A_1636 = arith.addf %dot_general3A_1634, %add3A_1635 : vector<64x192xf32>
    %slice3A_1637 = vector.extract_strided_slice %squeeze3A_1632 {offsets = [0, 0], sizes = [64, 64], strides = [1, 1]} : vector<64x192xf32> to vector<64x64xf32>
    %slice3A_1638 = vector.extract_strided_slice %add3A_1636 {offsets = [0, 0], sizes = [64, 64], strides = [1, 1]} : vector<64x192xf32> to vector<64x64xf32>
    %add3A_1639 = arith.addf %slice3A_1637, %slice3A_1638 : vector<64x64xf32>
    %logistic3A_1640 = arith.negf %add3A_1639 : vector<64x64xf32>
    %logistic3A_1641 = math.exp %logistic3A_1640 : vector<64x64xf32>
    %logistic3A_1642 = arith.constant 1.000000e+00 : f32
    %logistic3A_1643 = vector.broadcast %logistic3A_1642 : f32 to vector<64x64xf32>
    %logistic3A_1644 = arith.addf %logistic3A_1643, %logistic3A_1641 : vector<64x64xf32>
    %logistic3A_1645 = arith.divf %logistic3A_1643, %logistic3A_1644 : vector<64x64xf32>
    %slice3A_1646 = vector.extract_strided_slice %squeeze3A_1632 {offsets = [0, 64], sizes = [64, 64], strides = [1, 1]} : vector<64x192xf32> to vector<64x64xf32>
    %slice3A_1647 = vector.extract_strided_slice %add3A_1636 {offsets = [0, 64], sizes = [64, 64], strides = [1, 1]} : vector<64x192xf32> to vector<64x64xf32>
    %add3A_1648 = arith.addf %slice3A_1646, %slice3A_1647 : vector<64x64xf32>
    %logistic3A_1649 = arith.negf %add3A_1648 : vector<64x64xf32>
    %logistic3A_1650 = math.exp %logistic3A_1649 : vector<64x64xf32>
    %logistic3A_1651 = arith.constant 1.000000e+00 : f32
    %logistic3A_1652 = vector.broadcast %logistic3A_1651 : f32 to vector<64x64xf32>
    %logistic3A_1653 = arith.addf %logistic3A_1652, %logistic3A_1650 : vector<64x64xf32>
    %logistic3A_1654 = arith.divf %logistic3A_1652, %logistic3A_1653 : vector<64x64xf32>
    %slice3A_1655 = vector.extract_strided_slice %squeeze3A_1632 {offsets = [0, 128], sizes = [64, 64], strides = [1, 1]} : vector<64x192xf32> to vector<64x64xf32>
    %slice3A_1656 = vector.extract_strided_slice %add3A_1636 {offsets = [0, 128], sizes = [64, 64], strides = [1, 1]} : vector<64x192xf32> to vector<64x64xf32>
    %mul3A_1657 = arith.mulf %logistic3A_1645, %slice3A_1656 : vector<64x64xf32>
    %add3A_1658 = arith.addf %slice3A_1655, %mul3A_1657 : vector<64x64xf32>
    %tanh3A_1659 = math.tanh %add3A_1658 : vector<64x64xf32>
    %sub3A_1660 = arith.constant 1.000000e+00 : f32
    %sub3A_1661 = vector.broadcast %sub3A_1660 : f32 to vector<64x64xf32>
    %sub3A_1662 = arith.subf %sub3A_1661, %logistic3A_1654 : vector<64x64xf32>
    %mul3A_1663 = arith.mulf %sub3A_1662, %tanh3A_1659 : vector<64x64xf32>
    %mul3A_1664 = arith.mulf %logistic3A_1654, %add3A_1630 : vector<64x64xf32>
    %add3A_1665 = arith.addf %mul3A_1663, %mul3A_1664 : vector<64x64xf32>
    %slice3A_1666 = vector.extract_strided_slice %reshape3A {offsets = [44, 0, 0], sizes = [1, 64, 192], strides = [1, 1, 1]} : vector<50x64x192xf32> to vector<1x64x192xf32>
    %squeeze3A_1667 = vector.shape_cast %slice3A_1666 : vector<1x64x192xf32> to vector<64x192xf32>
    %dot_general3A_1668 = arith.constant dense<0.000000e+00> : vector<64x192xf32>
    %dot_general3A_1669 = tpu.matmul %add3A_1665, %get3A_124, %dot_general3A_1668 {dimension_numbers = #tpu.dot_dimension_numbers<[1], [0], [0], [1], [0, 0, 1, 1], [], []>, transpose_lhs_hint = false} : vector<64x64xf32>, vector<64x192xf32>, vector<64x192xf32> -> vector<64x192xf32>
    %add3A_1670 = vector.broadcast %get3A_127 : vector<1x192xf32> to vector<64x192xf32>
    %add3A_1671 = arith.addf %dot_general3A_1669, %add3A_1670 : vector<64x192xf32>
    %slice3A_1672 = vector.extract_strided_slice %squeeze3A_1667 {offsets = [0, 0], sizes = [64, 64], strides = [1, 1]} : vector<64x192xf32> to vector<64x64xf32>
    %slice3A_1673 = vector.extract_strided_slice %add3A_1671 {offsets = [0, 0], sizes = [64, 64], strides = [1, 1]} : vector<64x192xf32> to vector<64x64xf32>
    %add3A_1674 = arith.addf %slice3A_1672, %slice3A_1673 : vector<64x64xf32>
    %logistic3A_1675 = arith.negf %add3A_1674 : vector<64x64xf32>
    %logistic3A_1676 = math.exp %logistic3A_1675 : vector<64x64xf32>
    %logistic3A_1677 = arith.constant 1.000000e+00 : f32
    %logistic3A_1678 = vector.broadcast %logistic3A_1677 : f32 to vector<64x64xf32>
    %logistic3A_1679 = arith.addf %logistic3A_1678, %logistic3A_1676 : vector<64x64xf32>
    %logistic3A_1680 = arith.divf %logistic3A_1678, %logistic3A_1679 : vector<64x64xf32>
    %slice3A_1681 = vector.extract_strided_slice %squeeze3A_1667 {offsets = [0, 64], sizes = [64, 64], strides = [1, 1]} : vector<64x192xf32> to vector<64x64xf32>
    %slice3A_1682 = vector.extract_strided_slice %add3A_1671 {offsets = [0, 64], sizes = [64, 64], strides = [1, 1]} : vector<64x192xf32> to vector<64x64xf32>
    %add3A_1683 = arith.addf %slice3A_1681, %slice3A_1682 : vector<64x64xf32>
    %logistic3A_1684 = arith.negf %add3A_1683 : vector<64x64xf32>
    %logistic3A_1685 = math.exp %logistic3A_1684 : vector<64x64xf32>
    %logistic3A_1686 = arith.constant 1.000000e+00 : f32
    %logistic3A_1687 = vector.broadcast %logistic3A_1686 : f32 to vector<64x64xf32>
    %logistic3A_1688 = arith.addf %logistic3A_1687, %logistic3A_1685 : vector<64x64xf32>
    %logistic3A_1689 = arith.divf %logistic3A_1687, %logistic3A_1688 : vector<64x64xf32>
    %slice3A_1690 = vector.extract_strided_slice %squeeze3A_1667 {offsets = [0, 128], sizes = [64, 64], strides = [1, 1]} : vector<64x192xf32> to vector<64x64xf32>
    %slice3A_1691 = vector.extract_strided_slice %add3A_1671 {offsets = [0, 128], sizes = [64, 64], strides = [1, 1]} : vector<64x192xf32> to vector<64x64xf32>
    %mul3A_1692 = arith.mulf %logistic3A_1680, %slice3A_1691 : vector<64x64xf32>
    %add3A_1693 = arith.addf %slice3A_1690, %mul3A_1692 : vector<64x64xf32>
    %tanh3A_1694 = math.tanh %add3A_1693 : vector<64x64xf32>
    %sub3A_1695 = arith.constant 1.000000e+00 : f32
    %sub3A_1696 = vector.broadcast %sub3A_1695 : f32 to vector<64x64xf32>
    %sub3A_1697 = arith.subf %sub3A_1696, %logistic3A_1689 : vector<64x64xf32>
    %mul3A_1698 = arith.mulf %sub3A_1697, %tanh3A_1694 : vector<64x64xf32>
    %mul3A_1699 = arith.mulf %logistic3A_1689, %add3A_1665 : vector<64x64xf32>
    %add3A_1700 = arith.addf %mul3A_1698, %mul3A_1699 : vector<64x64xf32>
    %slice3A_1701 = vector.extract_strided_slice %reshape3A {offsets = [45, 0, 0], sizes = [1, 64, 192], strides = [1, 1, 1]} : vector<50x64x192xf32> to vector<1x64x192xf32>
    %squeeze3A_1702 = vector.shape_cast %slice3A_1701 : vector<1x64x192xf32> to vector<64x192xf32>
    %dot_general3A_1703 = arith.constant dense<0.000000e+00> : vector<64x192xf32>
    %dot_general3A_1704 = tpu.matmul %add3A_1700, %get3A_124, %dot_general3A_1703 {dimension_numbers = #tpu.dot_dimension_numbers<[1], [0], [0], [1], [0, 0, 1, 1], [], []>, transpose_lhs_hint = false} : vector<64x64xf32>, vector<64x192xf32>, vector<64x192xf32> -> vector<64x192xf32>
    %add3A_1705 = vector.broadcast %get3A_127 : vector<1x192xf32> to vector<64x192xf32>
    %add3A_1706 = arith.addf %dot_general3A_1704, %add3A_1705 : vector<64x192xf32>
    %slice3A_1707 = vector.extract_strided_slice %squeeze3A_1702 {offsets = [0, 0], sizes = [64, 64], strides = [1, 1]} : vector<64x192xf32> to vector<64x64xf32>
    %slice3A_1708 = vector.extract_strided_slice %add3A_1706 {offsets = [0, 0], sizes = [64, 64], strides = [1, 1]} : vector<64x192xf32> to vector<64x64xf32>
    %add3A_1709 = arith.addf %slice3A_1707, %slice3A_1708 : vector<64x64xf32>
    %logistic3A_1710 = arith.negf %add3A_1709 : vector<64x64xf32>
    %logistic3A_1711 = math.exp %logistic3A_1710 : vector<64x64xf32>
    %logistic3A_1712 = arith.constant 1.000000e+00 : f32
    %logistic3A_1713 = vector.broadcast %logistic3A_1712 : f32 to vector<64x64xf32>
    %logistic3A_1714 = arith.addf %logistic3A_1713, %logistic3A_1711 : vector<64x64xf32>
    %logistic3A_1715 = arith.divf %logistic3A_1713, %logistic3A_1714 : vector<64x64xf32>
    %slice3A_1716 = vector.extract_strided_slice %squeeze3A_1702 {offsets = [0, 64], sizes = [64, 64], strides = [1, 1]} : vector<64x192xf32> to vector<64x64xf32>
    %slice3A_1717 = vector.extract_strided_slice %add3A_1706 {offsets = [0, 64], sizes = [64, 64], strides = [1, 1]} : vector<64x192xf32> to vector<64x64xf32>
    %add3A_1718 = arith.addf %slice3A_1716, %slice3A_1717 : vector<64x64xf32>
    %logistic3A_1719 = arith.negf %add3A_1718 : vector<64x64xf32>
    %logistic3A_1720 = math.exp %logistic3A_1719 : vector<64x64xf32>
    %logistic3A_1721 = arith.constant 1.000000e+00 : f32
    %logistic3A_1722 = vector.broadcast %logistic3A_1721 : f32 to vector<64x64xf32>
    %logistic3A_1723 = arith.addf %logistic3A_1722, %logistic3A_1720 : vector<64x64xf32>
    %logistic3A_1724 = arith.divf %logistic3A_1722, %logistic3A_1723 : vector<64x64xf32>
    %slice3A_1725 = vector.extract_strided_slice %squeeze3A_1702 {offsets = [0, 128], sizes = [64, 64], strides = [1, 1]} : vector<64x192xf32> to vector<64x64xf32>
    %slice3A_1726 = vector.extract_strided_slice %add3A_1706 {offsets = [0, 128], sizes = [64, 64], strides = [1, 1]} : vector<64x192xf32> to vector<64x64xf32>
    %mul3A_1727 = arith.mulf %logistic3A_1715, %slice3A_1726 : vector<64x64xf32>
    %add3A_1728 = arith.addf %slice3A_1725, %mul3A_1727 : vector<64x64xf32>
    %tanh3A_1729 = math.tanh %add3A_1728 : vector<64x64xf32>
    %sub3A_1730 = arith.constant 1.000000e+00 : f32
    %sub3A_1731 = vector.broadcast %sub3A_1730 : f32 to vector<64x64xf32>
    %sub3A_1732 = arith.subf %sub3A_1731, %logistic3A_1724 : vector<64x64xf32>
    %mul3A_1733 = arith.mulf %sub3A_1732, %tanh3A_1729 : vector<64x64xf32>
    %mul3A_1734 = arith.mulf %logistic3A_1724, %add3A_1700 : vector<64x64xf32>
    %add3A_1735 = arith.addf %mul3A_1733, %mul3A_1734 : vector<64x64xf32>
    %slice3A_1736 = vector.extract_strided_slice %reshape3A {offsets = [46, 0, 0], sizes = [1, 64, 192], strides = [1, 1, 1]} : vector<50x64x192xf32> to vector<1x64x192xf32>
    %squeeze3A_1737 = vector.shape_cast %slice3A_1736 : vector<1x64x192xf32> to vector<64x192xf32>
    %dot_general3A_1738 = arith.constant dense<0.000000e+00> : vector<64x192xf32>
    %dot_general3A_1739 = tpu.matmul %add3A_1735, %get3A_124, %dot_general3A_1738 {dimension_numbers = #tpu.dot_dimension_numbers<[1], [0], [0], [1], [0, 0, 1, 1], [], []>, transpose_lhs_hint = false} : vector<64x64xf32>, vector<64x192xf32>, vector<64x192xf32> -> vector<64x192xf32>
    %add3A_1740 = vector.broadcast %get3A_127 : vector<1x192xf32> to vector<64x192xf32>
    %add3A_1741 = arith.addf %dot_general3A_1739, %add3A_1740 : vector<64x192xf32>
    %slice3A_1742 = vector.extract_strided_slice %squeeze3A_1737 {offsets = [0, 0], sizes = [64, 64], strides = [1, 1]} : vector<64x192xf32> to vector<64x64xf32>
    %slice3A_1743 = vector.extract_strided_slice %add3A_1741 {offsets = [0, 0], sizes = [64, 64], strides = [1, 1]} : vector<64x192xf32> to vector<64x64xf32>
    %add3A_1744 = arith.addf %slice3A_1742, %slice3A_1743 : vector<64x64xf32>
    %logistic3A_1745 = arith.negf %add3A_1744 : vector<64x64xf32>
    %logistic3A_1746 = math.exp %logistic3A_1745 : vector<64x64xf32>
    %logistic3A_1747 = arith.constant 1.000000e+00 : f32
    %logistic3A_1748 = vector.broadcast %logistic3A_1747 : f32 to vector<64x64xf32>
    %logistic3A_1749 = arith.addf %logistic3A_1748, %logistic3A_1746 : vector<64x64xf32>
    %logistic3A_1750 = arith.divf %logistic3A_1748, %logistic3A_1749 : vector<64x64xf32>
    %slice3A_1751 = vector.extract_strided_slice %squeeze3A_1737 {offsets = [0, 64], sizes = [64, 64], strides = [1, 1]} : vector<64x192xf32> to vector<64x64xf32>
    %slice3A_1752 = vector.extract_strided_slice %add3A_1741 {offsets = [0, 64], sizes = [64, 64], strides = [1, 1]} : vector<64x192xf32> to vector<64x64xf32>
    %add3A_1753 = arith.addf %slice3A_1751, %slice3A_1752 : vector<64x64xf32>
    %logistic3A_1754 = arith.negf %add3A_1753 : vector<64x64xf32>
    %logistic3A_1755 = math.exp %logistic3A_1754 : vector<64x64xf32>
    %logistic3A_1756 = arith.constant 1.000000e+00 : f32
    %logistic3A_1757 = vector.broadcast %logistic3A_1756 : f32 to vector<64x64xf32>
    %logistic3A_1758 = arith.addf %logistic3A_1757, %logistic3A_1755 : vector<64x64xf32>
    %logistic3A_1759 = arith.divf %logistic3A_1757, %logistic3A_1758 : vector<64x64xf32>
    %slice3A_1760 = vector.extract_strided_slice %squeeze3A_1737 {offsets = [0, 128], sizes = [64, 64], strides = [1, 1]} : vector<64x192xf32> to vector<64x64xf32>
    %slice3A_1761 = vector.extract_strided_slice %add3A_1741 {offsets = [0, 128], sizes = [64, 64], strides = [1, 1]} : vector<64x192xf32> to vector<64x64xf32>
    %mul3A_1762 = arith.mulf %logistic3A_1750, %slice3A_1761 : vector<64x64xf32>
    %add3A_1763 = arith.addf %slice3A_1760, %mul3A_1762 : vector<64x64xf32>
    %tanh3A_1764 = math.tanh %add3A_1763 : vector<64x64xf32>
    %sub3A_1765 = arith.constant 1.000000e+00 : f32
    %sub3A_1766 = vector.broadcast %sub3A_1765 : f32 to vector<64x64xf32>
    %sub3A_1767 = arith.subf %sub3A_1766, %logistic3A_1759 : vector<64x64xf32>
    %mul3A_1768 = arith.mulf %sub3A_1767, %tanh3A_1764 : vector<64x64xf32>
    %mul3A_1769 = arith.mulf %logistic3A_1759, %add3A_1735 : vector<64x64xf32>
    %add3A_1770 = arith.addf %mul3A_1768, %mul3A_1769 : vector<64x64xf32>
    %slice3A_1771 = vector.extract_strided_slice %reshape3A {offsets = [47, 0, 0], sizes = [1, 64, 192], strides = [1, 1, 1]} : vector<50x64x192xf32> to vector<1x64x192xf32>
    %squeeze3A_1772 = vector.shape_cast %slice3A_1771 : vector<1x64x192xf32> to vector<64x192xf32>
    %dot_general3A_1773 = arith.constant dense<0.000000e+00> : vector<64x192xf32>
    %dot_general3A_1774 = tpu.matmul %add3A_1770, %get3A_124, %dot_general3A_1773 {dimension_numbers = #tpu.dot_dimension_numbers<[1], [0], [0], [1], [0, 0, 1, 1], [], []>, transpose_lhs_hint = false} : vector<64x64xf32>, vector<64x192xf32>, vector<64x192xf32> -> vector<64x192xf32>
    %add3A_1775 = vector.broadcast %get3A_127 : vector<1x192xf32> to vector<64x192xf32>
    %add3A_1776 = arith.addf %dot_general3A_1774, %add3A_1775 : vector<64x192xf32>
    %slice3A_1777 = vector.extract_strided_slice %squeeze3A_1772 {offsets = [0, 0], sizes = [64, 64], strides = [1, 1]} : vector<64x192xf32> to vector<64x64xf32>
    %slice3A_1778 = vector.extract_strided_slice %add3A_1776 {offsets = [0, 0], sizes = [64, 64], strides = [1, 1]} : vector<64x192xf32> to vector<64x64xf32>
    %add3A_1779 = arith.addf %slice3A_1777, %slice3A_1778 : vector<64x64xf32>
    %logistic3A_1780 = arith.negf %add3A_1779 : vector<64x64xf32>
    %logistic3A_1781 = math.exp %logistic3A_1780 : vector<64x64xf32>
    %logistic3A_1782 = arith.constant 1.000000e+00 : f32
    %logistic3A_1783 = vector.broadcast %logistic3A_1782 : f32 to vector<64x64xf32>
    %logistic3A_1784 = arith.addf %logistic3A_1783, %logistic3A_1781 : vector<64x64xf32>
    %logistic3A_1785 = arith.divf %logistic3A_1783, %logistic3A_1784 : vector<64x64xf32>
    %slice3A_1786 = vector.extract_strided_slice %squeeze3A_1772 {offsets = [0, 64], sizes = [64, 64], strides = [1, 1]} : vector<64x192xf32> to vector<64x64xf32>
    %slice3A_1787 = vector.extract_strided_slice %add3A_1776 {offsets = [0, 64], sizes = [64, 64], strides = [1, 1]} : vector<64x192xf32> to vector<64x64xf32>
    %add3A_1788 = arith.addf %slice3A_1786, %slice3A_1787 : vector<64x64xf32>
    %logistic3A_1789 = arith.negf %add3A_1788 : vector<64x64xf32>
    %logistic3A_1790 = math.exp %logistic3A_1789 : vector<64x64xf32>
    %logistic3A_1791 = arith.constant 1.000000e+00 : f32
    %logistic3A_1792 = vector.broadcast %logistic3A_1791 : f32 to vector<64x64xf32>
    %logistic3A_1793 = arith.addf %logistic3A_1792, %logistic3A_1790 : vector<64x64xf32>
    %logistic3A_1794 = arith.divf %logistic3A_1792, %logistic3A_1793 : vector<64x64xf32>
    %slice3A_1795 = vector.extract_strided_slice %squeeze3A_1772 {offsets = [0, 128], sizes = [64, 64], strides = [1, 1]} : vector<64x192xf32> to vector<64x64xf32>
    %slice3A_1796 = vector.extract_strided_slice %add3A_1776 {offsets = [0, 128], sizes = [64, 64], strides = [1, 1]} : vector<64x192xf32> to vector<64x64xf32>
    %mul3A_1797 = arith.mulf %logistic3A_1785, %slice3A_1796 : vector<64x64xf32>
    %add3A_1798 = arith.addf %slice3A_1795, %mul3A_1797 : vector<64x64xf32>
    %tanh3A_1799 = math.tanh %add3A_1798 : vector<64x64xf32>
    %sub3A_1800 = arith.constant 1.000000e+00 : f32
    %sub3A_1801 = vector.broadcast %sub3A_1800 : f32 to vector<64x64xf32>
    %sub3A_1802 = arith.subf %sub3A_1801, %logistic3A_1794 : vector<64x64xf32>
    %mul3A_1803 = arith.mulf %sub3A_1802, %tanh3A_1799 : vector<64x64xf32>
    %mul3A_1804 = arith.mulf %logistic3A_1794, %add3A_1770 : vector<64x64xf32>
    %add3A_1805 = arith.addf %mul3A_1803, %mul3A_1804 : vector<64x64xf32>
    %slice3A_1806 = vector.extract_strided_slice %reshape3A {offsets = [48, 0, 0], sizes = [1, 64, 192], strides = [1, 1, 1]} : vector<50x64x192xf32> to vector<1x64x192xf32>
    %squeeze3A_1807 = vector.shape_cast %slice3A_1806 : vector<1x64x192xf32> to vector<64x192xf32>
    %dot_general3A_1808 = arith.constant dense<0.000000e+00> : vector<64x192xf32>
    %dot_general3A_1809 = tpu.matmul %add3A_1805, %get3A_124, %dot_general3A_1808 {dimension_numbers = #tpu.dot_dimension_numbers<[1], [0], [0], [1], [0, 0, 1, 1], [], []>, transpose_lhs_hint = false} : vector<64x64xf32>, vector<64x192xf32>, vector<64x192xf32> -> vector<64x192xf32>
    %add3A_1810 = vector.broadcast %get3A_127 : vector<1x192xf32> to vector<64x192xf32>
    %add3A_1811 = arith.addf %dot_general3A_1809, %add3A_1810 : vector<64x192xf32>
    %slice3A_1812 = vector.extract_strided_slice %squeeze3A_1807 {offsets = [0, 0], sizes = [64, 64], strides = [1, 1]} : vector<64x192xf32> to vector<64x64xf32>
    %slice3A_1813 = vector.extract_strided_slice %add3A_1811 {offsets = [0, 0], sizes = [64, 64], strides = [1, 1]} : vector<64x192xf32> to vector<64x64xf32>
    %add3A_1814 = arith.addf %slice3A_1812, %slice3A_1813 : vector<64x64xf32>
    %logistic3A_1815 = arith.negf %add3A_1814 : vector<64x64xf32>
    %logistic3A_1816 = math.exp %logistic3A_1815 : vector<64x64xf32>
    %logistic3A_1817 = arith.constant 1.000000e+00 : f32
    %logistic3A_1818 = vector.broadcast %logistic3A_1817 : f32 to vector<64x64xf32>
    %logistic3A_1819 = arith.addf %logistic3A_1818, %logistic3A_1816 : vector<64x64xf32>
    %logistic3A_1820 = arith.divf %logistic3A_1818, %logistic3A_1819 : vector<64x64xf32>
    %slice3A_1821 = vector.extract_strided_slice %squeeze3A_1807 {offsets = [0, 64], sizes = [64, 64], strides = [1, 1]} : vector<64x192xf32> to vector<64x64xf32>
    %slice3A_1822 = vector.extract_strided_slice %add3A_1811 {offsets = [0, 64], sizes = [64, 64], strides = [1, 1]} : vector<64x192xf32> to vector<64x64xf32>
    %add3A_1823 = arith.addf %slice3A_1821, %slice3A_1822 : vector<64x64xf32>
    %logistic3A_1824 = arith.negf %add3A_1823 : vector<64x64xf32>
    %logistic3A_1825 = math.exp %logistic3A_1824 : vector<64x64xf32>
    %logistic3A_1826 = arith.constant 1.000000e+00 : f32
    %logistic3A_1827 = vector.broadcast %logistic3A_1826 : f32 to vector<64x64xf32>
    %logistic3A_1828 = arith.addf %logistic3A_1827, %logistic3A_1825 : vector<64x64xf32>
    %logistic3A_1829 = arith.divf %logistic3A_1827, %logistic3A_1828 : vector<64x64xf32>
    %slice3A_1830 = vector.extract_strided_slice %squeeze3A_1807 {offsets = [0, 128], sizes = [64, 64], strides = [1, 1]} : vector<64x192xf32> to vector<64x64xf32>
    %slice3A_1831 = vector.extract_strided_slice %add3A_1811 {offsets = [0, 128], sizes = [64, 64], strides = [1, 1]} : vector<64x192xf32> to vector<64x64xf32>
    %mul3A_1832 = arith.mulf %logistic3A_1820, %slice3A_1831 : vector<64x64xf32>
    %add3A_1833 = arith.addf %slice3A_1830, %mul3A_1832 : vector<64x64xf32>
    %tanh3A_1834 = math.tanh %add3A_1833 : vector<64x64xf32>
    %sub3A_1835 = arith.constant 1.000000e+00 : f32
    %sub3A_1836 = vector.broadcast %sub3A_1835 : f32 to vector<64x64xf32>
    %sub3A_1837 = arith.subf %sub3A_1836, %logistic3A_1829 : vector<64x64xf32>
    %mul3A_1838 = arith.mulf %sub3A_1837, %tanh3A_1834 : vector<64x64xf32>
    %mul3A_1839 = arith.mulf %logistic3A_1829, %add3A_1805 : vector<64x64xf32>
    %add3A_1840 = arith.addf %mul3A_1838, %mul3A_1839 : vector<64x64xf32>
    %stack3A = vector.shape_cast %add3A_160 : vector<64x64xf32> to vector<1x64x64xf32>
    %stack3A_1841 = vector.shape_cast %add3A_195 : vector<64x64xf32> to vector<1x64x64xf32>
    %stack3A_1842 = vector.shape_cast %add3A_230 : vector<64x64xf32> to vector<1x64x64xf32>
    %stack3A_1843 = vector.shape_cast %add3A_265 : vector<64x64xf32> to vector<1x64x64xf32>
    %stack3A_1844 = vector.shape_cast %add3A_300 : vector<64x64xf32> to vector<1x64x64xf32>
    %stack3A_1845 = vector.shape_cast %add3A_335 : vector<64x64xf32> to vector<1x64x64xf32>
    %stack3A_1846 = vector.shape_cast %add3A_370 : vector<64x64xf32> to vector<1x64x64xf32>
    %stack3A_1847 = vector.shape_cast %add3A_405 : vector<64x64xf32> to vector<1x64x64xf32>
    %stack3A_1848 = vector.shape_cast %add3A_440 : vector<64x64xf32> to vector<1x64x64xf32>
    %stack3A_1849 = vector.shape_cast %add3A_475 : vector<64x64xf32> to vector<1x64x64xf32>
    %stack3A_1850 = vector.shape_cast %add3A_510 : vector<64x64xf32> to vector<1x64x64xf32>
    %stack3A_1851 = vector.shape_cast %add3A_545 : vector<64x64xf32> to vector<1x64x64xf32>
    %stack3A_1852 = vector.shape_cast %add3A_580 : vector<64x64xf32> to vector<1x64x64xf32>
    %stack3A_1853 = vector.shape_cast %add3A_615 : vector<64x64xf32> to vector<1x64x64xf32>
    %stack3A_1854 = vector.shape_cast %add3A_650 : vector<64x64xf32> to vector<1x64x64xf32>
    %stack3A_1855 = vector.shape_cast %add3A_685 : vector<64x64xf32> to vector<1x64x64xf32>
    %stack3A_1856 = vector.shape_cast %add3A_720 : vector<64x64xf32> to vector<1x64x64xf32>
    %stack3A_1857 = vector.shape_cast %add3A_755 : vector<64x64xf32> to vector<1x64x64xf32>
    %stack3A_1858 = vector.shape_cast %add3A_790 : vector<64x64xf32> to vector<1x64x64xf32>
    %stack3A_1859 = vector.shape_cast %add3A_825 : vector<64x64xf32> to vector<1x64x64xf32>
    %stack3A_1860 = vector.shape_cast %add3A_860 : vector<64x64xf32> to vector<1x64x64xf32>
    %stack3A_1861 = vector.shape_cast %add3A_895 : vector<64x64xf32> to vector<1x64x64xf32>
    %stack3A_1862 = vector.shape_cast %add3A_930 : vector<64x64xf32> to vector<1x64x64xf32>
    %stack3A_1863 = vector.shape_cast %add3A_965 : vector<64x64xf32> to vector<1x64x64xf32>
    %stack3A_1864 = vector.shape_cast %add3A_1000 : vector<64x64xf32> to vector<1x64x64xf32>
    %stack3A_1865 = vector.shape_cast %add3A_1035 : vector<64x64xf32> to vector<1x64x64xf32>
    %stack3A_1866 = vector.shape_cast %add3A_1070 : vector<64x64xf32> to vector<1x64x64xf32>
    %stack3A_1867 = vector.shape_cast %add3A_1105 : vector<64x64xf32> to vector<1x64x64xf32>
    %stack3A_1868 = vector.shape_cast %add3A_1140 : vector<64x64xf32> to vector<1x64x64xf32>
    %stack3A_1869 = vector.shape_cast %add3A_1175 : vector<64x64xf32> to vector<1x64x64xf32>
    %stack3A_1870 = vector.shape_cast %add3A_1210 : vector<64x64xf32> to vector<1x64x64xf32>
    %stack3A_1871 = vector.shape_cast %add3A_1245 : vector<64x64xf32> to vector<1x64x64xf32>
    %stack3A_1872 = vector.shape_cast %add3A_1280 : vector<64x64xf32> to vector<1x64x64xf32>
    %stack3A_1873 = vector.shape_cast %add3A_1315 : vector<64x64xf32> to vector<1x64x64xf32>
    %stack3A_1874 = vector.shape_cast %add3A_1350 : vector<64x64xf32> to vector<1x64x64xf32>
    %stack3A_1875 = vector.shape_cast %add3A_1385 : vector<64x64xf32> to vector<1x64x64xf32>
    %stack3A_1876 = vector.shape_cast %add3A_1420 : vector<64x64xf32> to vector<1x64x64xf32>
    %stack3A_1877 = vector.shape_cast %add3A_1455 : vector<64x64xf32> to vector<1x64x64xf32>
    %stack3A_1878 = vector.shape_cast %add3A_1490 : vector<64x64xf32> to vector<1x64x64xf32>
    %stack3A_1879 = vector.shape_cast %add3A_1525 : vector<64x64xf32> to vector<1x64x64xf32>
    %stack3A_1880 = vector.shape_cast %add3A_1560 : vector<64x64xf32> to vector<1x64x64xf32>
    %stack3A_1881 = vector.shape_cast %add3A_1595 : vector<64x64xf32> to vector<1x64x64xf32>
    %stack3A_1882 = vector.shape_cast %add3A_1630 : vector<64x64xf32> to vector<1x64x64xf32>
    %stack3A_1883 = vector.shape_cast %add3A_1665 : vector<64x64xf32> to vector<1x64x64xf32>
    %stack3A_1884 = vector.shape_cast %add3A_1700 : vector<64x64xf32> to vector<1x64x64xf32>
    %stack3A_1885 = vector.shape_cast %add3A_1735 : vector<64x64xf32> to vector<1x64x64xf32>
    %stack3A_1886 = vector.shape_cast %add3A_1770 : vector<64x64xf32> to vector<1x64x64xf32>
    %stack3A_1887 = vector.shape_cast %add3A_1805 : vector<64x64xf32> to vector<1x64x64xf32>
    %stack3A_1888 = vector.shape_cast %add3A_1840 : vector<64x64xf32> to vector<1x64x64xf32>
    %stack3A_1889 = tpu.concatenate %stack3A, %stack3A_1841, %stack3A_1842, %stack3A_1843, %stack3A_1844, %stack3A_1845, %stack3A_1846, %stack3A_1847, %stack3A_1848, %stack3A_1849, %stack3A_1850, %stack3A_1851, %stack3A_1852, %stack3A_1853, %stack3A_1854, %stack3A_1855, %stack3A_1856, %stack3A_1857, %stack3A_1858, %stack3A_1859, %stack3A_1860, %stack3A_1861, %stack3A_1862, %stack3A_1863, %stack3A_1864, %stack3A_1865, %stack3A_1866, %stack3A_1867, %stack3A_1868, %stack3A_1869, %stack3A_1870, %stack3A_1871, %stack3A_1872, %stack3A_1873, %stack3A_1874, %stack3A_1875, %stack3A_1876, %stack3A_1877, %stack3A_1878, %stack3A_1879, %stack3A_1880, %stack3A_1881, %stack3A_1882, %stack3A_1883, %stack3A_1884, %stack3A_1885, %stack3A_1886, %stack3A_1887, %stack3A_1888 in 0 : vector<1x64x64xf32>, vector<1x64x64xf32>, vector<1x64x64xf32>, vector<1x64x64xf32>, vector<1x64x64xf32>, vector<1x64x64xf32>, vector<1x64x64xf32>, vector<1x64x64xf32>, vector<1x64x64xf32>, vector<1x64x64xf32>, vector<1x64x64xf32>, vector<1x64x64xf32>, vector<1x64x64xf32>, vector<1x64x64xf32>, vector<1x64x64xf32>, vector<1x64x64xf32>, vector<1x64x64xf32>, vector<1x64x64xf32>, vector<1x64x64xf32>, vector<1x64x64xf32>, vector<1x64x64xf32>, vector<1x64x64xf32>, vector<1x64x64xf32>, vector<1x64x64xf32>, vector<1x64x64xf32>, vector<1x64x64xf32>, vector<1x64x64xf32>, vector<1x64x64xf32>, vector<1x64x64xf32>, vector<1x64x64xf32>, vector<1x64x64xf32>, vector<1x64x64xf32>, vector<1x64x64xf32>, vector<1x64x64xf32>, vector<1x64x64xf32>, vector<1x64x64xf32>, vector<1x64x64xf32>, vector<1x64x64xf32>, vector<1x64x64xf32>, vector<1x64x64xf32>, vector<1x64x64xf32>, vector<1x64x64xf32>, vector<1x64x64xf32>, vector<1x64x64xf32>, vector<1x64x64xf32>, vector<1x64x64xf32>, vector<1x64x64xf32>, vector<1x64x64xf32>, vector<1x64x64xf32> -> vector<49x64x64xf32>
    %reshape3A_1890 = vector.shape_cast %add3A_30 : vector<3200x64xf32> to vector<50x64x64xf32>
    %slice3A_1891 = vector.extract_strided_slice %reshape3A_1890 {offsets = [1, 0, 0], sizes = [49, 64, 64], strides = [1, 1, 1]} : vector<50x64x64xf32> to vector<49x64x64xf32>
    %mul3A_1892 = arith.mulf %stack3A_1889, %slice3A_1891 : vector<49x64x64xf32>
    %reduce_sum3A_1893 = arith.constant dense<0.000000e+00> : vector<49x64xf32>
    %reduce_sum3A_1894 = vector.multi_reduction <add>, %mul3A_1892, %reduce_sum3A_1893 [2] : vector<49x64x64xf32> to vector<49x64xf32>
    %transpose3A = tpu.transpose %reduce_sum3A_1894, [1, 0] : vector<49x64xf32> -> vector<64x49xf32>
    %get3A_1895 = arith.constant 0 : index
    %get3A_1896 = arith.constant 0 : index
    %get3A_1897 = vector.load %arg11[%get3A_1895, %get3A_1896] : memref<64x49xf32, #tpu.memory_space<vmem>>, vector<64x49xf32>
    %add3A_1898 = arith.constant 9.99999971E-10 : f32
    %add3A_1899 = vector.broadcast %add3A_1898 : f32 to vector<64x49xf32>
    %add3A_1900 = arith.addf %get3A_1897, %add3A_1899 : vector<64x49xf32>
    %log3A = math.log %add3A_1900 : vector<64x49xf32>
    %sub3A_1901 = arith.subf %transpose3A, %log3A : vector<64x49xf32>
    %reshape3A_1902 = vector.shape_cast %add3A_65 : vector<3200x64xf32> to vector<50x64x64xf32>
    %dot_general3A_1903 = arith.constant dense<0.000000e+00> : vector<64x50x49xf32>
    %dot_general3A_1904 = tpu.matmul %reshape3A_1902, %stack3A_1889, %dot_general3A_1903 {dimension_numbers = #tpu.dot_dimension_numbers<[2], [2], [0], [0], [0, 1, 0, 0, 1, 0], [1], [1]>, transpose_lhs_hint = false} : vector<50x64x64xf32>, vector<49x64x64xf32>, vector<64x50x49xf32> -> vector<64x50x49xf32>
    %get3A_1905 = arith.constant 0 : index
    %get3A_1906 = arith.constant 0 : index
    %get3A_1907 = arith.constant 0 : index
    %get3A_1908 = vector.load %arg10[%get3A_1905, %get3A_1906, %get3A_1907] : memref<64x50x1xf32, #tpu.memory_space<vmem>>, vector<64x50x1xf32>
    %add3A_1909 = arith.constant 9.99999971E-10 : f32
    %add3A_1910 = vector.broadcast %add3A_1909 : f32 to vector<64x50x1xf32>
    %add3A_1911 = arith.addf %get3A_1908, %add3A_1910 : vector<64x50x1xf32>
    %log3A_1912 = math.log %add3A_1911 : vector<64x50x1xf32>
    %sub3A_1913 = vector.broadcast %log3A_1912 : vector<64x50x1xf32> to vector<64x50x49xf32>
    %sub3A_1914 = arith.subf %dot_general3A_1904, %sub3A_1913 : vector<64x50x49xf32>
    %get3A_1915 = arith.constant 0 : index
    %get3A_1916 = arith.constant 0 : index
    %get3A_1917 = arith.constant 0 : index
    %get3A_1918 = vector.load %arg5[%get3A_1915, %get3A_1916, %get3A_1917] : memref<64x1x49xi32, #tpu.memory_space<vmem>>, vector<64x1x49xi32>
    %get3A_1919 = arith.constant 0 : index
    %get3A_1920 = arith.constant 0 : index
    %get3A_1921 = arith.constant 0 : index
    %get3A_1922 = vector.load %arg4[%get3A_1919, %get3A_1920, %get3A_1921] : memref<64x50x1xi32, #tpu.memory_space<vmem>>, vector<64x50x1xi32>
    %ge3A = vector.broadcast %get3A_1918 : vector<64x1x49xi32> to vector<64x50x49xi32>
    %ge3A_1923 = vector.broadcast %get3A_1922 : vector<64x50x1xi32> to vector<64x50x49xi32>
    %ge3A_1924 = arith.cmpi sge, %ge3A, %ge3A_1923 : vector<64x50x49xi32>
    %get3A_1925 = arith.constant 0 : index
    %get3A_1926 = arith.constant 0 : index
    %get3A_1927 = arith.constant 0 : index
    %get3A_1928 = vector.load %arg7[%get3A_1925, %get3A_1926, %get3A_1927] : memref<64x1x49xi32, #tpu.memory_space<vmem>>, vector<64x1x49xi32>
    %get3A_1929 = arith.constant 0 : index
    %get3A_1930 = arith.constant 0 : index
    %get3A_1931 = arith.constant 0 : index
    %get3A_1932 = vector.load %arg6[%get3A_1929, %get3A_1930, %get3A_1931] : memref<64x50x1xi32, #tpu.memory_space<vmem>>, vector<64x50x1xi32>
    %ne3A = vector.broadcast %get3A_1928 : vector<64x1x49xi32> to vector<64x50x49xi32>
    %ne3A_1933 = vector.broadcast %get3A_1932 : vector<64x50x1xi32> to vector<64x50x49xi32>
    %ne3A_1934 = arith.cmpi ne, %ne3A, %ne3A_1933 : vector<64x50x49xi32>
    %and3A = arith.andi %ge3A_1924, %ne3A_1934 : vector<64x50x49xi1>
    %jit3A_1935 = arith.constant -1.000000e+09 : f32
    %broadcast_in_dim3A_1936 = vector.broadcast %jit3A_1935 : f32 to vector<64x50x49xf32>
    %select_n3A_1937 = arith.select %and3A, %sub3A_1914, %broadcast_in_dim3A_1936 : vector<64x50x49xi1>, vector<64x50x49xf32>
    %reduce_max3A = arith.constant dense<0xFF800000> : vector<64x49xf32>
    %reduce_max3A_1938 = vector.multi_reduction <maximumf>, %select_n3A_1937, %reduce_max3A [1] : vector<64x50x49xf32> to vector<64x49xf32>
    %max3A_1939 = arith.maximumf %reduce_max3A_1938, %sub3A_1901 : vector<64x49xf32>
    %broadcast_in_dim3A_1940 = vector.shape_cast %max3A_1939 : vector<64x49xf32> to vector<64x1x49xf32>
    %sub3A_1941 = vector.broadcast %broadcast_in_dim3A_1940 : vector<64x1x49xf32> to vector<64x50x49xf32>
    %sub3A_1942 = arith.subf %select_n3A_1937, %sub3A_1941 : vector<64x50x49xf32>
    %exp3A = math.exp %sub3A_1942 : vector<64x50x49xf32>
    %reduce_sum3A_1943 = arith.constant dense<0.000000e+00> : vector<64x49xf32>
    %reduce_sum3A_1944 = vector.multi_reduction <add>, %exp3A, %reduce_sum3A_1943 [1] : vector<64x50x49xf32> to vector<64x49xf32>
    %sub3A_1945 = arith.subf %sub3A_1901, %max3A_1939 : vector<64x49xf32>
    %exp3A_1946 = math.exp %sub3A_1945 : vector<64x49xf32>
    %add3A_1947 = arith.addf %reduce_sum3A_1944, %exp3A_1946 : vector<64x49xf32>
    %log3A_1948 = math.log %add3A_1947 : vector<64x49xf32>
    %add3A_1949 = arith.addf %max3A_1939, %log3A_1948 : vector<64x49xf32>
    %sub3A_1950 = arith.subf %add3A_1949, %sub3A_1901 : vector<64x49xf32>
    %get3A_1951 = arith.constant 0 : index
    %get3A_1952 = arith.constant 0 : index
    %get3A_1953 = vector.load %arg8[%get3A_1951, %get3A_1952] : memref<64x49xi32, #tpu.memory_space<vmem>>, vector<64x49xi32>
    %eq3A_1954 = arith.constant 1 : i32
    %eq3A_1955 = vector.broadcast %eq3A_1954 : i32 to vector<64x49xi32>
    %eq3A_1956 = arith.cmpi eq, %get3A_1953, %eq3A_1955 : vector<64x49xi32>
    %jit3A_1957 = arith.constant 1.000000e+00 : f32
    %jit3A_1958 = arith.constant 0.000000e+00 : f32
    %broadcast_in_dim3A_1959 = vector.broadcast %jit3A_1957 : f32 to vector<64x49xf32>
    %broadcast_in_dim3A_1960 = vector.broadcast %jit3A_1958 : f32 to vector<64x49xf32>
    %select_n3A_1961 = arith.select %eq3A_1956, %broadcast_in_dim3A_1959, %broadcast_in_dim3A_1960 : vector<64x49xi1>, vector<64x49xf32>
    %reduce_sum3A_1962 = vector.shape_cast %select_n3A_1961 : vector<64x49xf32> to vector<1x64x49xf32>
    %reduce_sum3A_1963 = arith.constant dense<0.000000e+00> : vector<1xf32>
    %reduce_sum3A_1964 = vector.multi_reduction <add>, %reduce_sum3A_1962, %reduce_sum3A_1963 [1, 2] : vector<1x64x49xf32> to vector<1xf32>
    %reduce_sum3A_1965 = vector.shape_cast %reduce_sum3A_1964 : vector<1xf32> to vector<1x1x1xf32>
    %reduce_sum3A_1966 = vector.extract %reduce_sum3A_1965[0, 0, 0] : f32 from vector<1x1x1xf32>
    %jit3A_1967 = arith.constant 0.000000e+00 : f32
    %broadcast_in_dim3A_1968 = vector.broadcast %jit3A_1967 : f32 to vector<64x49xf32>
    %select_n3A_1969 = arith.select %eq3A_1956, %sub3A_1950, %broadcast_in_dim3A_1968 : vector<64x49xi1>, vector<64x49xf32>
    %reduce_sum3A_1970 = vector.shape_cast %select_n3A_1969 : vector<64x49xf32> to vector<1x64x49xf32>
    %reduce_sum3A_1971 = arith.constant dense<0.000000e+00> : vector<1xf32>
    %reduce_sum3A_1972 = vector.multi_reduction <add>, %reduce_sum3A_1970, %reduce_sum3A_1971 [1, 2] : vector<1x64x49xf32> to vector<1xf32>
    %reduce_sum3A_1973 = vector.shape_cast %reduce_sum3A_1972 : vector<1xf32> to vector<1x1x1xf32>
    %reduce_sum3A_1974 = vector.extract %reduce_sum3A_1973[0, 0, 0] : f32 from vector<1x1x1xf32>
    %div3A_1975 = arith.divf %reduce_sum3A_1974, %reduce_sum3A_1966 : f32
    %swap3A = arith.constant 0 : index
    %swap3A_1976 = arith.constant 0 : index
    %swap3A_1977 = memref.load %arg22[%swap3A, %swap3A_1976] : memref<1x1xf32, #tpu.memory_space<smem>>
    memref.store %div3A_1975, %arg22[%swap3A, %swap3A_1976] : memref<1x1xf32, #tpu.memory_space<smem>>
    return
  }
}

</mosaic_0001>

<sc_bundles>
// kernel: kernel.4.cloned.1.call-start
scs
__scs_entry_jumppad:
0x0: {  	(pc) =	sbr.rel $0x88, $3  }
0x1: {  	(tag) =	ssettag $0x0;
	lr =	simm.s32 $0x1  }
0x2: {  	[smem:$0x3F90] =	sst lr;
	_ =	strace $0xD0000000  }
0x3: {  	_ = 	snop  }
0x4: {  	_ = 	snop  }
0x5: {  	_ = 	snop  }
0x6: {  	_ = 	snop  }
0x7: {  	_ = 	snop  }
__scs_overlays_trampoline_lowered:
0x8: {  	[smem:$0x3F9F] =	sst s0  }
0x9: {  	[smem:$0x3FA0] =	sst s1  }
0xa: {  	[smem:$0x3FA1] =	sst s2  }
0xb: {  	[smem:$0x3FA2] =	sst s3  }
0xc: {  	[smem:$0x3FA3] =	sst s4  }
0xd: {  	[smem:$0x3FA4] =	sst s5  }
0xe: {  	[smem:$0x3FA5] =	sst s6  }
0xf: {  	[smem:$0x3FA6] =	sst s7  }
0x10: {  	[smem:$0x3FA7] =	sst s8  }
0x11: {  	[smem:$0x3FA8] =	sst s9;
	s0 =	simm.s32 @!p0 $0x0  }
0x12: {  	s1 =	sld [smem:$0x3F8E];
	s0 =	simm.s32 @p0 $0x1  }
0x13: {  	[smem:$0x3FA9] =	sst s0;
	s0 =	simm.s32 @!p1 $0x0  }
0x14: {  	s2 =	sld [smem:$0x3F8D];
	s0 =	simm.s32 @p1 $0x1  }
0x15: {  	[smem:$0x3FAA] =	sst s0;
	s0 =	simm.s32 @!p2 $0x0  }
0x16: {  	s3 =	sld [smem:$0x3FDB];
	s0 =	simm.s32 @p2 $0x1  }
0x17: {  	s4 =	simm.s32 $0x1BF5;
	[smem:$0x3FAC] =	sst s0  }
0x18: {  	s0 =	sld [smem:$0x3F8F];
	_ =	swait.ge [sflag:s4], $0x0  }
0x19: {  	s7 =	sld [smem:$0x3F90]  }
0x1a: {  	s8 =	sadd.s32 $0xFFFFE003, lr  }
0x1b: {  	s9 =	sadd.s32 $0xFFFFFEF7, lr;
	s5 =	simm.s32 $0xFFFFFFFF;
	p2 =	slt.u32 s8, $0xFFFFF086  }
0x1c: {  	p1 =	slt.u32 s9, $0xF7A;
	s5 =	simm.s32 @!p2 $0x0  }
0x1d: {  	s5 =	simm.s32 @p1 $0x1;
	p0 =	seq.s32 s7, s2  }
0x1e: {  	s7 =	smul.u32 @!p0 $0xF7A, s2;
	p2 =	seq.s32 @!p0 s5, $0x0  }
0x1f: {  	s9 =	smul.u32 $0xF7A, s1;
	s8 =	simm.s32 @!p0 $0x1BF5;
	p2 =	por !p2, p0  }
0x20: {  	[sflag:s8] =	ssyncset.s32 @!p0 $0xFFFFF086;
	s6 =	sadd.s32 @!p0 s3, s7;
	s7 =	simm.s32 @!p0 $0x108  }
0x21: {  	s3 =	sadd.s32 s3, s9;
	s6 =	sadd.s32 @!p0 $0x88, s6;
	s7 =	simm.s32 @p2 $0x1082  }
0x22: {  	[simem:s7], [sflag:s8] =	dma.local @!p0 [hbm:s6], $0xF7A  }
0x23: {  	s9 =	sor.u32 $0xD0000000, s2;
	s6 =	simm.s32 $0x108;
	_ =	swait.ge @!p0 [sflag:s8], $0x0  }
0x24: {  	s3 =	sadd.s32 $0x88, s3;
	s6 =	simm.s32 @!p1 $0x1082;
	[sflag:s4] =	ssyncset.s32 $0xFFFFF086  }
0x25: {  	[simem:s6], [sflag:s4] =	dma.local [hbm:s3], $0xF7A  }
0x26: {  	[smem:$0x3F90] =	sst s1;
	(tag) =	ssettag s2;
	_ =	strace s9  }
0x27: {  	s1 =	sld [smem:$0x3FA0]  }
0x28: {  	s2 =	sld [smem:$0x3FA1]  }
0x29: {  	s4 =	sld [smem:$0x3FA3]  }
0x2a: {  	p0 =	seq.s32 s5, $0x0;
	s5 =	sld [smem:$0x3FA4]  }
0x2b: {  	s6 =	sld [smem:$0x3FA5]  }
0x2c: {  	s7 =	sld [smem:$0x3FA6]  }
0x2d: {  	s3 =	simm.s32 $0x108;
	s8 =	sld [smem:$0x3FA7]  }
0x2e: {  	s3 =	simm.s32 @!p0 $0x1082;
	s9 =	sld [smem:$0x3FA8]  }
0x2f: {  	lr =	sadd.s32 s0, s3;
	s0 =	sld [smem:$0x3F9F]  }
0x30: {  	s3 =	sld [smem:$0x3FA2]  }
0x31: {  	[smem:$0x3FAB] =	sst s10  }
0x32: {  	s10 =	sld [smem:$0x3FA9];
	_ =	sdelay $0x3  }
0x33: {  	p0 =	seq.s32 s10, $0x1;
	s10 =	sld [smem:$0x3FAB];
	_ =	sdelay $0x3  }
0x34: {  	[smem:$0x3FAB] =	sst s10  }
0x35: {  	s10 =	sld [smem:$0x3FAA];
	_ =	sdelay $0x3  }
0x36: {  	p1 =	seq.s32 s10, $0x1;
	s10 =	sld [smem:$0x3FAB];
	_ =	sdelay $0x3  }
0x37: {  	[smem:$0x3FAB] =	sst s10  }
0x38: {  	s10 =	sld [smem:$0x3FAC]  }
0x39: {  	_ = 	snop;
	(pc) =	sbr.ind lr, $3  }
0x3a: {  	_ = 	snop  }
0x3b: {  	_ = 	snop  }
0x3c: {  	p2 =	seq.s32 s10, $0x1;
	s10 =	sld [smem:$0x3FAB]  }
0x3d: {  	_ =	shalt  }
0x3e: {  	_ =	shalt  }
0x3f: {  	_ =	shalt  }
0x40: {  	_ =	shalt  }
0x41: {  	_ =	shalt  }
0x42: {  	_ =	shalt  }
0x43: {  	_ =	shalt  }
0x44: {  	_ =	shalt  }
0x45: {  	_ =	shalt  }
0x46: {  	_ =	shalt  }
0x47: {  	_ =	shalt  }
0x48: {  	_ =	shalt  }
0x49: {  	_ =	shalt  }
0x4a: {  	_ =	shalt  }
0x4b: {  	_ =	shalt  }
0x4c: {  	_ =	shalt  }
0x4d: {  	_ =	shalt  }
0x4e: {  	_ =	shalt  }
0x4f: {  	_ =	shalt  }
0x50: {  	_ =	shalt  }
0x51: {  	_ =	shalt  }
0x52: {  	_ =	shalt  }
0x53: {  	_ =	shalt  }
0x54: {  	_ =	shalt  }
0x55: {  	_ =	shalt  }
0x56: {  	_ =	shalt  }
0x57: {  	_ =	shalt  }
0x58: {  	_ =	shalt  }
0x59: {  	_ =	shalt  }
0x5a: {  	_ =	shalt  }
0x5b: {  	_ =	shalt  }
0x5c: {  	_ =	shalt  }
0x5d: {  	_ =	shalt  }
0x5e: {  	_ =	shalt  }
0x5f: {  	_ =	shalt  }
0x60: {  	_ =	shalt  }
0x61: {  	_ =	shalt  }
0x62: {  	_ =	shalt  }
0x63: {  	_ =	shalt  }
0x64: {  	_ =	shalt  }
0x65: {  	_ =	shalt  }
0x66: {  	_ =	shalt  }
0x67: {  	_ =	shalt  }
0x68: {  	_ =	shalt  }
0x69: {  	_ =	shalt  }
0x6a: {  	_ =	shalt  }
0x6b: {  	_ =	shalt  }
0x6c: {  	_ =	shalt  }
0x6d: {  	_ =	shalt  }
0x6e: {  	_ =	shalt  }
0x6f: {  	_ =	shalt  }
0x70: {  	_ =	shalt  }
0x71: {  	_ =	shalt  }
0x72: {  	_ =	shalt  }
0x73: {  	_ =	shalt  }
0x74: {  	_ =	shalt  }
0x75: {  	_ =	shalt  }
0x76: {  	_ =	shalt  }
0x77: {  	_ =	shalt  }
0x78: {  	_ =	shalt  }
0x79: {  	_ =	shalt  }
0x7a: {  	_ =	shalt  }
0x7b: {  	_ =	shalt  }
0x7c: {  	_ =	shalt  }
0x7d: {  	_ =	shalt  }
0x7e: {  	_ =	shalt  }
0x7f: {  	_ =	shalt  }
0x80: {  	_ =	shalt  }
0x81: {  	_ =	shalt  }
0x82: {  	_ =	shalt  }
0x83: {  	_ =	shalt  }
0x84: {  	_ =	shalt  }
0x85: {  	_ =	shalt  }
0x86: {  	_ =	shalt  }
0x87: {  	_ =	shalt  }
.Lfunc_end0:
.L_simem_size_0:
called_computation_lowered:
.L_overlay_start_0:
0x88: {  	s2 =	sld [smem:$0x3FD9]  }
0x89: {  	s3 =	sld [smem:$0x3FFE];
	_ =	sdelay $0x1  }
0x8a: {  	s1 =	srdreg.scid  }
0x8b: {  	s0 =	sand.u32 $0x1, s1  }
0x8c: {  	s17 =	sshll.u32 s0, $0xA;
	s2 =	sadd.s32 s3, s2  }
0x8d: {  	s2 =	sadd.s32 s2, s17  }
0x8e: {  	[smem:$0x3FB7] =	sst s2  }
0x8f: {  	_ = 	snop  }
0x90: {  	s2 =	sld [smem:$0x3FC3]  }
0x91: {  	s18 =	sld [smem:$0x3FC2];
	(tm) =	ssettm $0x1  }
0x92: {  	s4 =	sld [smem:$0x3FFB];
	_ =	sdelay $0x3  }
0x93: {  	_ =	strace s4  }
0x94: {  	s4 =	sld [smem:$0x3FFC];
	_ =	sdelay $0x3  }
0x95: {  	_ =	strace s4  }
0x96: {  	s4 =	sld [smem:$0x3FFD];
	_ =	sdelay $0x3  }
0x97: {  	_ =	strace s4  }
0x98: {  	_ =	strace $0x8FFFFFFF  }
0x99: {  	s19 =	sld [smem:$0x3FDB];
	_ =	sdelay $0x1  }
0x9a: {  	s5 =	simm.s32 $_scs_section_size  }
0x9b: {  	s6 =	simm.s32 $_size__tile_overlayer_lowered;
	s7 =	simm.s32 $_tile_overlayer_lowered  }
0x9c: {  	s22 =	simm.s32 $0x1BFF;
	s21 =	sshll.u32 s7, $0x1;
	s4 =	sadd.s32 s5, s19  }
0x9d: {  	s8 =	simm.s32 $0x0;
	s20 =	sshll.u32 s6, $0x1;
	s6 =	sadd.s32 s21, s4  }
0x9e: {  	[timem:s8], [sflag:s22] =	dma.local [hbm:s6], s20  }
0x9f: {  	_ =	swait.ge [sflag:s22], s20  }
0xa0: {  	s5 =	ssub.s32 $0x0, s20;
	[sflag:s22] =	ssyncset.done $0x0  }
0xa1: {  	[sflag:s22] =	ssyncadd.s32 s5;
	_ =	sdelay $0x1  }
0xa2: {  	s23 =	simm.s32 $0x1B8B  }
0xa3: {  	_ =	swait.ge [sflag:s23], $0x1  }
0xa4: {  	[sflag:s23] =	ssyncset.done $0x0  }
0xa5: {  	s25 =	simm.s32 $0x1B8E;
	s24 =	sld [smem:$0x3FFE];
	[sflag:s23] =	ssyncadd.s32 $0xFFFFFFFF  }
0xa6: {  	s26 =	simm.s32 $execute0_lowered;
	[smem:$0x3FD2] =	sst s25  }
0xa7: {  	s6 =	sshll.u32 s26, $0x1;
	_ =	strace $0x80000046;
	[dreg:$0x1] =	wrdreg $0xFFFFFFFF  }
0xa8: {  	s28 =	simm.s32 $_size_execute0_lowered;
	s4 =	sadd.s32 s4, s6;
	[dreg:$0x0] =	wrdreg $0x0  }
0xa9: {  	s6 =	sshll.u32 s28, $0x1;
	[dreg:$0x2] =	wrdreg s4  }
0xaa: {  	[dreg:$0x3] =	wrdreg s6  }
0xab: {  	[dreg:$0x4] =	wrdreg $0xC0  }
0xac: {  	_ =	task [dreg:s8], $0x5FFFF  }
0xad: {  	[dreg:$0x1] =	wrdreg $0xFFFFFFFF  }
0xae: {  	[dreg:$0x0] =	wrdreg $0x60  }
0xaf: {  	[dreg:$0x2] =	wrdreg s2  }
0xb0: {  	[dreg:$0x3] =	wrdreg s18  }
0xb1: {  	[dreg:$0x4] =	wrdreg s24  }
0xb2: {  	[dreg:$0x5] =	wrdreg $0x9  }
0xb3: {  	_ =	task.clear_ibuf [dreg:s8], $0x6FFFF;
	_ =	strace $0x90000046  }
0xb4: {  	s29 =	simm.s32 $0x9;
	_ =	strace $0x80000048  }
0xb5: {  	_ =	swait.ge [sflag:s29], $0x1  }
0xb6: {  	[sflag:s29] =	ssyncadd.s32 $0xFFFFFFFF  }
0xb7: {  	_ =	strace $0x90000048  }
0xb8: {  	_ =	sfence  }
0xb9: {  	s30 =	sld [smem:$0x0];
	_ =	sdelay $0x2  }
0xba: {  	s31 =	sshll.u32 s1, $0xD;
	s1 =	sshrl.u32 s1, $0x2  }
0xbb: {  	s3 =	sand.u32 $0x4000, s31;
	s1 =	sadd.s32 s1, s30  }
0xbc: {  	s0 =	sor.u32 s3, s0;
	s1 =	sshll.u32 s1, $0x11  }
0xbd: {  	s0 =	sor.u32 s1, s0  }
0xbe: {  	s0 =	sadd.s32 $0x8F2B, s0  }
0xbf: {  	[sflag:s0] =	ssyncadd.remote.s32 $0x1  }
0xc0: {  	_ =	sfence.sel $0xFFFF  }
0xc1: {  	[dreg:$0x0] =	wrdreg $0xFFFFFFFF;
	(pc) =	sbr.abs _section_cstart, $3  }
0xc2: {  	[dreg:$0x1] =	wrdreg $0xFFFFFFFF  }
0xc3: {  	_ =	task.clear_ibuf [dreg:s8], $0x2FFFF;
	_ =	strace $0x9FFFFFFF  }
0xc4: {  	(tm) =	ssettm $0x7FFFFFFF  }
0xc5: {  	_ =	shalt  }
tec
execute0_lowered:
.L_overlay_start_1:
0x0: {  	(tag) =	ssettag $0x1  }
0x1: {  	s0 =	rddreg [dreg:$0x0]  }
0x2: {  	s10 =	rddreg [dreg:$0x1]  }
0x3: {  	s5 =	rddreg [dreg:$0x2];
	s1 =	simm.s32 $0x0;
	s6 =	srdreg.scid  }
0x4: {  	s4 =	stileid.u32;
	[smem:$0x7FF] =	sst s1  }
0x5: {  	s2 =	sadd.s32 $0x2E00, s5;
	s3 =	sadd.s32 $0x3000, s5;
	s13 =	sadd.s32 $0x3200, s5  }
0x6: {  	s14 =	sadd.s32 $0x9600, s5;
	s15 =	sadd.s32 $0xFA00, s5;
	s20 =	sshrl.u32 s4, $0x2  }
0x7: {  	s16 =	sadd.s32 $0x15E00, s5;
	s19 =	sand.u32 $0x1, s6;
	s9 =	smul.u32 $0xC3800, s20  }
0x8: {  	s8 =	sshll.u32 s4, $0x8;
	_ =	strace $0x80000047;
	s11 =	smul.u32 $0x13C00, s20  }
0x9: {  	s7 =	ssub.s32 $0x2, s19;
	s21 =	sor.u32 $0x4, s20;
	s18 =	smul.u32 $0x6400, s20  }
0xa: {  	s5 =	sshll.u32 s19, $0x7;
	s8 =	sand.u32 $0x300, s8;
	s23 =	smul.u32 $0xC3800, s21  }
0xb: {  	s20 =	simm.s32 $0x400;
	s12 =	sshrl.u32 s7, $0x1;
	s26 =	smul.u32 $0x13C00, s21  }
0xc: {  	s17 =	sor.u32 s5, s8;
	s29 =	smul.u32 $0x6400, s21;
	s21 =	simm.s32 $0x18700  }
0xd: {  	s5 =	sor.u32 s9, s17;
	s22 =	sor.u32 s11, s17;
	s19 =	ssub.s32 s7, s12  }
0xe: {  	s25 =	sor.u32 s18, s17;
	s18 =	simm.s32 $0x4;
	s5 =	sshrl.u32 s5, $0x3  }
0xf: {  	s9 =	sshrl.u32 s22, $0x3;
	s24 =	sor.u32 s17, s23;
	s28 =	sshrl.u32 s25, $0x3  }
0x10: {  	s30 =	sor.u32 s17, s26;
	s17 =	sor.u32 s17, s29;
	s22 =	simm.s32 $0x1  }
0x11: {  	s23 =	simm.s32 $0x1AE80;
	s25 =	simm.s32 $0x3;
	s26 =	simm.s32 $0x0  }
0x12: {  	s5 =	sadd.s32 s0, s5;
	s6 =	sadd.s32 s10, s9;
	s7 =	sshrl.u32 s24, $0x3  }
0x13: {  	s8 =	sadd.s32 s13, s28;
	s9 =	sadd.s32 s14, s28;
	s11 =	sadd.s32 s15, s28  }
0x14: {  	s31 =	sshrl.u32 s17, $0x3;
	s12 =	sadd.s32 s16, s28;
	s17 =	smax.u32 s19, $0x1  }
0x15: {  	s19 =	simm.s32 $0x80;
	s24 =	simm.s32 $0x2;
	s7 =	sadd.s32 s0, s7  }
0x16: {  	s0 =	sshrl.u32 s30, $0x3;
	s13 =	sadd.s32 s13, s31;
	s14 =	sadd.s32 s14, s31  }
0x17: {  	v0 =	vlaneseq.u32;
	s15 =	sadd.s32 s15, s31;
	s16 =	sadd.s32 s16, s31;
	s10 =	sadd.s32 s10, s0  }
.LBB2_1:
0x18: {  	s0 =	simm.s32 $0x10  }
0x19: {  	s30 =	sadd.s32 $0x0, s2;
	s28 =	simm.s32 $0x1AF80;
	s29 =	simm.s32 $0x1AE80  }
.LBB2_2:
0x1a: {  	[tilespmem:s29], [sflag:$0x4] =	stream.linear.gather [hbm4b:s30+s1], $0x80, $0x38;
	[tilespmem:$0x1F980] =	vst v63  }
0x1b: {  	s30 =	smov.u32 s0;
	s29 =	smov.u32 s28;
	p0 =	sne.s32 s0, $0x180  }
.Ltmp0:
0x1c: {  	s0 =	sadd.s32 $0x10, s0;
	(pc) =	sbr.rel @p0 .LBB2_2-.Ltmp0, $2  }
0x1d: {  	_ =	sdelay $0x2  }
0x1e: {  	s28 =	sadd.s32 $0x100, s28;
	s30 =	sadd.s32 s30, s2  }
0x1f: {  	[tilespmem:s29], [sflag:$0x4] =	stream.linear.gather [hbm4b:s30+s1], $0x80, $0x38;
	[tilespmem:$0x1F980] =	vst v63  }
0x20: {  	_ =	swait.ge [sflag:s18], $0xC80  }
0x21: {  	s0 =	simm.s32 $0x1AF00;
	s28 =	simm.s32 $0x10;
	[sflag:s18] =	ssyncset.done $0x0  }
0x22: {  	s30 =	sadd.s32 $0x0, s3;
	s29 =	simm.s32 $0x1B000;
	[sflag:s18] =	ssyncadd.s32 $0xFFFFF380  }
.LBB2_4:
0x23: {  	[tilespmem:s0], [sflag:$0x4] =	stream.linear.gather [hbm4b:s30+s1], $0x80, $0x38;
	[tilespmem:$0x1F980] =	vst v63  }
0x24: {  	s30 =	smov.u32 s28;
	s0 =	smov.u32 s29;
	p0 =	sne.s32 s28, $0x180  }
.Ltmp1:
0x25: {  	s28 =	sadd.s32 $0x10, s28;
	(pc) =	sbr.rel @p0 .LBB2_4-.Ltmp1, $2  }
0x26: {  	_ =	sdelay $0x2  }
0x27: {  	s29 =	sadd.s32 $0x100, s29;
	s30 =	sadd.s32 s30, s3  }
0x28: {  	s28 =	simm.s32 $0x0  }
0x29: {  	v1 =	vor.u32 s28, v0  }
0x2a: {  	v1 =	vand.u32 $0x3F, v1  }
0x2b: {  	[tilespmem:s0], [sflag:$0x4] =	stream.linear.gather [hbm4b:s30+s1], $0x80, $0x38;
	v2 =	vmov s28;
	v1 =	vmul.u32 $0x32, v1;
	[tilespmem:$0x1F980] =	vst v63  }
0x2c: {  	_ =	swait.ge [sflag:s18], $0xC80;
	v2 =	vshrl.u32 v2, $0x6  }
0x2d: {  	[sflag:s18] =	ssyncset.done $0x0;
	v1 =	vadd.s32 v2, v1  }
0x2e: {  	[sflag:s18] =	ssyncadd.s32 $0xFFFFF380;
	v2 =	vshll.u32 v1, $0x1  }
0x2f: {  	[tilespmem:s28], [sflag:$0x1] =	stream.strided.gather [hbm4b:s5+s19], $0x18700, s20, s19, $0x38;
	v1 =	vand.u32 $0x7F, v1;
	v2 =	vand.u32 $0x7FFFF00, v2;
	[tilespmem:$0x1F980] =	vst v63  }
0x30: {  	v1 =	vor.u32 v1, v2  }
0x31: {  	[tilespmem:s21], [sflag:$0x2] =	stream.strided.gather [hbm4b:s6+s19], $0x2780, s20, s19, $0x38;
	[tilespmem:$0x1F980] =	vst v63  }
0x32: {  	_ =	swait.ge [sflag:s22], $0x18700  }
0x33: {  	[sflag:s22] =	ssyncset.done $0x0  }
0x34: {  	[sflag:s22] =	ssyncadd.s32 $0xFFFE7900  }
0x35: {  	v2 =	vld.idx.msk [tilespmem:v1+s23+$0x0], $0xffff;
	_ =	sdelay $0x2  }
0x36: {  	s29 =	simm.s32 $0x0  }
0x37: {  	s0 =	sand.u32 $0x70, s28;
	s29 =	sand.u32 $0x3FFFFF00, s29  }
0x38: {  	s29 =	sor.u32 s0, s29  }
0x39: {  	v1 =	vld [tilespmem:s29+$0x1AE80];
	_ =	sdelay $0x1  }
0x3a: {  	s29 =	simm.s32 $0x10;
	v2 =	vld.idx.msk [tilespmem:v2+s1+$0x0], $0xffff  }
0x3b: {  	s30 =	simm.s32 $0x1;
	s31 =	simm.s32 $0x2;
	v3 =	vor.u32 s29, v0  }
.LBB2_6:
0x3c: {  	p0 =	sne.s32 s31, $0xC7;
	v3 =	vand.u32 $0x3F, v3;
	s4 =	sshll.u32 s28, $0x6;
	s28 =	smov.u32 s30  }
0x3d: {  	v4 =	vmov s29;
	s30 =	smov.u32 s31;
	v3 =	vmul.u32 $0x32, v3;
	s4 =	sand.u32 $0x3FFFFE00, s4  }
0x3e: {  	v4 =	vshrl.u32 v4, $0x6;
	s0 =	sor.u32 s0, s4  }
0x3f: {  	v3 =	vadd.s32 v4, v3;
	[tilespmem:s0+$0x1C780] =	vst v2  }
0x40: {  	v2 =	vshll.u32 v3, $0x1;
	v1 =	vld.idx.msk [tilespmem:v1+s1+$0x0], $0xffff  }
0x41: {  	v3 =	vand.u32 $0x7F, v3;
	v2 =	vand.u32 $0x7FFFF00, v2  }
0x42: {  	v2 =	vor.u32 v3, v2;
	_ =	sdelay $0x2  }
0x43: {  	s0 =	sadd.s32 $0x1C780, s0  }
0x44: {  	[tilespmem:s0+$0x80] =	vst v1  }
0x45: {  	v2 =	vld.idx.msk [tilespmem:v2+s23+$0x0], $0xffff;
	_ =	sdelay $0x3  }
0x46: {  	s4 =	sshll.u32 s28, $0x5  }
0x47: {  	s4 =	sand.u32 $0x3FFFFF00, s4;
	s0 =	sand.u32 $0x70, s29  }
.Ltmp2:
0x48: {  	s4 =	sor.u32 s0, s4;
	(pc) =	sbr.rel @p0 .LBB2_6-.Ltmp2, $4  }
0x49: {  	v1 =	vld [tilespmem:s4+$0x1AE80]  }
0x4a: {  	v2 =	vld.idx.msk [tilespmem:v2+s1+$0x0], $0xffff  }
0x4b: {  	s29 =	sadd.s32 $0x10, s29  }
0x4c: {  	s31 =	sadd.s32 $0x1, s31;
	v3 =	vor.u32 s29, v0  }
0x4d: {  	v3 =	vand.u32 $0x3F, v3  }
0x4e: {  	s4 =	sshll.u32 s28, $0x6;
	v4 =	vmov s29;
	v3 =	vmul.u32 $0x32, v3  }
0x4f: {  	s4 =	sand.u32 $0x3FFFFE00, s4;
	v4 =	vshrl.u32 v4, $0x6  }
0x50: {  	s0 =	sor.u32 s0, s4;
	v3 =	vadd.s32 v4, v3  }
0x51: {  	[tilespmem:s0+$0x1C780] =	vst v2;
	v2 =	vshll.u32 v3, $0x1  }
0x52: {  	v1 =	vld.idx.msk [tilespmem:v1+s1+$0x0], $0xffff;
	v3 =	vand.u32 $0x7F, v3;
	v2 =	vand.u32 $0x7FFFF00, v2  }
0x53: {  	v2 =	vor.u32 v3, v2;
	_ =	sdelay $0x2  }
0x54: {  	s0 =	sadd.s32 $0x1C780, s0  }
0x55: {  	[tilespmem:s0+$0x80] =	vst v1  }
0x56: {  	v1 =	vld.idx.msk [tilespmem:v2+s23+$0x0], $0xffff;
	_ =	sdelay $0x2  }
0x57: {  	s31 =	sshll.u32 s30, $0x5  }
0x58: {  	s4 =	sand.u32 $0x70, s29;
	s0 =	sand.u32 $0x3FFFFF00, s31  }
0x59: {  	s0 =	sor.u32 s4, s0  }
0x5a: {  	v2 =	vld [tilespmem:s0+$0x1AE80];
	_ =	sdelay $0x1  }
0x5b: {  	v1 =	vld.idx.msk [tilespmem:v1+s1+$0x0], $0xffff;
	_ =	sdelay $0x1  }
0x5c: {  	s31 =	sshll.u32 s30, $0x6  }
0x5d: {  	s0 =	sand.u32 $0x3FFFFE00, s31  }
0x5e: {  	s0 =	sor.u32 s4, s0  }
0x5f: {  	[tilespmem:s0+$0x1C780] =	vst v1  }
0x60: {  	v1 =	vld.idx.msk [tilespmem:v2+s1+$0x0], $0xffff;
	_ =	sdelay $0x3  }
0x61: {  	s28 =	simm.s32 $0x80;
	s29 =	simm.s32 $0x1C980;
	s0 =	sadd.s32 $0x1C780, s0  }
0x62: {  	s30 =	sadd.s32 $0x0, s8;
	s31 =	simm.s32 $0x0;
	[tilespmem:s0+$0x80] =	vst v1;
	s0 =	simm.s32 $0x1C780  }
0x63: {  	[tilespmem:s31], [sflag:$0x1] =	stream.strided.gather [hbm4b:s7+s19], $0x18700, s20, s19, $0x38;
	[tilespmem:$0x1F980] =	vst v63  }
.LBB2_8:
0x64: {  	[hbm4b:s30+s1] =	stream.linear.scatter [tilespmem:s0], [sflag:$0x3], $0x80, $0x38;
	[tilespmem:$0x1F980] =	vst v63  }
0x65: {  	s4 =	smov.u32 s28;
	s0 =	smov.u32 s29;
	p0 =	sne.s32 s28, $0xC00  }
.Ltmp3:
0x66: {  	s28 =	sadd.s32 $0x80, s28;
	(pc) =	sbr.rel @p0 .LBB2_8-.Ltmp3, $2  }
0x67: {  	_ =	sdelay $0x2  }
0x68: {  	s29 =	sadd.s32 $0x200, s29;
	s30 =	sadd.s32 s4, s8  }
0x69: {  	[hbm4b:s30+s1] =	stream.linear.scatter [tilespmem:s0], [sflag:$0x3], $0x80, $0x38;
	[tilespmem:$0x1F980] =	vst v63  }
0x6a: {  	s0 =	simm.s32 $0x1C800  }
0x6b: {  	s28 =	simm.s32 $0x80;
	s29 =	sadd.s32 $0x0, s9;
	s30 =	simm.s32 $0x1CA00  }
.LBB2_10:
0x6c: {  	[hbm4b:s29+s1] =	stream.linear.scatter [tilespmem:s0], [sflag:$0x3], $0x80, $0x38;
	[tilespmem:$0x1F980] =	vst v63  }
0x6d: {  	s4 =	smov.u32 s28;
	s0 =	smov.u32 s30;
	p0 =	sne.s32 s28, $0xC00  }
.Ltmp4:
0x6e: {  	s28 =	sadd.s32 $0x80, s28;
	(pc) =	sbr.rel @p0 .LBB2_10-.Ltmp4, $2  }
0x6f: {  	_ =	sdelay $0x2  }
0x70: {  	s30 =	sadd.s32 $0x200, s30;
	s29 =	sadd.s32 s4, s9  }
0x71: {  	s28 =	simm.s32 $0x0  }
0x72: {  	v1 =	vor.u32 s28, v0  }
0x73: {  	v1 =	vand.u32 $0x3F, v1  }
0x74: {  	v2 =	vmov s28;
	v1 =	vmul.u32 $0x32, v1  }
0x75: {  	v2 =	vshrl.u32 v2, $0x6  }
0x76: {  	v1 =	vadd.s32 v2, v1  }
0x77: {  	v2 =	vshll.u32 v1, $0x1  }
0x78: {  	v1 =	vand.u32 $0x7F, v1;
	v2 =	vand.u32 $0x7FFFF00, v2  }
0x79: {  	v1 =	vor.u32 v2, v1  }
0x7a: {  	v1 =	vor.u32 $0x80, v1  }
0x7b: {  	[hbm4b:s29+s1] =	stream.linear.scatter [tilespmem:s0], [sflag:$0x3], $0x80, $0x38;
	[tilespmem:$0x1F980] =	vst v63  }
0x7c: {  	_ =	swait.ge [sflag:s24], $0x2780  }
0x7d: {  	[sflag:s24] =	ssyncset.done $0x0  }
0x7e: {  	[sflag:s24] =	ssyncadd.s32 $0xFFFFD880  }
0x7f: {  	v2 =	vld.idx.msk [tilespmem:v1+s23+$0x0], $0xffff;
	_ =	sdelay $0x2  }
0x80: {  	s4 =	simm.s32 $0x0  }
0x81: {  	s0 =	sand.u32 $0x70, s28;
	s4 =	sand.u32 $0x3FFFFF00, s4  }
0x82: {  	s4 =	sor.u32 s0, s4  }
0x83: {  	v1 =	vld [tilespmem:s4+$0x1AF00]  }
0x84: {  	s29 =	simm.s32 $0x10  }
0x85: {  	s30 =	simm.s32 $0x1;
	s31 =	simm.s32 $0x2;
	v3 =	vor.u32 s29, v0;
	v2 =	vld.idx.msk [tilespmem:v2+s21+$0x0], $0xffff  }
.LBB2_12:
0x86: {  	p0 =	sne.s32 s31, $0xC7;
	v3 =	vand.u32 $0x3F, v3;
	s4 =	sshll.u32 s28, $0x6;
	s28 =	smov.u32 s30  }
0x87: {  	v4 =	vmov s29;
	s30 =	smov.u32 s31;
	v3 =	vmul.u32 $0x32, v3;
	s4 =	sand.u32 $0x3FFFFE00, s4  }
0x88: {  	v4 =	vshrl.u32 v4, $0x6;
	s0 =	sor.u32 s0, s4  }
0x89: {  	v3 =	vadd.s32 v4, v3;
	s0 =	sadd.s32 $0x1C780, s0  }
0x8a: {  	v4 =	vshll.u32 v3, $0x1;
	[tilespmem:s0+$0x100] =	vst v2  }
0x8b: {  	v2 =	vand.u32 $0x7F, v3;
	v3 =	vand.u32 $0x7FFFF00, v4;
	v1 =	vld.idx.msk [tilespmem:v1+s21+$0x0], $0xffff  }
0x8c: {  	v2 =	vor.u32 v3, v2  }
0x8d: {  	v2 =	vor.u32 $0x80, v2;
	_ =	sdelay $0x3  }
0x8e: {  	[tilespmem:s0+$0x180] =	vst v1  }
0x8f: {  	v2 =	vld.idx.msk [tilespmem:v2+s23+$0x0], $0xffff;
	_ =	sdelay $0x3  }
0x90: {  	s4 =	sshll.u32 s28, $0x5  }
.Ltmp5:
0x91: {  	s4 =	sand.u32 $0x3FFFFF00, s4;
	s0 =	sand.u32 $0x70, s29;
	(pc) =	sbr.rel @p0 .LBB2_12-.Ltmp5, $4  }
0x92: {  	s4 =	sor.u32 s0, s4  }
0x93: {  	v1 =	vld [tilespmem:s4+$0x1AF00]  }
0x94: {  	s29 =	sadd.s32 $0x10, s29;
	v2 =	vld.idx.msk [tilespmem:v2+s21+$0x0], $0xffff  }
0x95: {  	s31 =	sadd.s32 $0x1, s31;
	v3 =	vor.u32 s29, v0  }
0x96: {  	v3 =	vand.u32 $0x3F, v3  }
0x97: {  	s4 =	sshll.u32 s28, $0x6;
	v4 =	vmov s29;
	v3 =	vmul.u32 $0x32, v3  }
0x98: {  	s4 =	sand.u32 $0x3FFFFE00, s4;
	v4 =	vshrl.u32 v4, $0x6  }
0x99: {  	s0 =	sor.u32 s0, s4;
	v3 =	vadd.s32 v4, v3  }
0x9a: {  	s0 =	sadd.s32 $0x1C780, s0;
	v4 =	vshll.u32 v3, $0x1  }
0x9b: {  	[tilespmem:s0+$0x100] =	vst v2;
	v2 =	vand.u32 $0x7F, v3;
	v3 =	vand.u32 $0x7FFFF00, v4  }
0x9c: {  	v1 =	vld.idx.msk [tilespmem:v1+s21+$0x0], $0xffff;
	v2 =	vor.u32 v3, v2  }
0x9d: {  	v2 =	vor.u32 $0x80, v2;
	_ =	sdelay $0x3  }
0x9e: {  	[tilespmem:s0+$0x180] =	vst v1  }
0x9f: {  	v1 =	vld.idx.msk [tilespmem:v2+s23+$0x0], $0xffff;
	_ =	sdelay $0x2  }
0xa0: {  	s31 =	sshll.u32 s30, $0x5  }
0xa1: {  	s4 =	sand.u32 $0x70, s29;
	s0 =	sand.u32 $0x3FFFFF00, s31  }
0xa2: {  	s0 =	sor.u32 s4, s0  }
0xa3: {  	v2 =	vld [tilespmem:s0+$0x1AF00];
	_ =	sdelay $0x1  }
0xa4: {  	v1 =	vld.idx.msk [tilespmem:v1+s21+$0x0], $0xffff  }
0xa5: {  	s31 =	sshll.u32 s30, $0x6  }
0xa6: {  	s0 =	sand.u32 $0x3FFFFE00, s31  }
0xa7: {  	s0 =	sor.u32 s4, s0  }
0xa8: {  	s0 =	sadd.s32 $0x1C780, s0  }
0xa9: {  	[tilespmem:s0+$0x100] =	vst v1  }
0xaa: {  	v1 =	vld.idx.msk [tilespmem:v2+s21+$0x0], $0xffff;
	_ =	sdelay $0x3  }
0xab: {  	s28 =	simm.s32 $0x80  }
0xac: {  	s29 =	simm.s32 $0x1CA80;
	s30 =	sadd.s32 $0x0, s11;
	[tilespmem:s0+$0x180] =	vst v1;
	s0 =	simm.s32 $0x1C880  }
0xad: {  	[tilespmem:s21], [sflag:$0x2] =	stream.strided.gather [hbm4b:s10+s19], $0x2780, s20, s19, $0x38;
	[tilespmem:$0x1F980] =	vst v63  }
.LBB2_14:
0xae: {  	[hbm4b:s30+s1] =	stream.linear.scatter [tilespmem:s0], [sflag:$0x3], $0x80, $0x38;
	[tilespmem:$0x1F980] =	vst v63  }
0xaf: {  	s4 =	smov.u32 s28;
	s0 =	smov.u32 s29;
	p0 =	sne.s32 s28, $0xC00  }
.Ltmp6:
0xb0: {  	s28 =	sadd.s32 $0x80, s28;
	(pc) =	sbr.rel @p0 .LBB2_14-.Ltmp6, $2  }
0xb1: {  	_ =	sdelay $0x2  }
0xb2: {  	s29 =	sadd.s32 $0x200, s29;
	s30 =	sadd.s32 s4, s11  }
0xb3: {  	[hbm4b:s30+s1] =	stream.linear.scatter [tilespmem:s0], [sflag:$0x3], $0x80, $0x38;
	[tilespmem:$0x1F980] =	vst v63  }
0xb4: {  	s0 =	simm.s32 $0x1C900  }
0xb5: {  	s28 =	simm.s32 $0x80;
	s30 =	sadd.s32 $0x0, s12;
	s29 =	simm.s32 $0x1CB00  }
.LBB2_16:
0xb6: {  	[hbm4b:s30+s1] =	stream.linear.scatter [tilespmem:s0], [sflag:$0x3], $0x80, $0x38;
	[tilespmem:$0x1F980] =	vst v63  }
0xb7: {  	s4 =	smov.u32 s28;
	s0 =	smov.u32 s29;
	p0 =	sne.s32 s28, $0xC00  }
.Ltmp7:
0xb8: {  	s28 =	sadd.s32 $0x80, s28;
	(pc) =	sbr.rel @p0 .LBB2_16-.Ltmp7, $2  }
0xb9: {  	_ =	sdelay $0x2  }
0xba: {  	s29 =	sadd.s32 $0x200, s29;
	s30 =	sadd.s32 s4, s12  }
0xbb: {  	s28 =	simm.s32 $0x0  }
0xbc: {  	v1 =	vor.u32 s28, v0  }
0xbd: {  	v1 =	vand.u32 $0x3F, v1  }
0xbe: {  	[hbm4b:s30+s1] =	stream.linear.scatter [tilespmem:s0], [sflag:$0x3], $0x80, $0x38;
	v2 =	vmov s28;
	v1 =	vmul.u32 $0x32, v1;
	[tilespmem:$0x1F980] =	vst v63  }
0xbf: {  	_ =	swait.ge [sflag:s22], $0x18700;
	v2 =	vshrl.u32 v2, $0x6  }
0xc0: {  	[sflag:s22] =	ssyncset.done $0x0;
	v1 =	vadd.s32 v2, v1  }
0xc1: {  	[sflag:s22] =	ssyncadd.s32 $0xFFFE7900;
	v2 =	vshll.u32 v1, $0x1  }
0xc2: {  	_ =	swait.ge [sflag:s25], $0xC80;
	v1 =	vand.u32 $0x7F, v1;
	v2 =	vand.u32 $0x7FFFF00, v2  }
0xc3: {  	[sflag:s25] =	ssyncset.done $0x0;
	v1 =	vor.u32 v1, v2  }
0xc4: {  	[sflag:s25] =	ssyncadd.s32 $0xFFFFF380  }
0xc5: {  	_ =	swait.ge [sflag:s25], $0xC80  }
0xc6: {  	[sflag:s25] =	ssyncset.done $0x0  }
0xc7: {  	[sflag:s25] =	ssyncadd.s32 $0xFFFFF380  }
0xc8: {  	v2 =	vld.idx.msk [tilespmem:v1+s23+$0x0], $0xffff;
	_ =	sdelay $0x2  }
0xc9: {  	s4 =	simm.s32 $0x0  }
0xca: {  	s0 =	sand.u32 $0x70, s28;
	s4 =	sand.u32 $0x3FFFFF00, s4  }
0xcb: {  	s4 =	sor.u32 s0, s4  }
0xcc: {  	v1 =	vld [tilespmem:s4+$0x1AE80];
	_ =	sdelay $0x1  }
0xcd: {  	s29 =	simm.s32 $0x10;
	v2 =	vld.idx.msk [tilespmem:v2+s1+$0x0], $0xffff  }
0xce: {  	s30 =	simm.s32 $0x1;
	s31 =	simm.s32 $0x2;
	v3 =	vor.u32 s29, v0  }
.LBB2_18:
0xcf: {  	p0 =	sne.s32 s31, $0xC7;
	v3 =	vand.u32 $0x3F, v3;
	s4 =	sshll.u32 s28, $0x6;
	s28 =	smov.u32 s30  }
0xd0: {  	v4 =	vmov s29;
	s30 =	smov.u32 s31;
	v3 =	vmul.u32 $0x32, v3;
	s4 =	sand.u32 $0x3FFFFE00, s4  }
0xd1: {  	v4 =	vshrl.u32 v4, $0x6;
	s0 =	sor.u32 s0, s4  }
0xd2: {  	v3 =	vadd.s32 v4, v3;
	[tilespmem:s0+$0x1C780] =	vst v2  }
0xd3: {  	v2 =	vshll.u32 v3, $0x1;
	v1 =	vld.idx.msk [tilespmem:v1+s1+$0x0], $0xffff  }
0xd4: {  	v3 =	vand.u32 $0x7F, v3;
	v2 =	vand.u32 $0x7FFFF00, v2  }
0xd5: {  	v2 =	vor.u32 v3, v2;
	_ =	sdelay $0x2  }
0xd6: {  	s0 =	sadd.s32 $0x1C780, s0  }
0xd7: {  	[tilespmem:s0+$0x80] =	vst v1  }
0xd8: {  	v2 =	vld.idx.msk [tilespmem:v2+s23+$0x0], $0xffff;
	_ =	sdelay $0x3  }
0xd9: {  	s4 =	sshll.u32 s28, $0x5  }
0xda: {  	s4 =	sand.u32 $0x3FFFFF00, s4;
	s0 =	sand.u32 $0x70, s29  }
.Ltmp8:
0xdb: {  	s4 =	sor.u32 s0, s4;
	(pc) =	sbr.rel @p0 .LBB2_18-.Ltmp8, $4  }
0xdc: {  	v1 =	vld [tilespmem:s4+$0x1AE80]  }
0xdd: {  	v2 =	vld.idx.msk [tilespmem:v2+s1+$0x0], $0xffff  }
0xde: {  	s29 =	sadd.s32 $0x10, s29  }
0xdf: {  	s31 =	sadd.s32 $0x1, s31;
	v3 =	vor.u32 s29, v0  }
0xe0: {  	v3 =	vand.u32 $0x3F, v3  }
0xe1: {  	s4 =	sshll.u32 s28, $0x6;
	v4 =	vmov s29;
	v3 =	vmul.u32 $0x32, v3  }
0xe2: {  	s4 =	sand.u32 $0x3FFFFE00, s4;
	v4 =	vshrl.u32 v4, $0x6  }
0xe3: {  	s0 =	sor.u32 s0, s4;
	v3 =	vadd.s32 v4, v3  }
0xe4: {  	[tilespmem:s0+$0x1C780] =	vst v2;
	v2 =	vshll.u32 v3, $0x1  }
0xe5: {  	v1 =	vld.idx.msk [tilespmem:v1+s1+$0x0], $0xffff;
	v3 =	vand.u32 $0x7F, v3;
	v2 =	vand.u32 $0x7FFFF00, v2  }
0xe6: {  	v2 =	vor.u32 v3, v2;
	_ =	sdelay $0x2  }
0xe7: {  	s0 =	sadd.s32 $0x1C780, s0  }
0xe8: {  	[tilespmem:s0+$0x80] =	vst v1  }
0xe9: {  	v1 =	vld.idx.msk [tilespmem:v2+s23+$0x0], $0xffff;
	_ =	sdelay $0x2  }
0xea: {  	s31 =	sshll.u32 s30, $0x5  }
0xeb: {  	s4 =	sand.u32 $0x70, s29;
	s0 =	sand.u32 $0x3FFFFF00, s31  }
0xec: {  	s0 =	sor.u32 s4, s0  }
0xed: {  	v2 =	vld [tilespmem:s0+$0x1AE80];
	_ =	sdelay $0x1  }
0xee: {  	v1 =	vld.idx.msk [tilespmem:v1+s1+$0x0], $0xffff;
	_ =	sdelay $0x1  }
0xef: {  	s31 =	sshll.u32 s30, $0x6  }
0xf0: {  	s0 =	sand.u32 $0x3FFFFE00, s31  }
0xf1: {  	s0 =	sor.u32 s4, s0  }
0xf2: {  	[tilespmem:s0+$0x1C780] =	vst v1  }
0xf3: {  	v1 =	vld.idx.msk [tilespmem:v2+s1+$0x0], $0xffff;
	_ =	sdelay $0x3  }
0xf4: {  	s28 =	simm.s32 $0x80;
	s4 =	sadd.s32 $0x1C780, s0  }
0xf5: {  	s29 =	simm.s32 $0x1C980;
	s30 =	sadd.s32 $0x0, s13;
	s0 =	simm.s32 $0x1C780;
	[tilespmem:s4+$0x80] =	vst v1  }
.LBB2_20:
0xf6: {  	[hbm4b:s30+s1] =	stream.linear.scatter [tilespmem:s0], [sflag:$0x3], $0x80, $0x38;
	[tilespmem:$0x1F980] =	vst v63  }
0xf7: {  	s4 =	smov.u32 s28;
	s0 =	smov.u32 s29;
	p0 =	sne.s32 s28, $0xC00  }
.Ltmp9:
0xf8: {  	s28 =	sadd.s32 $0x80, s28;
	(pc) =	sbr.rel @p0 .LBB2_20-.Ltmp9, $2  }
0xf9: {  	_ =	sdelay $0x2  }
0xfa: {  	s29 =	sadd.s32 $0x200, s29;
	s30 =	sadd.s32 s4, s13  }
0xfb: {  	[hbm4b:s30+s1] =	stream.linear.scatter [tilespmem:s0], [sflag:$0x3], $0x80, $0x38;
	[tilespmem:$0x1F980] =	vst v63  }
0xfc: {  	s0 =	simm.s32 $0x1C800  }
0xfd: {  	s28 =	simm.s32 $0x80;
	s30 =	sadd.s32 $0x0, s14;
	s29 =	simm.s32 $0x1CA00  }
.LBB2_22:
0xfe: {  	[hbm4b:s30+s1] =	stream.linear.scatter [tilespmem:s0], [sflag:$0x3], $0x80, $0x38;
	[tilespmem:$0x1F980] =	vst v63  }
0xff: {  	s4 =	smov.u32 s28;
	s0 =	smov.u32 s29;
	p0 =	sne.s32 s28, $0xC00  }
.Ltmp10:
0x100: {  	s28 =	sadd.s32 $0x80, s28;
	(pc) =	sbr.rel @p0 .LBB2_22-.Ltmp10, $2  }
0x101: {  	_ =	sdelay $0x2  }
0x102: {  	s29 =	sadd.s32 $0x200, s29;
	s30 =	sadd.s32 s4, s14  }
0x103: {  	s28 =	simm.s32 $0x0  }
0x104: {  	v1 =	vor.u32 s28, v0  }
0x105: {  	v1 =	vand.u32 $0x3F, v1  }
0x106: {  	v2 =	vmov s28;
	v1 =	vmul.u32 $0x32, v1  }
0x107: {  	[hbm4b:s30+s1] =	stream.linear.scatter [tilespmem:s0], [sflag:$0x3], $0x80, $0x38;
	v2 =	vshrl.u32 v2, $0x6;
	[tilespmem:$0x1F980] =	vst v63  }
0x108: {  	_ =	swait.ge [sflag:s24], $0x2780;
	v1 =	vadd.s32 v2, v1  }
0x109: {  	[sflag:s24] =	ssyncset.done $0x0;
	v2 =	vshll.u32 v1, $0x1  }
0x10a: {  	[sflag:s24] =	ssyncadd.s32 $0xFFFFD880;
	v1 =	vand.u32 $0x7F, v1;
	v2 =	vand.u32 $0x7FFFF00, v2  }
0x10b: {  	_ =	swait.ge [sflag:s25], $0xC80;
	v1 =	vor.u32 v2, v1  }
0x10c: {  	[sflag:s25] =	ssyncset.done $0x0;
	v1 =	vor.u32 $0x80, v1  }
0x10d: {  	[sflag:s25] =	ssyncadd.s32 $0xFFFFF380  }
0x10e: {  	_ =	swait.ge [sflag:s25], $0xC80  }
0x10f: {  	[sflag:s25] =	ssyncset.done $0x0  }
0x110: {  	[sflag:s25] =	ssyncadd.s32 $0xFFFFF380  }
0x111: {  	v2 =	vld.idx.msk [tilespmem:v1+s23+$0x0], $0xffff;
	_ =	sdelay $0x2  }
0x112: {  	s4 =	simm.s32 $0x0  }
0x113: {  	s0 =	sand.u32 $0x70, s28;
	s4 =	sand.u32 $0x3FFFFF00, s4  }
0x114: {  	s4 =	sor.u32 s0, s4  }
0x115: {  	v1 =	vld [tilespmem:s4+$0x1AF00]  }
0x116: {  	s29 =	simm.s32 $0x10  }
0x117: {  	s30 =	simm.s32 $0x1;
	s31 =	simm.s32 $0x2;
	v3 =	vor.u32 s29, v0;
	v2 =	vld.idx.msk [tilespmem:v2+s21+$0x0], $0xffff  }
.LBB2_24:
0x118: {  	p0 =	sne.s32 s31, $0xC7;
	v3 =	vand.u32 $0x3F, v3;
	s4 =	sshll.u32 s28, $0x6;
	s28 =	smov.u32 s30  }
0x119: {  	v4 =	vmov s29;
	s30 =	smov.u32 s31;
	v3 =	vmul.u32 $0x32, v3;
	s4 =	sand.u32 $0x3FFFFE00, s4  }
0x11a: {  	v4 =	vshrl.u32 v4, $0x6;
	s0 =	sor.u32 s0, s4  }
0x11b: {  	v3 =	vadd.s32 v4, v3;
	s0 =	sadd.s32 $0x1C780, s0  }
0x11c: {  	v4 =	vshll.u32 v3, $0x1;
	[tilespmem:s0+$0x100] =	vst v2  }
0x11d: {  	v2 =	vand.u32 $0x7F, v3;
	v3 =	vand.u32 $0x7FFFF00, v4;
	v1 =	vld.idx.msk [tilespmem:v1+s21+$0x0], $0xffff  }
0x11e: {  	v2 =	vor.u32 v3, v2  }
0x11f: {  	v2 =	vor.u32 $0x80, v2;
	_ =	sdelay $0x3  }
0x120: {  	[tilespmem:s0+$0x180] =	vst v1  }
0x121: {  	v2 =	vld.idx.msk [tilespmem:v2+s23+$0x0], $0xffff;
	_ =	sdelay $0x3  }
0x122: {  	s4 =	sshll.u32 s28, $0x5  }
.Ltmp11:
0x123: {  	s4 =	sand.u32 $0x3FFFFF00, s4;
	s0 =	sand.u32 $0x70, s29;
	(pc) =	sbr.rel @p0 .LBB2_24-.Ltmp11, $4  }
0x124: {  	s4 =	sor.u32 s0, s4  }
0x125: {  	v1 =	vld [tilespmem:s4+$0x1AF00]  }
0x126: {  	s29 =	sadd.s32 $0x10, s29;
	v2 =	vld.idx.msk [tilespmem:v2+s21+$0x0], $0xffff  }
0x127: {  	s31 =	sadd.s32 $0x1, s31;
	v3 =	vor.u32 s29, v0  }
0x128: {  	v3 =	vand.u32 $0x3F, v3  }
0x129: {  	s4 =	sshll.u32 s28, $0x6;
	v4 =	vmov s29;
	v3 =	vmul.u32 $0x32, v3  }
0x12a: {  	s4 =	sand.u32 $0x3FFFFE00, s4;
	v4 =	vshrl.u32 v4, $0x6  }
0x12b: {  	s0 =	sor.u32 s0, s4;
	v3 =	vadd.s32 v4, v3  }
0x12c: {  	s0 =	sadd.s32 $0x1C780, s0;
	v4 =	vshll.u32 v3, $0x1  }
0x12d: {  	[tilespmem:s0+$0x100] =	vst v2;
	v2 =	vand.u32 $0x7F, v3;
	v3 =	vand.u32 $0x7FFFF00, v4  }
0x12e: {  	v1 =	vld.idx.msk [tilespmem:v1+s21+$0x0], $0xffff;
	v2 =	vor.u32 v3, v2  }
0x12f: {  	v2 =	vor.u32 $0x80, v2;
	_ =	sdelay $0x3  }
0x130: {  	[tilespmem:s0+$0x180] =	vst v1  }
0x131: {  	v1 =	vld.idx.msk [tilespmem:v2+s23+$0x0], $0xffff;
	_ =	sdelay $0x2  }
0x132: {  	s31 =	sshll.u32 s30, $0x5  }
0x133: {  	s4 =	sand.u32 $0x70, s29;
	s0 =	sand.u32 $0x3FFFFF00, s31  }
0x134: {  	s0 =	sor.u32 s4, s0  }
0x135: {  	v2 =	vld [tilespmem:s0+$0x1AF00];
	_ =	sdelay $0x1  }
0x136: {  	v1 =	vld.idx.msk [tilespmem:v1+s21+$0x0], $0xffff  }
0x137: {  	s31 =	sshll.u32 s30, $0x6  }
0x138: {  	s0 =	sand.u32 $0x3FFFFE00, s31  }
0x139: {  	s0 =	sor.u32 s4, s0  }
0x13a: {  	s4 =	sadd.s32 $0x1C780, s0  }
0x13b: {  	[tilespmem:s4+$0x100] =	vst v1  }
0x13c: {  	v1 =	vld.idx.msk [tilespmem:v2+s21+$0x0], $0xffff;
	_ =	sdelay $0x3  }
0x13d: {  	s28 =	simm.s32 $0x80  }
0x13e: {  	s29 =	simm.s32 $0x1CA80;
	s30 =	sadd.s32 $0x0, s15;
	s0 =	simm.s32 $0x1C880;
	[tilespmem:s4+$0x180] =	vst v1  }
.LBB2_26:
0x13f: {  	[hbm4b:s30+s1] =	stream.linear.scatter [tilespmem:s0], [sflag:$0x3], $0x80, $0x38;
	[tilespmem:$0x1F980] =	vst v63  }
0x140: {  	s4 =	smov.u32 s28;
	s0 =	smov.u32 s29;
	p0 =	sne.s32 s28, $0xC00  }
.Ltmp12:
0x141: {  	s28 =	sadd.s32 $0x80, s28;
	(pc) =	sbr.rel @p0 .LBB2_26-.Ltmp12, $2  }
0x142: {  	_ =	sdelay $0x2  }
0x143: {  	s29 =	sadd.s32 $0x200, s29;
	s30 =	sadd.s32 s4, s15  }
0x144: {  	[hbm4b:s30+s1] =	stream.linear.scatter [tilespmem:s0], [sflag:$0x3], $0x80, $0x38;
	[tilespmem:$0x1F980] =	vst v63  }
0x145: {  	s0 =	simm.s32 $0x1C900  }
0x146: {  	s28 =	simm.s32 $0x80;
	s30 =	sadd.s32 $0x0, s16;
	s29 =	simm.s32 $0x1CB00  }
.LBB2_28:
0x147: {  	[hbm4b:s30+s1] =	stream.linear.scatter [tilespmem:s0], [sflag:$0x3], $0x80, $0x38;
	[tilespmem:$0x1F980] =	vst v63  }
0x148: {  	s4 =	smov.u32 s28;
	s0 =	smov.u32 s29;
	p0 =	sne.s32 s28, $0xC00  }
.Ltmp13:
0x149: {  	s28 =	sadd.s32 $0x80, s28;
	(pc) =	sbr.rel @p0 .LBB2_28-.Ltmp13, $2  }
0x14a: {  	_ =	sdelay $0x2  }
0x14b: {  	s29 =	sadd.s32 $0x200, s29;
	s30 =	sadd.s32 s4, s16  }
0x14c: {  	[hbm4b:s30+s1] =	stream.linear.scatter [tilespmem:s0], [sflag:$0x3], $0x80, $0x38;
	[tilespmem:$0x1F980] =	vst v63  }
0x14d: {  	_ =	swait.ge [sflag:s25], $0xC80  }
0x14e: {  	[sflag:s25] =	ssyncset.done $0x0  }
0x14f: {  	[sflag:s25] =	ssyncadd.s32 $0xFFFFF380  }
0x150: {  	_ =	swait.ge [sflag:s25], $0xC80  }
0x151: {  	[sflag:s25] =	ssyncset.done $0x0  }
0x152: {  	s26 =	sadd.s32 $0x1, s26;
	[sflag:s25] =	ssyncadd.s32 $0xFFFFF380  }
0x153: {  	p0 =	sne.s32 s26, s17;
	_ =	swait.ge [sflag:s25], $0xC80  }
.Ltmp14:
0x154: {  	[sflag:s25] =	ssyncset.done $0x0;
	(pc) =	sbr.rel @p0 .LBB2_1-.Ltmp14, $4  }
0x155: {  	[sflag:s25] =	ssyncadd.s32 $0xFFFFF380  }
0x156: {  	_ =	swait.ge [sflag:s25], $0xC80  }
0x157: {  	[sflag:s25] =	ssyncset.done $0x0  }
0x158: {  	[sflag:s25] =	ssyncadd.s32 $0xFFFFF380  }
0x159: {  	_ =	sfence.sel $0x180000  }
0x15a: {  	[bflag:$0x0] =	sbarrier.arrive $0xFFFF  }
0x15b: {  	_ =	strace $0x90000047  }
0x15c: {  	s0 =	stileid.u32;
	[bflag:$0x2] =	sbarrier.arrive $0xFFFF  }
0x15d: {  	p0 =	sne.s32 s0, $0x0;
	s0 =	rddreg [dreg:$0x3]  }
0x15e: {  	s0 =	sadd.s32 @!p0 $0x100000, s0  }
0x15f: {  	[sflag:s0] =	ssyncadd.tile.s32 @!p0 $0x1;
	_ =	shalt  }
.Lfunc_end2:
_tile_overlayer_lowered:
.L_overlay_start_2:
0x160: {  	(tag) =	ssettag $0x2  }
0x161: {  	s0 =	rddreg [dreg:$0x0];
	s2 =	stileid.u32  }
0x162: {  	s1 =	rddreg [dreg:$0x1];
	p0 =	sne.s32 s2, $0x0  }
0x163: {  	s3 =	rddreg [dreg:$0x2];
	[bflag:$0x3] =	sbarrier.arrive $0xFFFF;
	s2 =	simm.s32 @!p0 $0x1C04  }
0x164: {  	[timem:s3], [sflag:s2] =	dma.local @!p0 [hbm:s0], s1  }
0x165: {  	s0 =	simm.s32 @!p0 $0x4  }
0x166: {  	_ =	swait.ge @!p0 [sflag:s0], s1  }
0x167: {  	s1 =	ssub.s32 @!p0 $0x0, s1;
	[sflag:s0] =	ssyncset.done @!p0 $0x0  }
0x168: {  	[sflag:s0] =	ssyncadd.s32 @!p0 s1  }
0x169: {  	[bflag:$0x3] =	sbarrier.arrive $0xFFFF  }
0x16a: {  	_ =	shalt  }

</sc_bundles>
